<compile_context>
chip_gen: v7x
topology: tpu7x:2x2x1
jax: 0.10.2.dev20260603
libtpu: 0.0.44.dev20260713+nightly
codegen_flags: <defaults>
</compile_context>

<pallas_src>
import functools

import jax
import jax.numpy as jnp
from jax import lax
from jax.experimental import pallas as pl
from jax.experimental.pallas import tpu as pltpu
from jax.experimental.pallas import tpu_sc as plsc

N = 10000
E = 320000
D = 128

NC = 2
NS = 16
NW = NC * NS
CH = 128
EPW = 10112
NCH = EPW // CH
EPAD = NW * EPW
SINK = N
NP = 10240
RPS = NP // NS
ZR = 64

R = 1024
G = NP // R


def _fill(buf, nrows, value):
    v = jnp.full((16,), value, jnp.float32)

    def row(r, _):
        for k in range(D // 16):
            buf[r, pl.ds(k * 16, 16)] = v
        return 0

    lax.fori_loop(0, nrows, row, 0)


def _mesh():
    return plsc.VectorSubcoreMesh(core_axis_name="c", subcore_axis_name="s",
                                  num_cores=NC, num_subcores=NS)


def _zero_shared(sh, zbuf, sid):
    _fill(zbuf, ZR, 0.0)

    def zcopy(j, _):
        pltpu.sync_copy(zbuf, sh.at[pl.ds(sid * RPS + j * ZR, ZR)])
        return 0

    lax.fori_loop(0, RPS // ZR, zcopy, 0)


@functools.cache
def _deg_kernel():
    return pl.kernel(
        _deg_body,
        out_type=jax.ShapeDtypeStruct((NC, NP, D), jnp.float32),
        mesh=_mesh(),
        scratch_types=[
            pltpu.VMEM((NCH, CH), jnp.int32),
            pltpu.VMEM((CH,), jnp.int32),
            pltpu.VMEM((CH,), jnp.int32),
            pltpu.VMEM((CH, D), jnp.float32),
            pltpu.VMEM((ZR, D), jnp.float32),
            pltpu.VMEM_SHARED((NP, D), jnp.float32),
        ],
    )


def _deg_body(dst_hbm, out_hbm, dst_all, dst_c0, dst_c1, ones_b, zbuf, deg_sh):
    cid = lax.axis_index("c")
    sid = lax.axis_index("s")
    w = cid * NS + sid
    _fill(ones_b, CH, 1.0)
    _fill(zbuf, ZR, 0.0)
    pltpu.sync_copy(dst_hbm.at[w], dst_all)

    def zcopy(j, _):
        pltpu.sync_copy(zbuf, deg_sh.at[pl.ds(sid * RPS + j * ZR, ZR)])
        return 0

    lax.fori_loop(0, RPS // ZR, zcopy, 0)

    def stage(j, dst_c):
        for k in range(CH // 16):
            dst_c[pl.ds(k * 16, 16)] = dst_all[j, pl.ds(k * 16, 16)]

    stage(0, dst_c0)
    plsc.subcore_barrier()

    def pair(i, _):
        j = 2 * i

        @pl.when(j < NCH)
        def _():
            stage(j + 1, dst_c1)
            pltpu.sync_copy(ones_b, deg_sh.at[dst_c0], add=True)

        @pl.when(j + 1 < NCH)
        def _():
            stage(j + 2, dst_c0)
            pltpu.sync_copy(ones_b, deg_sh.at[dst_c1], add=True)

        return 0

    lax.fori_loop(0, (NCH + 1) // 2, pair, 0)
    plsc.subcore_barrier()
    pltpu.sync_copy(deg_sh.at[pl.ds(sid * RPS, RPS)],
                    out_hbm.at[cid, pl.ds(sid * RPS, RPS)])


C0 = 93
C1 = 64
CM = max(C0, C1)


@functools.cache
def _seg_sum_kernel():
    return pl.kernel(
        _seg_sum_body,
        out_type=jax.ShapeDtypeStruct((NC, NP, D), jnp.float32),
        mesh=_mesh(),
        scratch_types=[
            pltpu.VMEM((CM, CH), jnp.int32),
            pltpu.VMEM((CM, CH), jnp.int32),
            pltpu.VMEM((CH,), jnp.int32),
            pltpu.VMEM((CH,), jnp.int32),
            pltpu.VMEM((CH,), jnp.int32),
            pltpu.VMEM((CH,), jnp.int32),
            pltpu.VMEM((CH, D), jnp.float32),
            pltpu.VMEM_SHARED((NP, D), jnp.float32),
            pltpu.SemaphoreType.DMA,
        ],
    )


def _seg_sum_body(g_hbm, src_hbm, dst_hbm, out_hbm,
                  src_all, dst_all, src_c0, src_c1, dst_c0, dst_c1,
                  rows, acc_sh, sem):
    cid = lax.axis_index("c")
    sid = lax.axis_index("s")
    w = cid * NS + sid
    _fill(rows, CH, 0.0)
    pltpu.sync_copy(src_hbm.at[w], src_all)
    pltpu.sync_copy(dst_hbm.at[w], dst_all)

    def zcopy(j, _):
        pltpu.sync_copy(rows, acc_sh.at[pl.ds(sid * RPS + j * CH, CH)])
        return 0

    lax.fori_loop(0, RPS // CH, zcopy, 0)

    def stage(j, src_c, dst_c):
        for k in range(CH // 16):
            src_c[pl.ds(k * 16, 16)] = src_all[j, pl.ds(k * 16, 16)]
            dst_c[pl.ds(k * 16, 16)] = dst_all[j, pl.ds(k * 16, 16)]

    stage(0, src_c0, dst_c0)
    plsc.subcore_barrier()

    nch = jnp.where(cid == 0, C0, C1)

    def pair(i, _):
        j = 2 * i
        @pl.when(j < nch)
        def _():
            pltpu.async_copy(g_hbm.at[src_c0], rows, sem)
            stage(j + 1, src_c1, dst_c1)
            pltpu.make_async_copy(g_hbm.at[src_c0], rows, sem).wait()
            pltpu.sync_copy(rows, acc_sh.at[dst_c0], add=True)

        @pl.when(j + 1 < nch)
        def _():
            pltpu.async_copy(g_hbm.at[src_c1], rows, sem)
            stage(j + 2, src_c0, dst_c0)
            pltpu.make_async_copy(g_hbm.at[src_c1], rows, sem).wait()
            pltpu.sync_copy(rows, acc_sh.at[dst_c1], add=True)

        return 0

    lax.fori_loop(0, (CM + 2) // 2, pair, 0)
    plsc.subcore_barrier()
    pltpu.sync_copy(acc_sh.at[pl.ds(sid * RPS, RPS)],
                    out_hbm.at[cid, pl.ds(sid * RPS, RPS)])


def _dis_block(deg_ref):
    return lax.rsqrt(deg_ref[0] + deg_ref[1] + 1.0)


def _tc1_body(x_ref, w_ref, deg_ref, g_ref):
    h = jnp.dot(x_ref[...], w_ref[...], preferred_element_type=jnp.float32)
    g_ref[...] = h * _dis_block(deg_ref)


def _tc2_body(acc_ref, g1_ref, w2_ref, b1_ref, deg_ref, g2_ref):
    dis = _dis_block(deg_ref)
    z = jnp.maximum(dis * (acc_ref[0] + acc_ref[1] + g1_ref[...]) + b1_ref[...], 0.0)
    h2 = jnp.dot(z, w2_ref[...], preferred_element_type=jnp.float32)
    g2_ref[...] = h2 * dis


def _tc3_body(acc_ref, g2_ref, b2_ref, deg_ref, z_ref, lsm_ref):
    dis = _dis_block(deg_ref)
    z = dis * (acc_ref[0] + acc_ref[1] + g2_ref[...]) + b2_ref[...]
    z_ref[...] = z
    m = jnp.max(z, axis=1, keepdims=True)
    lse = jnp.log(jnp.sum(jnp.exp(z - m), axis=1, keepdims=True)) + m
    lsm_ref[...] = z - lse


_row_spec = pl.BlockSpec((R, D), lambda i: (i, 0))
_acc_spec = pl.BlockSpec((NC, R, D), lambda i: (0, i, 0))
_w_spec = pl.BlockSpec((D, D), lambda i: (0, 0))
_b_spec = pl.BlockSpec((1, D), lambda i: (0, 0))

_tc1 = pl.pallas_call(
    _tc1_body,
    grid=(G,),
    in_specs=[_row_spec, _w_spec, _acc_spec],
    out_specs=_row_spec,
    out_shape=jax.ShapeDtypeStruct((NP, D), jnp.float32),
)

_tc2 = pl.pallas_call(
    _tc2_body,
    grid=(G,),
    in_specs=[_acc_spec, _row_spec, _w_spec, _b_spec, _acc_spec],
    out_specs=_row_spec,
    out_shape=jax.ShapeDtypeStruct((NP, D), jnp.float32),
)

_tc3 = pl.pallas_call(
    _tc3_body,
    grid=(G,),
    in_specs=[_acc_spec, _row_spec, _b_spec, _acc_spec],
    out_specs=(_row_spec, _row_spec),
    out_shape=(jax.ShapeDtypeStruct((NP, D), jnp.float32),
               jax.ShapeDtypeStruct((NP, D), jnp.float32)),
)


def _skew_split(arr, fill):
    asz = NS * C0 * CH
    blk0 = jnp.pad(arr[:asz].reshape(NS, C0, CH),
                   ((0, 0), (0, CM - C0), (0, 0)), constant_values=fill)
    per = (E - asz) // NS
    blk1 = jnp.pad(arr[asz:].reshape(NS, per),
                   ((0, 0), (0, C1 * CH - per)), constant_values=fill)
    blk1 = jnp.pad(blk1.reshape(NS, C1, CH),
                   ((0, 0), (0, CM - C1), (0, 0)), constant_values=fill)
    return jnp.concatenate([blk0, blk1])


def kernel(x, edge_index, W1, b1, W2, b2):
    pad = EPAD - E
    dst_r = jnp.concatenate(
        [edge_index[1], jnp.full((pad,), SINK, jnp.int32)]).reshape(NW, NCH, CH)
    src_s = _skew_split(edge_index[0], 0)
    dst_s = _skew_split(edge_index[1], SINK)
    xp = jnp.pad(x, ((0, NP - N), (0, 0)))

    degp = _deg_kernel()(dst_r)
    g1 = _tc1(xp, W1, degp)
    acc1 = _seg_sum_kernel()(g1, src_s, dst_s)
    g2 = _tc2(acc1, g1, W2, b1.reshape(1, D), degp)
    acc2 = _seg_sum_kernel()(g2, src_s, dst_s)
    z2, lsm = _tc3(acc2, g2, b2.reshape(1, D), degp)
    return (z2[:N], lsm[:N])

# --- scband reference (transcript-rebuilt; emitter-appended) ---
"""Pipeline reference for scband-even-lamer-gcn-73504070303821 (READ-ONLY COPY).

The authoritative reference and input builder live on the scoring server;
editing this copy changes nothing except your own understanding.
"""

import jax, jax.numpy as jnp
import numpy as np

N = 10000
E = 320000
DIN = 128
DH = 128
DOUT = 128


def gcn_conv(x, edge_index, W, b):
    n = x.shape[0]
    src = edge_index[0]
    dst = edge_index[1]
    # add self loops (PyG GCNConv default add_self_loops=True, fill_value=1)
    loop = jnp.arange(n, dtype=src.dtype)
    src = jnp.concatenate([src, loop])
    dst = jnp.concatenate([dst, loop])
    # symmetric normalization: deg computed on dst with unit edge weights
    deg = jnp.zeros((n,), dtype=x.dtype).at[dst].add(1.0)
    deg_inv_sqrt = jnp.where(deg > 0, deg ** -0.5, 0.0)
    norm = deg_inv_sqrt[src] * deg_inv_sqrt[dst]
    # linear transform (bias=False inside lin), then message passing
    h = x @ W
    msg = h[src] * norm[:, None]
    out = jnp.zeros((n, W.shape[1]), dtype=x.dtype).at[dst].add(msg)
    return out + b


def setup_inputs(seed: int = 0) -> dict:
    key = jax.random.key(seed)
    k1, k2, k3, k4, k5, k6 = jax.random.split(key, 6)
    x = jax.random.normal(k1, (N, DIN), dtype=jnp.float32)
    edge_index = jax.random.randint(k2, (2, E), 0, N, dtype=jnp.int32)
    W1 = jax.random.normal(k3, (DIN, DH), dtype=jnp.float32) * (1.0 / np.sqrt(DIN))
    b1 = jnp.zeros((DH,), dtype=jnp.float32)
    W2 = jax.random.normal(k4, (DH, DOUT), dtype=jnp.float32) * (1.0 / np.sqrt(DH))
    b2 = jnp.zeros((DOUT,), dtype=jnp.float32)
    return {"x": x, "edge_index": edge_index, "W1": W1, "b1": b1, "W2": W2, "b2": b2}


def reference(x, edge_index, W1, b1, W2, b2):
    h = gcn_conv(x, edge_index, W1, b1)
    h = jax.nn.relu(h)
    # dropout p=0.5 active only in training; reference runs in eval mode -> identity
    h2 = gcn_conv(h, edge_index, W2, b2)
    return (h2, jax.nn.log_softmax(h2, axis=1))

if __name__ == "__main__":
    import jax
    _d = setup_inputs()
    print(jax.jit(kernel)(*tuple(_d.values())))

</pallas_src>

<mosaic_0001>
#map = affine_map<(d0, d1) -> (0, 0, 0)>
module attributes {stable_mosaic.version = 14 : i64} {
  func.func @_deg_body(%arg0: i32, %arg1: i32, %arg2: memref<32x79x128xi32, #tpu.memory_space<hbm>>, %arg3: memref<2x10240x128xf32, #tpu.memory_space<hbm>>, %arg4: memref<79x128xi32, #tpu.memory_space<vmem>>, %arg5: memref<128xi32, #tpu.memory_space<vmem>>, %arg6: memref<128xi32, #tpu.memory_space<vmem>>, %arg7: memref<128x128xf32, #tpu.memory_space<vmem>>, %arg8: memref<64x128xf32, #tpu.memory_space<vmem>>, %arg9: memref<10240x128xf32, #tpu.memory_space<vmem_shared>>) attributes {dimension_semantics = [#tpu.dimension_semantics<core_parallel>, #tpu.dimension_semantics<subcore_parallel>], iteration_bounds = array<i64: 2, 16>, scalar_prefetch = 0 : i64, scratch_operands = 6 : i64, tpu.core_type = #tpu.core_type<sc_vector_subcore>, window_params = [{transform_indices = #map}, {transform_indices = #map}]} {
    %mul3A = arith.constant 16 : i32
    %mul3A_0 = arith.muli %arg0, %mul3A : i32
    %add3A = arith.addi %mul3A_0, %arg1 : i32
    %broadcast_in_dim3A = arith.constant 1.000000e+00 : f32
    %broadcast_in_dim3A_1 = vector.broadcast %broadcast_in_dim3A : f32 to vector<16xf32>
    %scan3A = arith.constant 0 : i32
    %scan3A_2 = arith.constant 0 : i32
    %scan3A_3 = arith.constant 128 : i32
    %scan3A_4 = arith.addi %scan3A_2, %scan3A_3 : i32
    %scan3A_5 = arith.constant 1 : i32
    %scan3A_6 = scf.for %scan3A_106 = %scan3A_2 to %scan3A_4 step %scan3A_5 iter_args(%scan3A_107 = %scan3A) -> (i32)  : i32 {
      %swap3A_108 = arith.index_cast %scan3A_106 : i32 to index
      %swap3A_109 = arith.constant 0 : index
      %swap3A_110 = tpu.vector_load %arg7[%swap3A_108, %swap3A_109] {strides = array<i32>} : memref<128x128xf32, #tpu.memory_space<vmem>>, vector<1x16xf32>,
      %swap3A_111 = vector.shape_cast %swap3A_110 : vector<1x16xf32> to vector<16xf32>
      %swap3A_112 = vector.shape_cast %broadcast_in_dim3A_1 : vector<16xf32> to vector<1x16xf32>
      tpu.vector_store %arg7[%swap3A_108, %swap3A_109], %swap3A_112 {strides = array<i32>} : memref<128x128xf32, #tpu.memory_space<vmem>>, vector<1x16xf32>,
      %swap3A_113 = arith.index_cast %scan3A_106 : i32 to index
      %swap3A_114 = arith.constant 16 : index
      %swap3A_115 = tpu.vector_load %arg7[%swap3A_113, %swap3A_114] {strides = array<i32>} : memref<128x128xf32, #tpu.memory_space<vmem>>, vector<1x16xf32>,
      %swap3A_116 = vector.shape_cast %swap3A_115 : vector<1x16xf32> to vector<16xf32>
      %swap3A_117 = vector.shape_cast %broadcast_in_dim3A_1 : vector<16xf32> to vector<1x16xf32>
      tpu.vector_store %arg7[%swap3A_113, %swap3A_114], %swap3A_117 {strides = array<i32>} : memref<128x128xf32, #tpu.memory_space<vmem>>, vector<1x16xf32>,
      %swap3A_118 = arith.index_cast %scan3A_106 : i32 to index
      %swap3A_119 = arith.constant 32 : index
      %swap3A_120 = tpu.vector_load %arg7[%swap3A_118, %swap3A_119] {strides = array<i32>} : memref<128x128xf32, #tpu.memory_space<vmem>>, vector<1x16xf32>,
      %swap3A_121 = vector.shape_cast %swap3A_120 : vector<1x16xf32> to vector<16xf32>
      %swap3A_122 = vector.shape_cast %broadcast_in_dim3A_1 : vector<16xf32> to vector<1x16xf32>
      tpu.vector_store %arg7[%swap3A_118, %swap3A_119], %swap3A_122 {strides = array<i32>} : memref<128x128xf32, #tpu.memory_space<vmem>>, vector<1x16xf32>,
      %swap3A_123 = arith.index_cast %scan3A_106 : i32 to index
      %swap3A_124 = arith.constant 48 : index
      %swap3A_125 = tpu.vector_load %arg7[%swap3A_123, %swap3A_124] {strides = array<i32>} : memref<128x128xf32, #tpu.memory_space<vmem>>, vector<1x16xf32>,
      %swap3A_126 = vector.shape_cast %swap3A_125 : vector<1x16xf32> to vector<16xf32>
      %swap3A_127 = vector.shape_cast %broadcast_in_dim3A_1 : vector<16xf32> to vector<1x16xf32>
      tpu.vector_store %arg7[%swap3A_123, %swap3A_124], %swap3A_127 {strides = array<i32>} : memref<128x128xf32, #tpu.memory_space<vmem>>, vector<1x16xf32>,
      %swap3A_128 = arith.index_cast %scan3A_106 : i32 to index
      %swap3A_129 = arith.constant 64 : index
      %swap3A_130 = tpu.vector_load %arg7[%swap3A_128, %swap3A_129] {strides = array<i32>} : memref<128x128xf32, #tpu.memory_space<vmem>>, vector<1x16xf32>,
      %swap3A_131 = vector.shape_cast %swap3A_130 : vector<1x16xf32> to vector<16xf32>
      %swap3A_132 = vector.shape_cast %broadcast_in_dim3A_1 : vector<16xf32> to vector<1x16xf32>
      tpu.vector_store %arg7[%swap3A_128, %swap3A_129], %swap3A_132 {strides = array<i32>} : memref<128x128xf32, #tpu.memory_space<vmem>>, vector<1x16xf32>,
      %swap3A_133 = arith.index_cast %scan3A_106 : i32 to index
      %swap3A_134 = arith.constant 80 : index
      %swap3A_135 = tpu.vector_load %arg7[%swap3A_133, %swap3A_134] {strides = array<i32>} : memref<128x128xf32, #tpu.memory_space<vmem>>, vector<1x16xf32>,
      %swap3A_136 = vector.shape_cast %swap3A_135 : vector<1x16xf32> to vector<16xf32>
      %swap3A_137 = vector.shape_cast %broadcast_in_dim3A_1 : vector<16xf32> to vector<1x16xf32>
      tpu.vector_store %arg7[%swap3A_133, %swap3A_134], %swap3A_137 {strides = array<i32>} : memref<128x128xf32, #tpu.memory_space<vmem>>, vector<1x16xf32>,
      %swap3A_138 = arith.index_cast %scan3A_106 : i32 to index
      %swap3A_139 = arith.constant 96 : index
      %swap3A_140 = tpu.vector_load %arg7[%swap3A_138, %swap3A_139] {strides = array<i32>} : memref<128x128xf32, #tpu.memory_space<vmem>>, vector<1x16xf32>,
      %swap3A_141 = vector.shape_cast %swap3A_140 : vector<1x16xf32> to vector<16xf32>
      %swap3A_142 = vector.shape_cast %broadcast_in_dim3A_1 : vector<16xf32> to vector<1x16xf32>
      tpu.vector_store %arg7[%swap3A_138, %swap3A_139], %swap3A_142 {strides = array<i32>} : memref<128x128xf32, #tpu.memory_space<vmem>>, vector<1x16xf32>,
      %swap3A_143 = arith.index_cast %scan3A_106 : i32 to index
      %swap3A_144 = arith.constant 112 : index
      %swap3A_145 = tpu.vector_load %arg7[%swap3A_143, %swap3A_144] {strides = array<i32>} : memref<128x128xf32, #tpu.memory_space<vmem>>, vector<1x16xf32>,
      %swap3A_146 = vector.shape_cast %swap3A_145 : vector<1x16xf32> to vector<16xf32>
      %swap3A_147 = vector.shape_cast %broadcast_in_dim3A_1 : vector<16xf32> to vector<1x16xf32>
      tpu.vector_store %arg7[%swap3A_143, %swap3A_144], %swap3A_147 {strides = array<i32>} : memref<128x128xf32, #tpu.memory_space<vmem>>, vector<1x16xf32>,
      %scan3A_148 = arith.constant 0 : i32
      scf.yield %scan3A_148 : i32
    }
    %scan3A_7 = arith.constant 128 : i32
    %broadcast_in_dim3A_8 = arith.constant 0.000000e+00 : f32
    %broadcast_in_dim3A_9 = vector.broadcast %broadcast_in_dim3A_8 : f32 to vector<16xf32>
    %scan3A_10 = arith.constant 0 : i32
    %scan3A_11 = arith.constant 0 : i32
    %scan3A_12 = arith.constant 64 : i32
    %scan3A_13 = arith.addi %scan3A_11, %scan3A_12 : i32
    %scan3A_14 = arith.constant 1 : i32
    %scan3A_15 = scf.for %scan3A_106 = %scan3A_11 to %scan3A_13 step %scan3A_14 iter_args(%scan3A_107 = %scan3A_10) -> (i32)  : i32 {
      %swap3A_108 = arith.index_cast %scan3A_106 : i32 to index
      %swap3A_109 = arith.constant 0 : index
      %swap3A_110 = tpu.vector_load %arg8[%swap3A_108, %swap3A_109] {strides = array<i32>} : memref<64x128xf32, #tpu.memory_space<vmem>>, vector<1x16xf32>,
      %swap3A_111 = vector.shape_cast %swap3A_110 : vector<1x16xf32> to vector<16xf32>
      %swap3A_112 = vector.shape_cast %broadcast_in_dim3A_9 : vector<16xf32> to vector<1x16xf32>
      tpu.vector_store %arg8[%swap3A_108, %swap3A_109], %swap3A_112 {strides = array<i32>} : memref<64x128xf32, #tpu.memory_space<vmem>>, vector<1x16xf32>,
      %swap3A_113 = arith.index_cast %scan3A_106 : i32 to index
      %swap3A_114 = arith.constant 16 : index
      %swap3A_115 = tpu.vector_load %arg8[%swap3A_113, %swap3A_114] {strides = array<i32>} : memref<64x128xf32, #tpu.memory_space<vmem>>, vector<1x16xf32>,
      %swap3A_116 = vector.shape_cast %swap3A_115 : vector<1x16xf32> to vector<16xf32>
      %swap3A_117 = vector.shape_cast %broadcast_in_dim3A_9 : vector<16xf32> to vector<1x16xf32>
      tpu.vector_store %arg8[%swap3A_113, %swap3A_114], %swap3A_117 {strides = array<i32>} : memref<64x128xf32, #tpu.memory_space<vmem>>, vector<1x16xf32>,
      %swap3A_118 = arith.index_cast %scan3A_106 : i32 to index
      %swap3A_119 = arith.constant 32 : index
      %swap3A_120 = tpu.vector_load %arg8[%swap3A_118, %swap3A_119] {strides = array<i32>} : memref<64x128xf32, #tpu.memory_space<vmem>>, vector<1x16xf32>,
      %swap3A_121 = vector.shape_cast %swap3A_120 : vector<1x16xf32> to vector<16xf32>
      %swap3A_122 = vector.shape_cast %broadcast_in_dim3A_9 : vector<16xf32> to vector<1x16xf32>
      tpu.vector_store %arg8[%swap3A_118, %swap3A_119], %swap3A_122 {strides = array<i32>} : memref<64x128xf32, #tpu.memory_space<vmem>>, vector<1x16xf32>,
      %swap3A_123 = arith.index_cast %scan3A_106 : i32 to index
      %swap3A_124 = arith.constant 48 : index
      %swap3A_125 = tpu.vector_load %arg8[%swap3A_123, %swap3A_124] {strides = array<i32>} : memref<64x128xf32, #tpu.memory_space<vmem>>, vector<1x16xf32>,
      %swap3A_126 = vector.shape_cast %swap3A_125 : vector<1x16xf32> to vector<16xf32>
      %swap3A_127 = vector.shape_cast %broadcast_in_dim3A_9 : vector<16xf32> to vector<1x16xf32>
      tpu.vector_store %arg8[%swap3A_123, %swap3A_124], %swap3A_127 {strides = array<i32>} : memref<64x128xf32, #tpu.memory_space<vmem>>, vector<1x16xf32>,
      %swap3A_128 = arith.index_cast %scan3A_106 : i32 to index
      %swap3A_129 = arith.constant 64 : index
      %swap3A_130 = tpu.vector_load %arg8[%swap3A_128, %swap3A_129] {strides = array<i32>} : memref<64x128xf32, #tpu.memory_space<vmem>>, vector<1x16xf32>,
      %swap3A_131 = vector.shape_cast %swap3A_130 : vector<1x16xf32> to vector<16xf32>
      %swap3A_132 = vector.shape_cast %broadcast_in_dim3A_9 : vector<16xf32> to vector<1x16xf32>
      tpu.vector_store %arg8[%swap3A_128, %swap3A_129], %swap3A_132 {strides = array<i32>} : memref<64x128xf32, #tpu.memory_space<vmem>>, vector<1x16xf32>,
      %swap3A_133 = arith.index_cast %scan3A_106 : i32 to index
      %swap3A_134 = arith.constant 80 : index
      %swap3A_135 = tpu.vector_load %arg8[%swap3A_133, %swap3A_134] {strides = array<i32>} : memref<64x128xf32, #tpu.memory_space<vmem>>, vector<1x16xf32>,
      %swap3A_136 = vector.shape_cast %swap3A_135 : vector<1x16xf32> to vector<16xf32>
      %swap3A_137 = vector.shape_cast %broadcast_in_dim3A_9 : vector<16xf32> to vector<1x16xf32>
      tpu.vector_store %arg8[%swap3A_133, %swap3A_134], %swap3A_137 {strides = array<i32>} : memref<64x128xf32, #tpu.memory_space<vmem>>, vector<1x16xf32>,
      %swap3A_138 = arith.index_cast %scan3A_106 : i32 to index
      %swap3A_139 = arith.constant 96 : index
      %swap3A_140 = tpu.vector_load %arg8[%swap3A_138, %swap3A_139] {strides = array<i32>} : memref<64x128xf32, #tpu.memory_space<vmem>>, vector<1x16xf32>,
      %swap3A_141 = vector.shape_cast %swap3A_140 : vector<1x16xf32> to vector<16xf32>
      %swap3A_142 = vector.shape_cast %broadcast_in_dim3A_9 : vector<16xf32> to vector<1x16xf32>
      tpu.vector_store %arg8[%swap3A_138, %swap3A_139], %swap3A_142 {strides = array<i32>} : memref<64x128xf32, #tpu.memory_space<vmem>>, vector<1x16xf32>,
      %swap3A_143 = arith.index_cast %scan3A_106 : i32 to index
      %swap3A_144 = arith.constant 112 : index
      %swap3A_145 = tpu.vector_load %arg8[%swap3A_143, %swap3A_144] {strides = array<i32>} : memref<64x128xf32, #tpu.memory_space<vmem>>, vector<1x16xf32>,
      %swap3A_146 = vector.shape_cast %swap3A_145 : vector<1x16xf32> to vector<16xf32>
      %swap3A_147 = vector.shape_cast %broadcast_in_dim3A_9 : vector<16xf32> to vector<1x16xf32>
      tpu.vector_store %arg8[%swap3A_143, %swap3A_144], %swap3A_147 {strides = array<i32>} : memref<64x128xf32, #tpu.memory_space<vmem>>, vector<1x16xf32>,
      %scan3A_148 = arith.constant 0 : i32
      scf.yield %scan3A_148 : i32
    }
    %scan3A_16 = arith.constant 64 : i32
    "tpu.region"() ({
      %run_scoped3A = tpu.sem_alloc : memref<!tpu.dma_semaphore, #tpu.memory_space<semaphore_mem>>
      %dma_start3A = arith.constant 0 : i32
      %dma_start3A_106 = arith.constant 0 : i32
      %dma_start3A_107 = tpu.memref_slice %arg2[%add3A, %dma_start3A, %dma_start3A_106] : memref<32x79x128xi32, #tpu.memory_space<hbm>> -> memref<1x79x128xi32, #tpu.memory_space<hbm>>
      %dma_start3A_108 = tpu.memref_squeeze %dma_start3A_107 : memref<1x79x128xi32, #tpu.memory_space<hbm>> -> memref<79x128xi32, #tpu.memory_space<hbm>>
      %dma_start3A_109 = arith.constant 0 : i32
      %dma_start3A_110 = arith.constant 0 : i32
      %dma_start3A_111 = tpu.memref_slice %arg2[%add3A, %dma_start3A_109, %dma_start3A_110] : memref<32x79x128xi32, #tpu.memory_space<hbm>> -> memref<1x79x128xi32, #tpu.memory_space<hbm>>
      %dma_start3A_112 = tpu.memref_squeeze %dma_start3A_111 : memref<1x79x128xi32, #tpu.memory_space<hbm>> -> memref<79x128xi32, #tpu.memory_space<hbm>>
      tpu.enqueue_dma source(%dma_start3A_112 : memref<79x128xi32, #tpu.memory_space<hbm>>) target(%arg4 : memref<79x128xi32, #tpu.memory_space<vmem>>) target_semaphore(%run_scoped3A : memref<!tpu.dma_semaphore, #tpu.memory_space<semaphore_mem>>)
      %dma_wait3A = arith.constant 0 : i32
      %dma_wait3A_113 = arith.constant 0 : i32
      %dma_wait3A_114 = tpu.memref_slice %arg2[%add3A, %dma_wait3A, %dma_wait3A_113] : memref<32x79x128xi32, #tpu.memory_space<hbm>> -> memref<1x79x128xi32, #tpu.memory_space<hbm>>
      %dma_wait3A_115 = tpu.memref_squeeze %dma_wait3A_114 : memref<1x79x128xi32, #tpu.memory_space<hbm>> -> memref<79x128xi32, #tpu.memory_space<hbm>>
      %dma_wait3A_116 = arith.constant 0 : i32
      %dma_wait3A_117 = arith.constant 0 : i32
      %dma_wait3A_118 = tpu.memref_slice %arg2[%add3A, %dma_wait3A_116, %dma_wait3A_117] : memref<32x79x128xi32, #tpu.memory_space<hbm>> -> memref<1x79x128xi32, #tpu.memory_space<hbm>>
      %dma_wait3A_119 = tpu.memref_squeeze %dma_wait3A_118 : memref<1x79x128xi32, #tpu.memory_space<hbm>> -> memref<79x128xi32, #tpu.memory_space<hbm>>
      tpu.wait_dma2 semaphore(%run_scoped3A : memref<!tpu.dma_semaphore, #tpu.memory_space<semaphore_mem>>) src(%dma_wait3A_119 : memref<79x128xi32, #tpu.memory_space<hbm>>) dst(%arg4 : memref<79x128xi32, #tpu.memory_space<vmem>>)
      tpu.yield
    }) : () -> ()
    %scan3A_17 = arith.constant 0 : i32
    %scan3A_18 = arith.constant 0 : i32
    %scan3A_19 = arith.constant 10 : i32
    %scan3A_20 = arith.addi %scan3A_18, %scan3A_19 : i32
    %scan3A_21 = arith.constant 1 : i32
    %scan3A_22 = scf.for %scan3A_106 = %scan3A_18 to %scan3A_20 step %scan3A_21 iter_args(%scan3A_107 = %scan3A_17) -> (i32)  : i32 {
      %mul3A_108 = arith.constant 640 : i32
      %mul3A_109 = arith.muli %arg1, %mul3A_108 : i32
      %mul3A_110 = arith.constant 64 : i32
      %mul3A_111 = arith.muli %scan3A_106, %mul3A_110 : i32
      %add3A_112 = arith.addi %mul3A_109, %mul3A_111 : i32
      "tpu.region"() ({
        %run_scoped3A = tpu.sem_alloc : memref<!tpu.dma_semaphore, #tpu.memory_space<semaphore_mem>>
        %dma_start3A = arith.constant 0 : i32
        %dma_start3A_114 = tpu.memref_slice %arg9[%add3A_112, %dma_start3A] : memref<10240x128xf32, #tpu.memory_space<vmem_shared>> -> memref<64x128xf32, #tpu.memory_space<vmem_shared>>
        %dma_start3A_115 = arith.constant 0 : i32
        %dma_start3A_116 = tpu.memref_slice %arg9[%add3A_112, %dma_start3A_115] : memref<10240x128xf32, #tpu.memory_space<vmem_shared>> -> memref<64x128xf32, #tpu.memory_space<vmem_shared>>
        tpu.enqueue_dma source(%arg8 : memref<64x128xf32, #tpu.memory_space<vmem>>) target(%dma_start3A_116 : memref<64x128xf32, #tpu.memory_space<vmem_shared>>) target_semaphore(%run_scoped3A : memref<!tpu.dma_semaphore, #tpu.memory_space<semaphore_mem>>)
        %dma_wait3A = arith.constant 0 : i32
        %dma_wait3A_117 = tpu.memref_slice %arg9[%add3A_112, %dma_wait3A] : memref<10240x128xf32, #tpu.memory_space<vmem_shared>> -> memref<64x128xf32, #tpu.memory_space<vmem_shared>>
        %dma_wait3A_118 = arith.constant 0 : i32
        %dma_wait3A_119 = tpu.memref_slice %arg9[%add3A_112, %dma_wait3A_118] : memref<10240x128xf32, #tpu.memory_space<vmem_shared>> -> memref<64x128xf32, #tpu.memory_space<vmem_shared>>
        tpu.wait_dma2 semaphore(%run_scoped3A : memref<!tpu.dma_semaphore, #tpu.memory_space<semaphore_mem>>) src(%arg8 : memref<64x128xf32, #tpu.memory_space<vmem>>) dst(%dma_wait3A_119 : memref<64x128xf32, #tpu.memory_space<vmem_shared>>)
        tpu.yield
      }) : () -> ()
      %scan3A_113 = arith.constant 0 : i32
      scf.yield %scan3A_113 : i32
    }
    %scan3A_23 = arith.constant 10 : i32
    %get3A = arith.constant 0 : i32
    %get3A_24 = arith.index_cast %get3A : i32 to index
    %get3A_25 = arith.constant 0 : index
    %get3A_26 = tpu.vector_load %arg4[%get3A_24, %get3A_25] {strides = array<i32>} : memref<79x128xi32, #tpu.memory_space<vmem>>, vector<1x16xi32>,
    %get3A_27 = vector.shape_cast %get3A_26 : vector<1x16xi32> to vector<16xi32>
    %swap3A = arith.constant 0 : index
    %swap3A_28 = tpu.vector_load %arg5[%swap3A] {strides = array<i32>} : memref<128xi32, #tpu.memory_space<vmem>>, vector<16xi32>,
    %swap3A_29 = vector.shape_cast %swap3A_28 : vector<16xi32> to vector<16xi32>
    %swap3A_30 = vector.shape_cast %get3A_27 : vector<16xi32> to vector<16xi32>
    tpu.vector_store %arg5[%swap3A], %swap3A_30 {strides = array<i32>} : memref<128xi32, #tpu.memory_space<vmem>>, vector<16xi32>,
    %get3A_31 = arith.constant 0 : i32
    %get3A_32 = arith.index_cast %get3A_31 : i32 to index
    %get3A_33 = arith.constant 16 : index
    %get3A_34 = tpu.vector_load %arg4[%get3A_32, %get3A_33] {strides = array<i32>} : memref<79x128xi32, #tpu.memory_space<vmem>>, vector<1x16xi32>,
    %get3A_35 = vector.shape_cast %get3A_34 : vector<1x16xi32> to vector<16xi32>
    %swap3A_36 = arith.constant 16 : index
    %swap3A_37 = tpu.vector_load %arg5[%swap3A_36] {strides = array<i32>} : memref<128xi32, #tpu.memory_space<vmem>>, vector<16xi32>,
    %swap3A_38 = vector.shape_cast %swap3A_37 : vector<16xi32> to vector<16xi32>
    %swap3A_39 = vector.shape_cast %get3A_35 : vector<16xi32> to vector<16xi32>
    tpu.vector_store %arg5[%swap3A_36], %swap3A_39 {strides = array<i32>} : memref<128xi32, #tpu.memory_space<vmem>>, vector<16xi32>,
    %get3A_40 = arith.constant 0 : i32
    %get3A_41 = arith.index_cast %get3A_40 : i32 to index
    %get3A_42 = arith.constant 32 : index
    %get3A_43 = tpu.vector_load %arg4[%get3A_41, %get3A_42] {strides = array<i32>} : memref<79x128xi32, #tpu.memory_space<vmem>>, vector<1x16xi32>,
    %get3A_44 = vector.shape_cast %get3A_43 : vector<1x16xi32> to vector<16xi32>
    %swap3A_45 = arith.constant 32 : index
    %swap3A_46 = tpu.vector_load %arg5[%swap3A_45] {strides = array<i32>} : memref<128xi32, #tpu.memory_space<vmem>>, vector<16xi32>,
    %swap3A_47 = vector.shape_cast %swap3A_46 : vector<16xi32> to vector<16xi32>
    %swap3A_48 = vector.shape_cast %get3A_44 : vector<16xi32> to vector<16xi32>
    tpu.vector_store %arg5[%swap3A_45], %swap3A_48 {strides = array<i32>} : memref<128xi32, #tpu.memory_space<vmem>>, vector<16xi32>,
    %get3A_49 = arith.constant 0 : i32
    %get3A_50 = arith.index_cast %get3A_49 : i32 to index
    %get3A_51 = arith.constant 48 : index
    %get3A_52 = tpu.vector_load %arg4[%get3A_50, %get3A_51] {strides = array<i32>} : memref<79x128xi32, #tpu.memory_space<vmem>>, vector<1x16xi32>,
    %get3A_53 = vector.shape_cast %get3A_52 : vector<1x16xi32> to vector<16xi32>
    %swap3A_54 = arith.constant 48 : index
    %swap3A_55 = tpu.vector_load %arg5[%swap3A_54] {strides = array<i32>} : memref<128xi32, #tpu.memory_space<vmem>>, vector<16xi32>,
    %swap3A_56 = vector.shape_cast %swap3A_55 : vector<16xi32> to vector<16xi32>
    %swap3A_57 = vector.shape_cast %get3A_53 : vector<16xi32> to vector<16xi32>
    tpu.vector_store %arg5[%swap3A_54], %swap3A_57 {strides = array<i32>} : memref<128xi32, #tpu.memory_space<vmem>>, vector<16xi32>,
    %get3A_58 = arith.constant 0 : i32
    %get3A_59 = arith.index_cast %get3A_58 : i32 to index
    %get3A_60 = arith.constant 64 : index
    %get3A_61 = tpu.vector_load %arg4[%get3A_59, %get3A_60] {strides = array<i32>} : memref<79x128xi32, #tpu.memory_space<vmem>>, vector<1x16xi32>,
    %get3A_62 = vector.shape_cast %get3A_61 : vector<1x16xi32> to vector<16xi32>
    %swap3A_63 = arith.constant 64 : index
    %swap3A_64 = tpu.vector_load %arg5[%swap3A_63] {strides = array<i32>} : memref<128xi32, #tpu.memory_space<vmem>>, vector<16xi32>,
    %swap3A_65 = vector.shape_cast %swap3A_64 : vector<16xi32> to vector<16xi32>
    %swap3A_66 = vector.shape_cast %get3A_62 : vector<16xi32> to vector<16xi32>
    tpu.vector_store %arg5[%swap3A_63], %swap3A_66 {strides = array<i32>} : memref<128xi32, #tpu.memory_space<vmem>>, vector<16xi32>,
    %get3A_67 = arith.constant 0 : i32
    %get3A_68 = arith.index_cast %get3A_67 : i32 to index
    %get3A_69 = arith.constant 80 : index
    %get3A_70 = tpu.vector_load %arg4[%get3A_68, %get3A_69] {strides = array<i32>} : memref<79x128xi32, #tpu.memory_space<vmem>>, vector<1x16xi32>,
    %get3A_71 = vector.shape_cast %get3A_70 : vector<1x16xi32> to vector<16xi32>
    %swap3A_72 = arith.constant 80 : index
    %swap3A_73 = tpu.vector_load %arg5[%swap3A_72] {strides = array<i32>} : memref<128xi32, #tpu.memory_space<vmem>>, vector<16xi32>,
    %swap3A_74 = vector.shape_cast %swap3A_73 : vector<16xi32> to vector<16xi32>
    %swap3A_75 = vector.shape_cast %get3A_71 : vector<16xi32> to vector<16xi32>
    tpu.vector_store %arg5[%swap3A_72], %swap3A_75 {strides = array<i32>} : memref<128xi32, #tpu.memory_space<vmem>>, vector<16xi32>,
    %get3A_76 = arith.constant 0 : i32
    %get3A_77 = arith.index_cast %get3A_76 : i32 to index
    %get3A_78 = arith.constant 96 : index
    %get3A_79 = tpu.vector_load %arg4[%get3A_77, %get3A_78] {strides = array<i32>} : memref<79x128xi32, #tpu.memory_space<vmem>>, vector<1x16xi32>,
    %get3A_80 = vector.shape_cast %get3A_79 : vector<1x16xi32> to vector<16xi32>
    %swap3A_81 = arith.constant 96 : index
    %swap3A_82 = tpu.vector_load %arg5[%swap3A_81] {strides = array<i32>} : memref<128xi32, #tpu.memory_space<vmem>>, vector<16xi32>,
    %swap3A_83 = vector.shape_cast %swap3A_82 : vector<16xi32> to vector<16xi32>
    %swap3A_84 = vector.shape_cast %get3A_80 : vector<16xi32> to vector<16xi32>
    tpu.vector_store %arg5[%swap3A_81], %swap3A_84 {strides = array<i32>} : memref<128xi32, #tpu.memory_space<vmem>>, vector<16xi32>,
    %get3A_85 = arith.constant 0 : i32
    %get3A_86 = arith.index_cast %get3A_85 : i32 to index
    %get3A_87 = arith.constant 112 : index
    %get3A_88 = tpu.vector_load %arg4[%get3A_86, %get3A_87] {strides = array<i32>} : memref<79x128xi32, #tpu.memory_space<vmem>>, vector<1x16xi32>,
    %get3A_89 = vector.shape_cast %get3A_88 : vector<1x16xi32> to vector<16xi32>
    %swap3A_90 = arith.constant 112 : index
    %swap3A_91 = tpu.vector_load %arg5[%swap3A_90] {strides = array<i32>} : memref<128xi32, #tpu.memory_space<vmem>>, vector<16xi32>,
    %swap3A_92 = vector.shape_cast %swap3A_91 : vector<16xi32> to vector<16xi32>
    %swap3A_93 = vector.shape_cast %get3A_89 : vector<16xi32> to vector<16xi32>
    tpu.vector_store %arg5[%swap3A_90], %swap3A_93 {strides = array<i32>} : memref<128xi32, #tpu.memory_space<vmem>>, vector<16xi32>,
    %barrier3A = arith.constant 0 : index
    tpu.barrier barrier_id(%barrier3A)
    %scan3A_94 = arith.constant 0 : i32
    %scan3A_95 = arith.constant 0 : i32
    %scan3A_96 = arith.constant 40 : i32
    %scan3A_97 = arith.addi %scan3A_95, %scan3A_96 : i32
    %scan3A_98 = arith.constant 1 : i32
    %scan3A_99 = scf.for %scan3A_106 = %scan3A_95 to %scan3A_97 step %scan3A_98 iter_args(%scan3A_107 = %scan3A_94) -> (i32)  : i32 {
      %mul3A_108 = arith.constant 2 : i32
      %mul3A_109 = arith.muli %mul3A_108, %scan3A_106 : i32
      %lt3A = arith.constant 79 : i32
      %lt3A_110 = arith.cmpi slt, %mul3A_109, %lt3A : i32
      %convert_element_type3A = arith.extui %lt3A_110 : i1 to i32
      %cond3A = arith.constant 0 : i32
      %cond3A_111 = arith.cmpi ne, %convert_element_type3A, %cond3A : i32
      scf.if %cond3A_111 {
        %add3A_120 = arith.constant 1 : i32
        %add3A_121 = arith.addi %mul3A_109, %add3A_120 : i32
        %get3A_122 = arith.index_cast %add3A_121 : i32 to index
        %get3A_123 = arith.constant 0 : index
        %get3A_124 = tpu.vector_load %arg4[%get3A_122, %get3A_123] {strides = array<i32>} : memref<79x128xi32, #tpu.memory_space<vmem>>, vector<1x16xi32>,
        %get3A_125 = vector.shape_cast %get3A_124 : vector<1x16xi32> to vector<16xi32>
        %swap3A_126 = arith.constant 0 : index
        %swap3A_127 = tpu.vector_load %arg6[%swap3A_126] {strides = array<i32>} : memref<128xi32, #tpu.memory_space<vmem>>, vector<16xi32>,
        %swap3A_128 = vector.shape_cast %swap3A_127 : vector<16xi32> to vector<16xi32>
        %swap3A_129 = vector.shape_cast %get3A_125 : vector<16xi32> to vector<16xi32>
        tpu.vector_store %arg6[%swap3A_126], %swap3A_129 {strides = array<i32>} : memref<128xi32, #tpu.memory_space<vmem>>, vector<16xi32>,
        %get3A_130 = arith.index_cast %add3A_121 : i32 to index
        %get3A_131 = arith.constant 16 : index
        %get3A_132 = tpu.vector_load %arg4[%get3A_130, %get3A_131] {strides = array<i32>} : memref<79x128xi32, #tpu.memory_space<vmem>>, vector<1x16xi32>,
        %get3A_133 = vector.shape_cast %get3A_132 : vector<1x16xi32> to vector<16xi32>
        %swap3A_134 = arith.constant 16 : index
        %swap3A_135 = tpu.vector_load %arg6[%swap3A_134] {strides = array<i32>} : memref<128xi32, #tpu.memory_space<vmem>>, vector<16xi32>,
        %swap3A_136 = vector.shape_cast %swap3A_135 : vector<16xi32> to vector<16xi32>
        %swap3A_137 = vector.shape_cast %get3A_133 : vector<16xi32> to vector<16xi32>
        tpu.vector_store %arg6[%swap3A_134], %swap3A_137 {strides = array<i32>} : memref<128xi32, #tpu.memory_space<vmem>>, vector<16xi32>,
        %get3A_138 = arith.index_cast %add3A_121 : i32 to index
        %get3A_139 = arith.constant 32 : index
        %get3A_140 = tpu.vector_load %arg4[%get3A_138, %get3A_139] {strides = array<i32>} : memref<79x128xi32, #tpu.memory_space<vmem>>, vector<1x16xi32>,
        %get3A_141 = vector.shape_cast %get3A_140 : vector<1x16xi32> to vector<16xi32>
        %swap3A_142 = arith.constant 32 : index
        %swap3A_143 = tpu.vector_load %arg6[%swap3A_142] {strides = array<i32>} : memref<128xi32, #tpu.memory_space<vmem>>, vector<16xi32>,
        %swap3A_144 = vector.shape_cast %swap3A_143 : vector<16xi32> to vector<16xi32>
        %swap3A_145 = vector.shape_cast %get3A_141 : vector<16xi32> to vector<16xi32>
        tpu.vector_store %arg6[%swap3A_142], %swap3A_145 {strides = array<i32>} : memref<128xi32, #tpu.memory_space<vmem>>, vector<16xi32>,
        %get3A_146 = arith.index_cast %add3A_121 : i32 to index
        %get3A_147 = arith.constant 48 : index
        %get3A_148 = tpu.vector_load %arg4[%get3A_146, %get3A_147] {strides = array<i32>} : memref<79x128xi32, #tpu.memory_space<vmem>>, vector<1x16xi32>,
        %get3A_149 = vector.shape_cast %get3A_148 : vector<1x16xi32> to vector<16xi32>
        %swap3A_150 = arith.constant 48 : index
        %swap3A_151 = tpu.vector_load %arg6[%swap3A_150] {strides = array<i32>} : memref<128xi32, #tpu.memory_space<vmem>>, vector<16xi32>,
        %swap3A_152 = vector.shape_cast %swap3A_151 : vector<16xi32> to vector<16xi32>
        %swap3A_153 = vector.shape_cast %get3A_149 : vector<16xi32> to vector<16xi32>
        tpu.vector_store %arg6[%swap3A_150], %swap3A_153 {strides = array<i32>} : memref<128xi32, #tpu.memory_space<vmem>>, vector<16xi32>,
        %get3A_154 = arith.index_cast %add3A_121 : i32 to index
        %get3A_155 = arith.constant 64 : index
        %get3A_156 = tpu.vector_load %arg4[%get3A_154, %get3A_155] {strides = array<i32>} : memref<79x128xi32, #tpu.memory_space<vmem>>, vector<1x16xi32>,
        %get3A_157 = vector.shape_cast %get3A_156 : vector<1x16xi32> to vector<16xi32>
        %swap3A_158 = arith.constant 64 : index
        %swap3A_159 = tpu.vector_load %arg6[%swap3A_158] {strides = array<i32>} : memref<128xi32, #tpu.memory_space<vmem>>, vector<16xi32>,
        %swap3A_160 = vector.shape_cast %swap3A_159 : vector<16xi32> to vector<16xi32>
        %swap3A_161 = vector.shape_cast %get3A_157 : vector<16xi32> to vector<16xi32>
        tpu.vector_store %arg6[%swap3A_158], %swap3A_161 {strides = array<i32>} : memref<128xi32, #tpu.memory_space<vmem>>, vector<16xi32>,
        %get3A_162 = arith.index_cast %add3A_121 : i32 to index
        %get3A_163 = arith.constant 80 : index
        %get3A_164 = tpu.vector_load %arg4[%get3A_162, %get3A_163] {strides = array<i32>} : memref<79x128xi32, #tpu.memory_space<vmem>>, vector<1x16xi32>,
        %get3A_165 = vector.shape_cast %get3A_164 : vector<1x16xi32> to vector<16xi32>
        %swap3A_166 = arith.constant 80 : index
        %swap3A_167 = tpu.vector_load %arg6[%swap3A_166] {strides = array<i32>} : memref<128xi32, #tpu.memory_space<vmem>>, vector<16xi32>,
        %swap3A_168 = vector.shape_cast %swap3A_167 : vector<16xi32> to vector<16xi32>
        %swap3A_169 = vector.shape_cast %get3A_165 : vector<16xi32> to vector<16xi32>
        tpu.vector_store %arg6[%swap3A_166], %swap3A_169 {strides = array<i32>} : memref<128xi32, #tpu.memory_space<vmem>>, vector<16xi32>,
        %get3A_170 = arith.index_cast %add3A_121 : i32 to index
        %get3A_171 = arith.constant 96 : index
        %get3A_172 = tpu.vector_load %arg4[%get3A_170, %get3A_171] {strides = array<i32>} : memref<79x128xi32, #tpu.memory_space<vmem>>, vector<1x16xi32>,
        %get3A_173 = vector.shape_cast %get3A_172 : vector<1x16xi32> to vector<16xi32>
        %swap3A_174 = arith.constant 96 : index
        %swap3A_175 = tpu.vector_load %arg6[%swap3A_174] {strides = array<i32>} : memref<128xi32, #tpu.memory_space<vmem>>, vector<16xi32>,
        %swap3A_176 = vector.shape_cast %swap3A_175 : vector<16xi32> to vector<16xi32>
        %swap3A_177 = vector.shape_cast %get3A_173 : vector<16xi32> to vector<16xi32>
        tpu.vector_store %arg6[%swap3A_174], %swap3A_177 {strides = array<i32>} : memref<128xi32, #tpu.memory_space<vmem>>, vector<16xi32>,
        %get3A_178 = arith.index_cast %add3A_121 : i32 to index
        %get3A_179 = arith.constant 112 : index
        %get3A_180 = tpu.vector_load %arg4[%get3A_178, %get3A_179] {strides = array<i32>} : memref<79x128xi32, #tpu.memory_space<vmem>>, vector<1x16xi32>,
        %get3A_181 = vector.shape_cast %get3A_180 : vector<1x16xi32> to vector<16xi32>
        %swap3A_182 = arith.constant 112 : index
        %swap3A_183 = tpu.vector_load %arg6[%swap3A_182] {strides = array<i32>} : memref<128xi32, #tpu.memory_space<vmem>>, vector<16xi32>,
        %swap3A_184 = vector.shape_cast %swap3A_183 : vector<16xi32> to vector<16xi32>
        %swap3A_185 = vector.shape_cast %get3A_181 : vector<16xi32> to vector<16xi32>
        tpu.vector_store %arg6[%swap3A_182], %swap3A_185 {strides = array<i32>} : memref<128xi32, #tpu.memory_space<vmem>>, vector<16xi32>,
        "tpu.region"() ({
          %run_scoped3A = tpu.sem_alloc : memref<!tpu.dma_semaphore, #tpu.memory_space<semaphore_mem>>
          %dma_start3A = arith.constant 0 : i32
          %dma_start3A_186 = arith.constant 0 : i32
          %dma_start3A_187 = tpu.memref_slice %arg9[%dma_start3A, %dma_start3A_186] : memref<10240x128xf32, #tpu.memory_space<vmem_shared>> -> memref<10240x128xf32, #tpu.memory_space<vmem_shared>>
          tpu.enqueue_indirect_dma source(%arg7 : memref<128x128xf32, #tpu.memory_space<vmem>>) target(%dma_start3A_187 : memref<10240x128xf32, #tpu.memory_space<vmem_shared>>) offsets(%arg5 : memref<128xi32, #tpu.memory_space<vmem>>) semaphore(%run_scoped3A : memref<!tpu.dma_semaphore, #tpu.memory_space<semaphore_mem>>) {add = true}
          %dma_wait3A = arith.constant 0 : i32
          %dma_wait3A_188 = arith.constant 0 : i32
          %dma_wait3A_189 = tpu.memref_slice %arg9[%dma_wait3A, %dma_wait3A_188] : memref<10240x128xf32, #tpu.memory_space<vmem_shared>> -> memref<10240x128xf32, #tpu.memory_space<vmem_shared>>
          tpu.wait_indirect_dma semaphore(%run_scoped3A : memref<!tpu.dma_semaphore, #tpu.memory_space<semaphore_mem>>) src(%arg7 : memref<128x128xf32, #tpu.memory_space<vmem>>) dst(%dma_wait3A_189 : memref<10240x128xf32, #tpu.memory_space<vmem_shared>>)
          tpu.yield
        }) : () -> ()
      } else {
      }
      %add3A_112 = arith.constant 1 : i32
      %add3A_113 = arith.addi %mul3A_109, %add3A_112 : i32
      %lt3A_114 = arith.constant 79 : i32
      %lt3A_115 = arith.cmpi slt, %add3A_113, %lt3A_114 : i32
      %convert_element_type3A_116 = arith.extui %lt3A_115 : i1 to i32
      %cond3A_117 = arith.constant 0 : i32
      %cond3A_118 = arith.cmpi ne, %convert_element_type3A_116, %cond3A_117 : i32
      scf.if %cond3A_118 {
        %add3A_120 = arith.constant 2 : i32
        %add3A_121 = arith.addi %mul3A_109, %add3A_120 : i32
        %get3A_122 = arith.index_cast %add3A_121 : i32 to index
        %get3A_123 = arith.constant 0 : index
        %get3A_124 = tpu.vector_load %arg4[%get3A_122, %get3A_123] {strides = array<i32>} : memref<79x128xi32, #tpu.memory_space<vmem>>, vector<1x16xi32>,
        %get3A_125 = vector.shape_cast %get3A_124 : vector<1x16xi32> to vector<16xi32>
        %swap3A_126 = arith.constant 0 : index
        %swap3A_127 = tpu.vector_load %arg5[%swap3A_126] {strides = array<i32>} : memref<128xi32, #tpu.memory_space<vmem>>, vector<16xi32>,
        %swap3A_128 = vector.shape_cast %swap3A_127 : vector<16xi32> to vector<16xi32>
        %swap3A_129 = vector.shape_cast %get3A_125 : vector<16xi32> to vector<16xi32>
        tpu.vector_store %arg5[%swap3A_126], %swap3A_129 {strides = array<i32>} : memref<128xi32, #tpu.memory_space<vmem>>, vector<16xi32>,
        %get3A_130 = arith.index_cast %add3A_121 : i32 to index
        %get3A_131 = arith.constant 16 : index
        %get3A_132 = tpu.vector_load %arg4[%get3A_130, %get3A_131] {strides = array<i32>} : memref<79x128xi32, #tpu.memory_space<vmem>>, vector<1x16xi32>,
        %get3A_133 = vector.shape_cast %get3A_132 : vector<1x16xi32> to vector<16xi32>
        %swap3A_134 = arith.constant 16 : index
        %swap3A_135 = tpu.vector_load %arg5[%swap3A_134] {strides = array<i32>} : memref<128xi32, #tpu.memory_space<vmem>>, vector<16xi32>,
        %swap3A_136 = vector.shape_cast %swap3A_135 : vector<16xi32> to vector<16xi32>
        %swap3A_137 = vector.shape_cast %get3A_133 : vector<16xi32> to vector<16xi32>
        tpu.vector_store %arg5[%swap3A_134], %swap3A_137 {strides = array<i32>} : memref<128xi32, #tpu.memory_space<vmem>>, vector<16xi32>,
        %get3A_138 = arith.index_cast %add3A_121 : i32 to index
        %get3A_139 = arith.constant 32 : index
        %get3A_140 = tpu.vector_load %arg4[%get3A_138, %get3A_139] {strides = array<i32>} : memref<79x128xi32, #tpu.memory_space<vmem>>, vector<1x16xi32>,
        %get3A_141 = vector.shape_cast %get3A_140 : vector<1x16xi32> to vector<16xi32>
        %swap3A_142 = arith.constant 32 : index
        %swap3A_143 = tpu.vector_load %arg5[%swap3A_142] {strides = array<i32>} : memref<128xi32, #tpu.memory_space<vmem>>, vector<16xi32>,
        %swap3A_144 = vector.shape_cast %swap3A_143 : vector<16xi32> to vector<16xi32>
        %swap3A_145 = vector.shape_cast %get3A_141 : vector<16xi32> to vector<16xi32>
        tpu.vector_store %arg5[%swap3A_142], %swap3A_145 {strides = array<i32>} : memref<128xi32, #tpu.memory_space<vmem>>, vector<16xi32>,
        %get3A_146 = arith.index_cast %add3A_121 : i32 to index
        %get3A_147 = arith.constant 48 : index
        %get3A_148 = tpu.vector_load %arg4[%get3A_146, %get3A_147] {strides = array<i32>} : memref<79x128xi32, #tpu.memory_space<vmem>>, vector<1x16xi32>,
        %get3A_149 = vector.shape_cast %get3A_148 : vector<1x16xi32> to vector<16xi32>
        %swap3A_150 = arith.constant 48 : index
        %swap3A_151 = tpu.vector_load %arg5[%swap3A_150] {strides = array<i32>} : memref<128xi32, #tpu.memory_space<vmem>>, vector<16xi32>,
        %swap3A_152 = vector.shape_cast %swap3A_151 : vector<16xi32> to vector<16xi32>
        %swap3A_153 = vector.shape_cast %get3A_149 : vector<16xi32> to vector<16xi32>
        tpu.vector_store %arg5[%swap3A_150], %swap3A_153 {strides = array<i32>} : memref<128xi32, #tpu.memory_space<vmem>>, vector<16xi32>,
        %get3A_154 = arith.index_cast %add3A_121 : i32 to index
        %get3A_155 = arith.constant 64 : index
        %get3A_156 = tpu.vector_load %arg4[%get3A_154, %get3A_155] {strides = array<i32>} : memref<79x128xi32, #tpu.memory_space<vmem>>, vector<1x16xi32>,
        %get3A_157 = vector.shape_cast %get3A_156 : vector<1x16xi32> to vector<16xi32>
        %swap3A_158 = arith.constant 64 : index
        %swap3A_159 = tpu.vector_load %arg5[%swap3A_158] {strides = array<i32>} : memref<128xi32, #tpu.memory_space<vmem>>, vector<16xi32>,
        %swap3A_160 = vector.shape_cast %swap3A_159 : vector<16xi32> to vector<16xi32>
        %swap3A_161 = vector.shape_cast %get3A_157 : vector<16xi32> to vector<16xi32>
        tpu.vector_store %arg5[%swap3A_158], %swap3A_161 {strides = array<i32>} : memref<128xi32, #tpu.memory_space<vmem>>, vector<16xi32>,
        %get3A_162 = arith.index_cast %add3A_121 : i32 to index
        %get3A_163 = arith.constant 80 : index
        %get3A_164 = tpu.vector_load %arg4[%get3A_162, %get3A_163] {strides = array<i32>} : memref<79x128xi32, #tpu.memory_space<vmem>>, vector<1x16xi32>,
        %get3A_165 = vector.shape_cast %get3A_164 : vector<1x16xi32> to vector<16xi32>
        %swap3A_166 = arith.constant 80 : index
        %swap3A_167 = tpu.vector_load %arg5[%swap3A_166] {strides = array<i32>} : memref<128xi32, #tpu.memory_space<vmem>>, vector<16xi32>,
        %swap3A_168 = vector.shape_cast %swap3A_167 : vector<16xi32> to vector<16xi32>
        %swap3A_169 = vector.shape_cast %get3A_165 : vector<16xi32> to vector<16xi32>
        tpu.vector_store %arg5[%swap3A_166], %swap3A_169 {strides = array<i32>} : memref<128xi32, #tpu.memory_space<vmem>>, vector<16xi32>,
        %get3A_170 = arith.index_cast %add3A_121 : i32 to index
        %get3A_171 = arith.constant 96 : index
        %get3A_172 = tpu.vector_load %arg4[%get3A_170, %get3A_171] {strides = array<i32>} : memref<79x128xi32, #tpu.memory_space<vmem>>, vector<1x16xi32>,
        %get3A_173 = vector.shape_cast %get3A_172 : vector<1x16xi32> to vector<16xi32>
        %swap3A_174 = arith.constant 96 : index
        %swap3A_175 = tpu.vector_load %arg5[%swap3A_174] {strides = array<i32>} : memref<128xi32, #tpu.memory_space<vmem>>, vector<16xi32>,
        %swap3A_176 = vector.shape_cast %swap3A_175 : vector<16xi32> to vector<16xi32>
        %swap3A_177 = vector.shape_cast %get3A_173 : vector<16xi32> to vector<16xi32>
        tpu.vector_store %arg5[%swap3A_174], %swap3A_177 {strides = array<i32>} : memref<128xi32, #tpu.memory_space<vmem>>, vector<16xi32>,
        %get3A_178 = arith.index_cast %add3A_121 : i32 to index
        %get3A_179 = arith.constant 112 : index
        %get3A_180 = tpu.vector_load %arg4[%get3A_178, %get3A_179] {strides = array<i32>} : memref<79x128xi32, #tpu.memory_space<vmem>>, vector<1x16xi32>,
        %get3A_181 = vector.shape_cast %get3A_180 : vector<1x16xi32> to vector<16xi32>
        %swap3A_182 = arith.constant 112 : index
        %swap3A_183 = tpu.vector_load %arg5[%swap3A_182] {strides = array<i32>} : memref<128xi32, #tpu.memory_space<vmem>>, vector<16xi32>,
        %swap3A_184 = vector.shape_cast %swap3A_183 : vector<16xi32> to vector<16xi32>
        %swap3A_185 = vector.shape_cast %get3A_181 : vector<16xi32> to vector<16xi32>
        tpu.vector_store %arg5[%swap3A_182], %swap3A_185 {strides = array<i32>} : memref<128xi32, #tpu.memory_space<vmem>>, vector<16xi32>,
        "tpu.region"() ({
          %run_scoped3A = tpu.sem_alloc : memref<!tpu.dma_semaphore, #tpu.memory_space<semaphore_mem>>
          %dma_start3A = arith.constant 0 : i32
          %dma_start3A_186 = arith.constant 0 : i32
          %dma_start3A_187 = tpu.memref_slice %arg9[%dma_start3A, %dma_start3A_186] : memref<10240x128xf32, #tpu.memory_space<vmem_shared>> -> memref<10240x128xf32, #tpu.memory_space<vmem_shared>>
          tpu.enqueue_indirect_dma source(%arg7 : memref<128x128xf32, #tpu.memory_space<vmem>>) target(%dma_start3A_187 : memref<10240x128xf32, #tpu.memory_space<vmem_shared>>) offsets(%arg6 : memref<128xi32, #tpu.memory_space<vmem>>) semaphore(%run_scoped3A : memref<!tpu.dma_semaphore, #tpu.memory_space<semaphore_mem>>) {add = true}
          %dma_wait3A = arith.constant 0 : i32
          %dma_wait3A_188 = arith.constant 0 : i32
          %dma_wait3A_189 = tpu.memref_slice %arg9[%dma_wait3A, %dma_wait3A_188] : memref<10240x128xf32, #tpu.memory_space<vmem_shared>> -> memref<10240x128xf32, #tpu.memory_space<vmem_shared>>
          tpu.wait_indirect_dma semaphore(%run_scoped3A : memref<!tpu.dma_semaphore, #tpu.memory_space<semaphore_mem>>) src(%arg7 : memref<128x128xf32, #tpu.memory_space<vmem>>) dst(%dma_wait3A_189 : memref<10240x128xf32, #tpu.memory_space<vmem_shared>>)
          tpu.yield
        }) : () -> ()
      } else {
      }
      %scan3A_119 = arith.constant 0 : i32
      scf.yield %scan3A_119 : i32
    }
    %scan3A_100 = arith.constant 40 : i32
    %barrier3A_101 = arith.constant 0 : index
    tpu.barrier barrier_id(%barrier3A_101)
    %mul3A_102 = arith.constant 640 : i32
    %mul3A_103 = arith.muli %arg1, %mul3A_102 : i32
    %mul3A_104 = arith.constant 640 : i32
    %mul3A_105 = arith.muli %arg1, %mul3A_104 : i32
    "tpu.region"() ({
      %run_scoped3A = tpu.sem_alloc : memref<!tpu.dma_semaphore, #tpu.memory_space<semaphore_mem>>
      %dma_start3A = arith.constant 0 : i32
      %dma_start3A_106 = tpu.memref_slice %arg3[%arg0, %mul3A_105, %dma_start3A] : memref<2x10240x128xf32, #tpu.memory_space<hbm>> -> memref<1x640x128xf32, #tpu.memory_space<hbm>>
      %dma_start3A_107 = tpu.memref_squeeze %dma_start3A_106 : memref<1x640x128xf32, #tpu.memory_space<hbm>> -> memref<640x128xf32, #tpu.memory_space<hbm>>
      %dma_start3A_108 = arith.constant 0 : i32
      %dma_start3A_109 = tpu.memref_slice %arg9[%mul3A_103, %dma_start3A_108] : memref<10240x128xf32, #tpu.memory_space<vmem_shared>> -> memref<640x128xf32, #tpu.memory_space<vmem_shared>>
      tpu.enqueue_dma source(%dma_start3A_109 : memref<640x128xf32, #tpu.memory_space<vmem_shared>>) target(%dma_start3A_107 : memref<640x128xf32, #tpu.memory_space<hbm>>) target_semaphore(%run_scoped3A : memref<!tpu.dma_semaphore, #tpu.memory_space<semaphore_mem>>)
      %dma_wait3A = arith.constant 0 : i32
      %dma_wait3A_110 = tpu.memref_slice %arg3[%arg0, %mul3A_105, %dma_wait3A] : memref<2x10240x128xf32, #tpu.memory_space<hbm>> -> memref<1x640x128xf32, #tpu.memory_space<hbm>>
      %dma_wait3A_111 = tpu.memref_squeeze %dma_wait3A_110 : memref<1x640x128xf32, #tpu.memory_space<hbm>> -> memref<640x128xf32, #tpu.memory_space<hbm>>
      %dma_wait3A_112 = arith.constant 0 : i32
      %dma_wait3A_113 = tpu.memref_slice %arg9[%mul3A_103, %dma_wait3A_112] : memref<10240x128xf32, #tpu.memory_space<vmem_shared>> -> memref<640x128xf32, #tpu.memory_space<vmem_shared>>
      tpu.wait_dma2 semaphore(%run_scoped3A : memref<!tpu.dma_semaphore, #tpu.memory_space<semaphore_mem>>) src(%dma_wait3A_113 : memref<640x128xf32, #tpu.memory_space<vmem_shared>>) dst(%dma_wait3A_111 : memref<640x128xf32, #tpu.memory_space<hbm>>)
      tpu.yield
    }) : () -> ()
    return
  }
}

#map = affine_map<(d0, d1) -> (0, 0)>
#map1 = affine_map<(d0, d1) -> (0, 0, 0)>
module attributes {stable_mosaic.version = 14 : i64} {
  func.func @_seg_sum_body(%arg0: i32, %arg1: i32, %arg2: memref<10240x128xf32, #tpu.memory_space<hbm>>, %arg3: memref<32x93x128xi32, #tpu.memory_space<hbm>>, %arg4: memref<32x93x128xi32, #tpu.memory_space<hbm>>, %arg5: memref<2x10240x128xf32, #tpu.memory_space<hbm>>, %arg6: memref<93x128xi32, #tpu.memory_space<vmem>>, %arg7: memref<93x128xi32, #tpu.memory_space<vmem>>, %arg8: memref<128xi32, #tpu.memory_space<vmem>>, %arg9: memref<128xi32, #tpu.memory_space<vmem>>, %arg10: memref<128xi32, #tpu.memory_space<vmem>>, %arg11: memref<128xi32, #tpu.memory_space<vmem>>, %arg12: memref<128x128xf32, #tpu.memory_space<vmem>>, %arg13: memref<10240x128xf32, #tpu.memory_space<vmem_shared>>, %arg14: memref<!tpu.dma_semaphore, #tpu.memory_space<semaphore_mem>>) attributes {dimension_semantics = [#tpu.dimension_semantics<core_parallel>, #tpu.dimension_semantics<subcore_parallel>], iteration_bounds = array<i64: 2, 16>, scalar_prefetch = 0 : i64, scratch_operands = 9 : i64, tpu.core_type = #tpu.core_type<sc_vector_subcore>, window_params = [{transform_indices = #map}, {transform_indices = #map1}, {transform_indices = #map1}, {transform_indices = #map1}]} {
    %mul3A = arith.constant 16 : i32
    %mul3A_0 = arith.muli %arg0, %mul3A : i32
    %add3A = arith.addi %mul3A_0, %arg1 : i32
    %broadcast_in_dim3A = arith.constant 0.000000e+00 : f32
    %broadcast_in_dim3A_1 = vector.broadcast %broadcast_in_dim3A : f32 to vector<16xf32>
    %scan3A = arith.constant 0 : i32
    %scan3A_2 = arith.constant 0 : i32
    %scan3A_3 = arith.constant 128 : i32
    %scan3A_4 = arith.addi %scan3A_2, %scan3A_3 : i32
    %scan3A_5 = arith.constant 1 : i32
    %scan3A_6 = scf.for %scan3A_171 = %scan3A_2 to %scan3A_4 step %scan3A_5 iter_args(%scan3A_172 = %scan3A) -> (i32)  : i32 {
      %swap3A_173 = arith.index_cast %scan3A_171 : i32 to index
      %swap3A_174 = arith.constant 0 : index
      %swap3A_175 = tpu.vector_load %arg12[%swap3A_173, %swap3A_174] {strides = array<i32>} : memref<128x128xf32, #tpu.memory_space<vmem>>, vector<1x16xf32>,
      %swap3A_176 = vector.shape_cast %swap3A_175 : vector<1x16xf32> to vector<16xf32>
      %swap3A_177 = vector.shape_cast %broadcast_in_dim3A_1 : vector<16xf32> to vector<1x16xf32>
      tpu.vector_store %arg12[%swap3A_173, %swap3A_174], %swap3A_177 {strides = array<i32>} : memref<128x128xf32, #tpu.memory_space<vmem>>, vector<1x16xf32>,
      %swap3A_178 = arith.index_cast %scan3A_171 : i32 to index
      %swap3A_179 = arith.constant 16 : index
      %swap3A_180 = tpu.vector_load %arg12[%swap3A_178, %swap3A_179] {strides = array<i32>} : memref<128x128xf32, #tpu.memory_space<vmem>>, vector<1x16xf32>,
      %swap3A_181 = vector.shape_cast %swap3A_180 : vector<1x16xf32> to vector<16xf32>
      %swap3A_182 = vector.shape_cast %broadcast_in_dim3A_1 : vector<16xf32> to vector<1x16xf32>
      tpu.vector_store %arg12[%swap3A_178, %swap3A_179], %swap3A_182 {strides = array<i32>} : memref<128x128xf32, #tpu.memory_space<vmem>>, vector<1x16xf32>,
      %swap3A_183 = arith.index_cast %scan3A_171 : i32 to index
      %swap3A_184 = arith.constant 32 : index
      %swap3A_185 = tpu.vector_load %arg12[%swap3A_183, %swap3A_184] {strides = array<i32>} : memref<128x128xf32, #tpu.memory_space<vmem>>, vector<1x16xf32>,
      %swap3A_186 = vector.shape_cast %swap3A_185 : vector<1x16xf32> to vector<16xf32>
      %swap3A_187 = vector.shape_cast %broadcast_in_dim3A_1 : vector<16xf32> to vector<1x16xf32>
      tpu.vector_store %arg12[%swap3A_183, %swap3A_184], %swap3A_187 {strides = array<i32>} : memref<128x128xf32, #tpu.memory_space<vmem>>, vector<1x16xf32>,
      %swap3A_188 = arith.index_cast %scan3A_171 : i32 to index
      %swap3A_189 = arith.constant 48 : index
      %swap3A_190 = tpu.vector_load %arg12[%swap3A_188, %swap3A_189] {strides = array<i32>} : memref<128x128xf32, #tpu.memory_space<vmem>>, vector<1x16xf32>,
      %swap3A_191 = vector.shape_cast %swap3A_190 : vector<1x16xf32> to vector<16xf32>
      %swap3A_192 = vector.shape_cast %broadcast_in_dim3A_1 : vector<16xf32> to vector<1x16xf32>
      tpu.vector_store %arg12[%swap3A_188, %swap3A_189], %swap3A_192 {strides = array<i32>} : memref<128x128xf32, #tpu.memory_space<vmem>>, vector<1x16xf32>,
      %swap3A_193 = arith.index_cast %scan3A_171 : i32 to index
      %swap3A_194 = arith.constant 64 : index
      %swap3A_195 = tpu.vector_load %arg12[%swap3A_193, %swap3A_194] {strides = array<i32>} : memref<128x128xf32, #tpu.memory_space<vmem>>, vector<1x16xf32>,
      %swap3A_196 = vector.shape_cast %swap3A_195 : vector<1x16xf32> to vector<16xf32>
      %swap3A_197 = vector.shape_cast %broadcast_in_dim3A_1 : vector<16xf32> to vector<1x16xf32>
      tpu.vector_store %arg12[%swap3A_193, %swap3A_194], %swap3A_197 {strides = array<i32>} : memref<128x128xf32, #tpu.memory_space<vmem>>, vector<1x16xf32>,
      %swap3A_198 = arith.index_cast %scan3A_171 : i32 to index
      %swap3A_199 = arith.constant 80 : index
      %swap3A_200 = tpu.vector_load %arg12[%swap3A_198, %swap3A_199] {strides = array<i32>} : memref<128x128xf32, #tpu.memory_space<vmem>>, vector<1x16xf32>,
      %swap3A_201 = vector.shape_cast %swap3A_200 : vector<1x16xf32> to vector<16xf32>
      %swap3A_202 = vector.shape_cast %broadcast_in_dim3A_1 : vector<16xf32> to vector<1x16xf32>
      tpu.vector_store %arg12[%swap3A_198, %swap3A_199], %swap3A_202 {strides = array<i32>} : memref<128x128xf32, #tpu.memory_space<vmem>>, vector<1x16xf32>,
      %swap3A_203 = arith.index_cast %scan3A_171 : i32 to index
      %swap3A_204 = arith.constant 96 : index
      %swap3A_205 = tpu.vector_load %arg12[%swap3A_203, %swap3A_204] {strides = array<i32>} : memref<128x128xf32, #tpu.memory_space<vmem>>, vector<1x16xf32>,
      %swap3A_206 = vector.shape_cast %swap3A_205 : vector<1x16xf32> to vector<16xf32>
      %swap3A_207 = vector.shape_cast %broadcast_in_dim3A_1 : vector<16xf32> to vector<1x16xf32>
      tpu.vector_store %arg12[%swap3A_203, %swap3A_204], %swap3A_207 {strides = array<i32>} : memref<128x128xf32, #tpu.memory_space<vmem>>, vector<1x16xf32>,
      %swap3A_208 = arith.index_cast %scan3A_171 : i32 to index
      %swap3A_209 = arith.constant 112 : index
      %swap3A_210 = tpu.vector_load %arg12[%swap3A_208, %swap3A_209] {strides = array<i32>} : memref<128x128xf32, #tpu.memory_space<vmem>>, vector<1x16xf32>,
      %swap3A_211 = vector.shape_cast %swap3A_210 : vector<1x16xf32> to vector<16xf32>
      %swap3A_212 = vector.shape_cast %broadcast_in_dim3A_1 : vector<16xf32> to vector<1x16xf32>
      tpu.vector_store %arg12[%swap3A_208, %swap3A_209], %swap3A_212 {strides = array<i32>} : memref<128x128xf32, #tpu.memory_space<vmem>>, vector<1x16xf32>,
      %scan3A_213 = arith.constant 0 : i32
      scf.yield %scan3A_213 : i32
    }
    %scan3A_7 = arith.constant 128 : i32
    "tpu.region"() ({
      %run_scoped3A = tpu.sem_alloc : memref<!tpu.dma_semaphore, #tpu.memory_space<semaphore_mem>>
      %dma_start3A = arith.constant 0 : i32
      %dma_start3A_171 = arith.constant 0 : i32
      %dma_start3A_172 = tpu.memref_slice %arg3[%add3A, %dma_start3A, %dma_start3A_171] : memref<32x93x128xi32, #tpu.memory_space<hbm>> -> memref<1x93x128xi32, #tpu.memory_space<hbm>>
      %dma_start3A_173 = tpu.memref_squeeze %dma_start3A_172 : memref<1x93x128xi32, #tpu.memory_space<hbm>> -> memref<93x128xi32, #tpu.memory_space<hbm>>
      %dma_start3A_174 = arith.constant 0 : i32
      %dma_start3A_175 = arith.constant 0 : i32
      %dma_start3A_176 = tpu.memref_slice %arg3[%add3A, %dma_start3A_174, %dma_start3A_175] : memref<32x93x128xi32, #tpu.memory_space<hbm>> -> memref<1x93x128xi32, #tpu.memory_space<hbm>>
      %dma_start3A_177 = tpu.memref_squeeze %dma_start3A_176 : memref<1x93x128xi32, #tpu.memory_space<hbm>> -> memref<93x128xi32, #tpu.memory_space<hbm>>
      tpu.enqueue_dma source(%dma_start3A_177 : memref<93x128xi32, #tpu.memory_space<hbm>>) target(%arg6 : memref<93x128xi32, #tpu.memory_space<vmem>>) target_semaphore(%run_scoped3A : memref<!tpu.dma_semaphore, #tpu.memory_space<semaphore_mem>>)
      %dma_wait3A = arith.constant 0 : i32
      %dma_wait3A_178 = arith.constant 0 : i32
      %dma_wait3A_179 = tpu.memref_slice %arg3[%add3A, %dma_wait3A, %dma_wait3A_178] : memref<32x93x128xi32, #tpu.memory_space<hbm>> -> memref<1x93x128xi32, #tpu.memory_space<hbm>>
      %dma_wait3A_180 = tpu.memref_squeeze %dma_wait3A_179 : memref<1x93x128xi32, #tpu.memory_space<hbm>> -> memref<93x128xi32, #tpu.memory_space<hbm>>
      %dma_wait3A_181 = arith.constant 0 : i32
      %dma_wait3A_182 = arith.constant 0 : i32
      %dma_wait3A_183 = tpu.memref_slice %arg3[%add3A, %dma_wait3A_181, %dma_wait3A_182] : memref<32x93x128xi32, #tpu.memory_space<hbm>> -> memref<1x93x128xi32, #tpu.memory_space<hbm>>
      %dma_wait3A_184 = tpu.memref_squeeze %dma_wait3A_183 : memref<1x93x128xi32, #tpu.memory_space<hbm>> -> memref<93x128xi32, #tpu.memory_space<hbm>>
      tpu.wait_dma2 semaphore(%run_scoped3A : memref<!tpu.dma_semaphore, #tpu.memory_space<semaphore_mem>>) src(%dma_wait3A_184 : memref<93x128xi32, #tpu.memory_space<hbm>>) dst(%arg6 : memref<93x128xi32, #tpu.memory_space<vmem>>)
      tpu.yield
    }) : () -> ()
    "tpu.region"() ({
      %run_scoped3A = tpu.sem_alloc : memref<!tpu.dma_semaphore, #tpu.memory_space<semaphore_mem>>
      %dma_start3A = arith.constant 0 : i32
      %dma_start3A_171 = arith.constant 0 : i32
      %dma_start3A_172 = tpu.memref_slice %arg4[%add3A, %dma_start3A, %dma_start3A_171] : memref<32x93x128xi32, #tpu.memory_space<hbm>> -> memref<1x93x128xi32, #tpu.memory_space<hbm>>
      %dma_start3A_173 = tpu.memref_squeeze %dma_start3A_172 : memref<1x93x128xi32, #tpu.memory_space<hbm>> -> memref<93x128xi32, #tpu.memory_space<hbm>>
      %dma_start3A_174 = arith.constant 0 : i32
      %dma_start3A_175 = arith.constant 0 : i32
      %dma_start3A_176 = tpu.memref_slice %arg4[%add3A, %dma_start3A_174, %dma_start3A_175] : memref<32x93x128xi32, #tpu.memory_space<hbm>> -> memref<1x93x128xi32, #tpu.memory_space<hbm>>
      %dma_start3A_177 = tpu.memref_squeeze %dma_start3A_176 : memref<1x93x128xi32, #tpu.memory_space<hbm>> -> memref<93x128xi32, #tpu.memory_space<hbm>>
      tpu.enqueue_dma source(%dma_start3A_177 : memref<93x128xi32, #tpu.memory_space<hbm>>) target(%arg7 : memref<93x128xi32, #tpu.memory_space<vmem>>) target_semaphore(%run_scoped3A : memref<!tpu.dma_semaphore, #tpu.memory_space<semaphore_mem>>)
      %dma_wait3A = arith.constant 0 : i32
      %dma_wait3A_178 = arith.constant 0 : i32
      %dma_wait3A_179 = tpu.memref_slice %arg4[%add3A, %dma_wait3A, %dma_wait3A_178] : memref<32x93x128xi32, #tpu.memory_space<hbm>> -> memref<1x93x128xi32, #tpu.memory_space<hbm>>
      %dma_wait3A_180 = tpu.memref_squeeze %dma_wait3A_179 : memref<1x93x128xi32, #tpu.memory_space<hbm>> -> memref<93x128xi32, #tpu.memory_space<hbm>>
      %dma_wait3A_181 = arith.constant 0 : i32
      %dma_wait3A_182 = arith.constant 0 : i32
      %dma_wait3A_183 = tpu.memref_slice %arg4[%add3A, %dma_wait3A_181, %dma_wait3A_182] : memref<32x93x128xi32, #tpu.memory_space<hbm>> -> memref<1x93x128xi32, #tpu.memory_space<hbm>>
      %dma_wait3A_184 = tpu.memref_squeeze %dma_wait3A_183 : memref<1x93x128xi32, #tpu.memory_space<hbm>> -> memref<93x128xi32, #tpu.memory_space<hbm>>
      tpu.wait_dma2 semaphore(%run_scoped3A : memref<!tpu.dma_semaphore, #tpu.memory_space<semaphore_mem>>) src(%dma_wait3A_184 : memref<93x128xi32, #tpu.memory_space<hbm>>) dst(%arg7 : memref<93x128xi32, #tpu.memory_space<vmem>>)
      tpu.yield
    }) : () -> ()
    %scan3A_8 = arith.constant 0 : i32
    %scan3A_9 = arith.constant 0 : i32
    %scan3A_10 = arith.constant 5 : i32
    %scan3A_11 = arith.addi %scan3A_9, %scan3A_10 : i32
    %scan3A_12 = arith.constant 1 : i32
    %scan3A_13 = scf.for %scan3A_171 = %scan3A_9 to %scan3A_11 step %scan3A_12 iter_args(%scan3A_172 = %scan3A_8) -> (i32)  : i32 {
      %mul3A_173 = arith.constant 640 : i32
      %mul3A_174 = arith.muli %arg1, %mul3A_173 : i32
      %mul3A_175 = arith.constant 128 : i32
      %mul3A_176 = arith.muli %scan3A_171, %mul3A_175 : i32
      %add3A_177 = arith.addi %mul3A_174, %mul3A_176 : i32
      "tpu.region"() ({
        %run_scoped3A = tpu.sem_alloc : memref<!tpu.dma_semaphore, #tpu.memory_space<semaphore_mem>>
        %dma_start3A = arith.constant 0 : i32
        %dma_start3A_179 = tpu.memref_slice %arg13[%add3A_177, %dma_start3A] : memref<10240x128xf32, #tpu.memory_space<vmem_shared>> -> memref<128x128xf32, #tpu.memory_space<vmem_shared>>
        %dma_start3A_180 = arith.constant 0 : i32
        %dma_start3A_181 = tpu.memref_slice %arg13[%add3A_177, %dma_start3A_180] : memref<10240x128xf32, #tpu.memory_space<vmem_shared>> -> memref<128x128xf32, #tpu.memory_space<vmem_shared>>
        tpu.enqueue_dma source(%arg12 : memref<128x128xf32, #tpu.memory_space<vmem>>) target(%dma_start3A_181 : memref<128x128xf32, #tpu.memory_space<vmem_shared>>) target_semaphore(%run_scoped3A : memref<!tpu.dma_semaphore, #tpu.memory_space<semaphore_mem>>)
        %dma_wait3A = arith.constant 0 : i32
        %dma_wait3A_182 = tpu.memref_slice %arg13[%add3A_177, %dma_wait3A] : memref<10240x128xf32, #tpu.memory_space<vmem_shared>> -> memref<128x128xf32, #tpu.memory_space<vmem_shared>>
        %dma_wait3A_183 = arith.constant 0 : i32
        %dma_wait3A_184 = tpu.memref_slice %arg13[%add3A_177, %dma_wait3A_183] : memref<10240x128xf32, #tpu.memory_space<vmem_shared>> -> memref<128x128xf32, #tpu.memory_space<vmem_shared>>
        tpu.wait_dma2 semaphore(%run_scoped3A : memref<!tpu.dma_semaphore, #tpu.memory_space<semaphore_mem>>) src(%arg12 : memref<128x128xf32, #tpu.memory_space<vmem>>) dst(%dma_wait3A_184 : memref<128x128xf32, #tpu.memory_space<vmem_shared>>)
        tpu.yield
      }) : () -> ()
      %scan3A_178 = arith.constant 0 : i32
      scf.yield %scan3A_178 : i32
    }
    %scan3A_14 = arith.constant 5 : i32
    %get3A = arith.constant 0 : i32
    %get3A_15 = arith.index_cast %get3A : i32 to index
    %get3A_16 = arith.constant 0 : index
    %get3A_17 = tpu.vector_load %arg6[%get3A_15, %get3A_16] {strides = array<i32>} : memref<93x128xi32, #tpu.memory_space<vmem>>, vector<1x16xi32>,
    %get3A_18 = vector.shape_cast %get3A_17 : vector<1x16xi32> to vector<16xi32>
    %swap3A = arith.constant 0 : index
    %swap3A_19 = tpu.vector_load %arg8[%swap3A] {strides = array<i32>} : memref<128xi32, #tpu.memory_space<vmem>>, vector<16xi32>,
    %swap3A_20 = vector.shape_cast %swap3A_19 : vector<16xi32> to vector<16xi32>
    %swap3A_21 = vector.shape_cast %get3A_18 : vector<16xi32> to vector<16xi32>
    tpu.vector_store %arg8[%swap3A], %swap3A_21 {strides = array<i32>} : memref<128xi32, #tpu.memory_space<vmem>>, vector<16xi32>,
    %get3A_22 = arith.constant 0 : i32
    %get3A_23 = arith.index_cast %get3A_22 : i32 to index
    %get3A_24 = arith.constant 0 : index
    %get3A_25 = tpu.vector_load %arg7[%get3A_23, %get3A_24] {strides = array<i32>} : memref<93x128xi32, #tpu.memory_space<vmem>>, vector<1x16xi32>,
    %get3A_26 = vector.shape_cast %get3A_25 : vector<1x16xi32> to vector<16xi32>
    %swap3A_27 = arith.constant 0 : index
    %swap3A_28 = tpu.vector_load %arg10[%swap3A_27] {strides = array<i32>} : memref<128xi32, #tpu.memory_space<vmem>>, vector<16xi32>,
    %swap3A_29 = vector.shape_cast %swap3A_28 : vector<16xi32> to vector<16xi32>
    %swap3A_30 = vector.shape_cast %get3A_26 : vector<16xi32> to vector<16xi32>
    tpu.vector_store %arg10[%swap3A_27], %swap3A_30 {strides = array<i32>} : memref<128xi32, #tpu.memory_space<vmem>>, vector<16xi32>,
    %get3A_31 = arith.constant 0 : i32
    %get3A_32 = arith.index_cast %get3A_31 : i32 to index
    %get3A_33 = arith.constant 16 : index
    %get3A_34 = tpu.vector_load %arg6[%get3A_32, %get3A_33] {strides = array<i32>} : memref<93x128xi32, #tpu.memory_space<vmem>>, vector<1x16xi32>,
    %get3A_35 = vector.shape_cast %get3A_34 : vector<1x16xi32> to vector<16xi32>
    %swap3A_36 = arith.constant 16 : index
    %swap3A_37 = tpu.vector_load %arg8[%swap3A_36] {strides = array<i32>} : memref<128xi32, #tpu.memory_space<vmem>>, vector<16xi32>,
    %swap3A_38 = vector.shape_cast %swap3A_37 : vector<16xi32> to vector<16xi32>
    %swap3A_39 = vector.shape_cast %get3A_35 : vector<16xi32> to vector<16xi32>
    tpu.vector_store %arg8[%swap3A_36], %swap3A_39 {strides = array<i32>} : memref<128xi32, #tpu.memory_space<vmem>>, vector<16xi32>,
    %get3A_40 = arith.constant 0 : i32
    %get3A_41 = arith.index_cast %get3A_40 : i32 to index
    %get3A_42 = arith.constant 16 : index
    %get3A_43 = tpu.vector_load %arg7[%get3A_41, %get3A_42] {strides = array<i32>} : memref<93x128xi32, #tpu.memory_space<vmem>>, vector<1x16xi32>,
    %get3A_44 = vector.shape_cast %get3A_43 : vector<1x16xi32> to vector<16xi32>
    %swap3A_45 = arith.constant 16 : index
    %swap3A_46 = tpu.vector_load %arg10[%swap3A_45] {strides = array<i32>} : memref<128xi32, #tpu.memory_space<vmem>>, vector<16xi32>,
    %swap3A_47 = vector.shape_cast %swap3A_46 : vector<16xi32> to vector<16xi32>
    %swap3A_48 = vector.shape_cast %get3A_44 : vector<16xi32> to vector<16xi32>
    tpu.vector_store %arg10[%swap3A_45], %swap3A_48 {strides = array<i32>} : memref<128xi32, #tpu.memory_space<vmem>>, vector<16xi32>,
    %get3A_49 = arith.constant 0 : i32
    %get3A_50 = arith.index_cast %get3A_49 : i32 to index
    %get3A_51 = arith.constant 32 : index
    %get3A_52 = tpu.vector_load %arg6[%get3A_50, %get3A_51] {strides = array<i32>} : memref<93x128xi32, #tpu.memory_space<vmem>>, vector<1x16xi32>,
    %get3A_53 = vector.shape_cast %get3A_52 : vector<1x16xi32> to vector<16xi32>
    %swap3A_54 = arith.constant 32 : index
    %swap3A_55 = tpu.vector_load %arg8[%swap3A_54] {strides = array<i32>} : memref<128xi32, #tpu.memory_space<vmem>>, vector<16xi32>,
    %swap3A_56 = vector.shape_cast %swap3A_55 : vector<16xi32> to vector<16xi32>
    %swap3A_57 = vector.shape_cast %get3A_53 : vector<16xi32> to vector<16xi32>
    tpu.vector_store %arg8[%swap3A_54], %swap3A_57 {strides = array<i32>} : memref<128xi32, #tpu.memory_space<vmem>>, vector<16xi32>,
    %get3A_58 = arith.constant 0 : i32
    %get3A_59 = arith.index_cast %get3A_58 : i32 to index
    %get3A_60 = arith.constant 32 : index
    %get3A_61 = tpu.vector_load %arg7[%get3A_59, %get3A_60] {strides = array<i32>} : memref<93x128xi32, #tpu.memory_space<vmem>>, vector<1x16xi32>,
    %get3A_62 = vector.shape_cast %get3A_61 : vector<1x16xi32> to vector<16xi32>
    %swap3A_63 = arith.constant 32 : index
    %swap3A_64 = tpu.vector_load %arg10[%swap3A_63] {strides = array<i32>} : memref<128xi32, #tpu.memory_space<vmem>>, vector<16xi32>,
    %swap3A_65 = vector.shape_cast %swap3A_64 : vector<16xi32> to vector<16xi32>
    %swap3A_66 = vector.shape_cast %get3A_62 : vector<16xi32> to vector<16xi32>
    tpu.vector_store %arg10[%swap3A_63], %swap3A_66 {strides = array<i32>} : memref<128xi32, #tpu.memory_space<vmem>>, vector<16xi32>,
    %get3A_67 = arith.constant 0 : i32
    %get3A_68 = arith.index_cast %get3A_67 : i32 to index
    %get3A_69 = arith.constant 48 : index
    %get3A_70 = tpu.vector_load %arg6[%get3A_68, %get3A_69] {strides = array<i32>} : memref<93x128xi32, #tpu.memory_space<vmem>>, vector<1x16xi32>,
    %get3A_71 = vector.shape_cast %get3A_70 : vector<1x16xi32> to vector<16xi32>
    %swap3A_72 = arith.constant 48 : index
    %swap3A_73 = tpu.vector_load %arg8[%swap3A_72] {strides = array<i32>} : memref<128xi32, #tpu.memory_space<vmem>>, vector<16xi32>,
    %swap3A_74 = vector.shape_cast %swap3A_73 : vector<16xi32> to vector<16xi32>
    %swap3A_75 = vector.shape_cast %get3A_71 : vector<16xi32> to vector<16xi32>
    tpu.vector_store %arg8[%swap3A_72], %swap3A_75 {strides = array<i32>} : memref<128xi32, #tpu.memory_space<vmem>>, vector<16xi32>,
    %get3A_76 = arith.constant 0 : i32
    %get3A_77 = arith.index_cast %get3A_76 : i32 to index
    %get3A_78 = arith.constant 48 : index
    %get3A_79 = tpu.vector_load %arg7[%get3A_77, %get3A_78] {strides = array<i32>} : memref<93x128xi32, #tpu.memory_space<vmem>>, vector<1x16xi32>,
    %get3A_80 = vector.shape_cast %get3A_79 : vector<1x16xi32> to vector<16xi32>
    %swap3A_81 = arith.constant 48 : index
    %swap3A_82 = tpu.vector_load %arg10[%swap3A_81] {strides = array<i32>} : memref<128xi32, #tpu.memory_space<vmem>>, vector<16xi32>,
    %swap3A_83 = vector.shape_cast %swap3A_82 : vector<16xi32> to vector<16xi32>
    %swap3A_84 = vector.shape_cast %get3A_80 : vector<16xi32> to vector<16xi32>
    tpu.vector_store %arg10[%swap3A_81], %swap3A_84 {strides = array<i32>} : memref<128xi32, #tpu.memory_space<vmem>>, vector<16xi32>,
    %get3A_85 = arith.constant 0 : i32
    %get3A_86 = arith.index_cast %get3A_85 : i32 to index
    %get3A_87 = arith.constant 64 : index
    %get3A_88 = tpu.vector_load %arg6[%get3A_86, %get3A_87] {strides = array<i32>} : memref<93x128xi32, #tpu.memory_space<vmem>>, vector<1x16xi32>,
    %get3A_89 = vector.shape_cast %get3A_88 : vector<1x16xi32> to vector<16xi32>
    %swap3A_90 = arith.constant 64 : index
    %swap3A_91 = tpu.vector_load %arg8[%swap3A_90] {strides = array<i32>} : memref<128xi32, #tpu.memory_space<vmem>>, vector<16xi32>,
    %swap3A_92 = vector.shape_cast %swap3A_91 : vector<16xi32> to vector<16xi32>
    %swap3A_93 = vector.shape_cast %get3A_89 : vector<16xi32> to vector<16xi32>
    tpu.vector_store %arg8[%swap3A_90], %swap3A_93 {strides = array<i32>} : memref<128xi32, #tpu.memory_space<vmem>>, vector<16xi32>,
    %get3A_94 = arith.constant 0 : i32
    %get3A_95 = arith.index_cast %get3A_94 : i32 to index
    %get3A_96 = arith.constant 64 : index
    %get3A_97 = tpu.vector_load %arg7[%get3A_95, %get3A_96] {strides = array<i32>} : memref<93x128xi32, #tpu.memory_space<vmem>>, vector<1x16xi32>,
    %get3A_98 = vector.shape_cast %get3A_97 : vector<1x16xi32> to vector<16xi32>
    %swap3A_99 = arith.constant 64 : index
    %swap3A_100 = tpu.vector_load %arg10[%swap3A_99] {strides = array<i32>} : memref<128xi32, #tpu.memory_space<vmem>>, vector<16xi32>,
    %swap3A_101 = vector.shape_cast %swap3A_100 : vector<16xi32> to vector<16xi32>
    %swap3A_102 = vector.shape_cast %get3A_98 : vector<16xi32> to vector<16xi32>
    tpu.vector_store %arg10[%swap3A_99], %swap3A_102 {strides = array<i32>} : memref<128xi32, #tpu.memory_space<vmem>>, vector<16xi32>,
    %get3A_103 = arith.constant 0 : i32
    %get3A_104 = arith.index_cast %get3A_103 : i32 to index
    %get3A_105 = arith.constant 80 : index
    %get3A_106 = tpu.vector_load %arg6[%get3A_104, %get3A_105] {strides = array<i32>} : memref<93x128xi32, #tpu.memory_space<vmem>>, vector<1x16xi32>,
    %get3A_107 = vector.shape_cast %get3A_106 : vector<1x16xi32> to vector<16xi32>
    %swap3A_108 = arith.constant 80 : index
    %swap3A_109 = tpu.vector_load %arg8[%swap3A_108] {strides = array<i32>} : memref<128xi32, #tpu.memory_space<vmem>>, vector<16xi32>,
    %swap3A_110 = vector.shape_cast %swap3A_109 : vector<16xi32> to vector<16xi32>
    %swap3A_111 = vector.shape_cast %get3A_107 : vector<16xi32> to vector<16xi32>
    tpu.vector_store %arg8[%swap3A_108], %swap3A_111 {strides = array<i32>} : memref<128xi32, #tpu.memory_space<vmem>>, vector<16xi32>,
    %get3A_112 = arith.constant 0 : i32
    %get3A_113 = arith.index_cast %get3A_112 : i32 to index
    %get3A_114 = arith.constant 80 : index
    %get3A_115 = tpu.vector_load %arg7[%get3A_113, %get3A_114] {strides = array<i32>} : memref<93x128xi32, #tpu.memory_space<vmem>>, vector<1x16xi32>,
    %get3A_116 = vector.shape_cast %get3A_115 : vector<1x16xi32> to vector<16xi32>
    %swap3A_117 = arith.constant 80 : index
    %swap3A_118 = tpu.vector_load %arg10[%swap3A_117] {strides = array<i32>} : memref<128xi32, #tpu.memory_space<vmem>>, vector<16xi32>,
    %swap3A_119 = vector.shape_cast %swap3A_118 : vector<16xi32> to vector<16xi32>
    %swap3A_120 = vector.shape_cast %get3A_116 : vector<16xi32> to vector<16xi32>
    tpu.vector_store %arg10[%swap3A_117], %swap3A_120 {strides = array<i32>} : memref<128xi32, #tpu.memory_space<vmem>>, vector<16xi32>,
    %get3A_121 = arith.constant 0 : i32
    %get3A_122 = arith.index_cast %get3A_121 : i32 to index
    %get3A_123 = arith.constant 96 : index
    %get3A_124 = tpu.vector_load %arg6[%get3A_122, %get3A_123] {strides = array<i32>} : memref<93x128xi32, #tpu.memory_space<vmem>>, vector<1x16xi32>,
    %get3A_125 = vector.shape_cast %get3A_124 : vector<1x16xi32> to vector<16xi32>
    %swap3A_126 = arith.constant 96 : index
    %swap3A_127 = tpu.vector_load %arg8[%swap3A_126] {strides = array<i32>} : memref<128xi32, #tpu.memory_space<vmem>>, vector<16xi32>,
    %swap3A_128 = vector.shape_cast %swap3A_127 : vector<16xi32> to vector<16xi32>
    %swap3A_129 = vector.shape_cast %get3A_125 : vector<16xi32> to vector<16xi32>
    tpu.vector_store %arg8[%swap3A_126], %swap3A_129 {strides = array<i32>} : memref<128xi32, #tpu.memory_space<vmem>>, vector<16xi32>,
    %get3A_130 = arith.constant 0 : i32
    %get3A_131 = arith.index_cast %get3A_130 : i32 to index
    %get3A_132 = arith.constant 96 : index
    %get3A_133 = tpu.vector_load %arg7[%get3A_131, %get3A_132] {strides = array<i32>} : memref<93x128xi32, #tpu.memory_space<vmem>>, vector<1x16xi32>,
    %get3A_134 = vector.shape_cast %get3A_133 : vector<1x16xi32> to vector<16xi32>
    %swap3A_135 = arith.constant 96 : index
    %swap3A_136 = tpu.vector_load %arg10[%swap3A_135] {strides = array<i32>} : memref<128xi32, #tpu.memory_space<vmem>>, vector<16xi32>,
    %swap3A_137 = vector.shape_cast %swap3A_136 : vector<16xi32> to vector<16xi32>
    %swap3A_138 = vector.shape_cast %get3A_134 : vector<16xi32> to vector<16xi32>
    tpu.vector_store %arg10[%swap3A_135], %swap3A_138 {strides = array<i32>} : memref<128xi32, #tpu.memory_space<vmem>>, vector<16xi32>,
    %get3A_139 = arith.constant 0 : i32
    %get3A_140 = arith.index_cast %get3A_139 : i32 to index
    %get3A_141 = arith.constant 112 : index
    %get3A_142 = tpu.vector_load %arg6[%get3A_140, %get3A_141] {strides = array<i32>} : memref<93x128xi32, #tpu.memory_space<vmem>>, vector<1x16xi32>,
    %get3A_143 = vector.shape_cast %get3A_142 : vector<1x16xi32> to vector<16xi32>
    %swap3A_144 = arith.constant 112 : index
    %swap3A_145 = tpu.vector_load %arg8[%swap3A_144] {strides = array<i32>} : memref<128xi32, #tpu.memory_space<vmem>>, vector<16xi32>,
    %swap3A_146 = vector.shape_cast %swap3A_145 : vector<16xi32> to vector<16xi32>
    %swap3A_147 = vector.shape_cast %get3A_143 : vector<16xi32> to vector<16xi32>
    tpu.vector_store %arg8[%swap3A_144], %swap3A_147 {strides = array<i32>} : memref<128xi32, #tpu.memory_space<vmem>>, vector<16xi32>,
    %get3A_148 = arith.constant 0 : i32
    %get3A_149 = arith.index_cast %get3A_148 : i32 to index
    %get3A_150 = arith.constant 112 : index
    %get3A_151 = tpu.vector_load %arg7[%get3A_149, %get3A_150] {strides = array<i32>} : memref<93x128xi32, #tpu.memory_space<vmem>>, vector<1x16xi32>,
    %get3A_152 = vector.shape_cast %get3A_151 : vector<1x16xi32> to vector<16xi32>
    %swap3A_153 = arith.constant 112 : index
    %swap3A_154 = tpu.vector_load %arg10[%swap3A_153] {strides = array<i32>} : memref<128xi32, #tpu.memory_space<vmem>>, vector<16xi32>,
    %swap3A_155 = vector.shape_cast %swap3A_154 : vector<16xi32> to vector<16xi32>
    %swap3A_156 = vector.shape_cast %get3A_152 : vector<16xi32> to vector<16xi32>
    tpu.vector_store %arg10[%swap3A_153], %swap3A_156 {strides = array<i32>} : memref<128xi32, #tpu.memory_space<vmem>>, vector<16xi32>,
    %barrier3A = arith.constant 0 : index
    tpu.barrier barrier_id(%barrier3A)
    %eq3A = arith.constant 0 : i32
    %eq3A_157 = arith.cmpi eq, %arg0, %eq3A : i32
    %jit3A = arith.constant 93 : i32
    %jit3A_158 = arith.constant 64 : i32
    %select_n3A = arith.select %eq3A_157, %jit3A, %jit3A_158 : i32
    %scan3A_159 = arith.constant 0 : i32
    %scan3A_160 = arith.constant 0 : i32
    %scan3A_161 = arith.constant 47 : i32
    %scan3A_162 = arith.addi %scan3A_160, %scan3A_161 : i32
    %scan3A_163 = arith.constant 1 : i32
    %scan3A_164 = scf.for %scan3A_171 = %scan3A_160 to %scan3A_162 step %scan3A_163 iter_args(%scan3A_172 = %scan3A_159) -> (i32)  : i32 {
      %mul3A_173 = arith.constant 2 : i32
      %mul3A_174 = arith.muli %mul3A_173, %scan3A_171 : i32
      %lt3A = arith.cmpi slt, %mul3A_174, %select_n3A : i32
      %convert_element_type3A = arith.extui %lt3A : i1 to i32
      %cond3A = arith.constant 0 : i32
      %cond3A_175 = arith.cmpi ne, %convert_element_type3A, %cond3A : i32
      scf.if %cond3A_175 {
        %dma_start3A = arith.constant 0 : i32
        %dma_start3A_183 = arith.constant 0 : i32
        %dma_start3A_184 = tpu.memref_slice %arg2[%dma_start3A, %dma_start3A_183] : memref<10240x128xf32, #tpu.memory_space<hbm>> -> memref<10240x128xf32, #tpu.memory_space<hbm>>
        tpu.enqueue_indirect_dma source(%dma_start3A_184 : memref<10240x128xf32, #tpu.memory_space<hbm>>) target(%arg12 : memref<128x128xf32, #tpu.memory_space<vmem>>) offsets(%arg8 : memref<128xi32, #tpu.memory_space<vmem>>) semaphore(%arg14 : memref<!tpu.dma_semaphore, #tpu.memory_space<semaphore_mem>>)
        %add3A_185 = arith.constant 1 : i32
        %add3A_186 = arith.addi %mul3A_174, %add3A_185 : i32
        %get3A_187 = arith.index_cast %add3A_186 : i32 to index
        %get3A_188 = arith.constant 0 : index
        %get3A_189 = tpu.vector_load %arg6[%get3A_187, %get3A_188] {strides = array<i32>} : memref<93x128xi32, #tpu.memory_space<vmem>>, vector<1x16xi32>,
        %get3A_190 = vector.shape_cast %get3A_189 : vector<1x16xi32> to vector<16xi32>
        %swap3A_191 = arith.constant 0 : index
        %swap3A_192 = tpu.vector_load %arg9[%swap3A_191] {strides = array<i32>} : memref<128xi32, #tpu.memory_space<vmem>>, vector<16xi32>,
        %swap3A_193 = vector.shape_cast %swap3A_192 : vector<16xi32> to vector<16xi32>
        %swap3A_194 = vector.shape_cast %get3A_190 : vector<16xi32> to vector<16xi32>
        tpu.vector_store %arg9[%swap3A_191], %swap3A_194 {strides = array<i32>} : memref<128xi32, #tpu.memory_space<vmem>>, vector<16xi32>,
        %get3A_195 = arith.index_cast %add3A_186 : i32 to index
        %get3A_196 = arith.constant 0 : index
        %get3A_197 = tpu.vector_load %arg7[%get3A_195, %get3A_196] {strides = array<i32>} : memref<93x128xi32, #tpu.memory_space<vmem>>, vector<1x16xi32>,
        %get3A_198 = vector.shape_cast %get3A_197 : vector<1x16xi32> to vector<16xi32>
        %swap3A_199 = arith.constant 0 : index
        %swap3A_200 = tpu.vector_load %arg11[%swap3A_199] {strides = array<i32>} : memref<128xi32, #tpu.memory_space<vmem>>, vector<16xi32>,
        %swap3A_201 = vector.shape_cast %swap3A_200 : vector<16xi32> to vector<16xi32>
        %swap3A_202 = vector.shape_cast %get3A_198 : vector<16xi32> to vector<16xi32>
        tpu.vector_store %arg11[%swap3A_199], %swap3A_202 {strides = array<i32>} : memref<128xi32, #tpu.memory_space<vmem>>, vector<16xi32>,
        %get3A_203 = arith.index_cast %add3A_186 : i32 to index
        %get3A_204 = arith.constant 16 : index
        %get3A_205 = tpu.vector_load %arg6[%get3A_203, %get3A_204] {strides = array<i32>} : memref<93x128xi32, #tpu.memory_space<vmem>>, vector<1x16xi32>,
        %get3A_206 = vector.shape_cast %get3A_205 : vector<1x16xi32> to vector<16xi32>
        %swap3A_207 = arith.constant 16 : index
        %swap3A_208 = tpu.vector_load %arg9[%swap3A_207] {strides = array<i32>} : memref<128xi32, #tpu.memory_space<vmem>>, vector<16xi32>,
        %swap3A_209 = vector.shape_cast %swap3A_208 : vector<16xi32> to vector<16xi32>
        %swap3A_210 = vector.shape_cast %get3A_206 : vector<16xi32> to vector<16xi32>
        tpu.vector_store %arg9[%swap3A_207], %swap3A_210 {strides = array<i32>} : memref<128xi32, #tpu.memory_space<vmem>>, vector<16xi32>,
        %get3A_211 = arith.index_cast %add3A_186 : i32 to index
        %get3A_212 = arith.constant 16 : index
        %get3A_213 = tpu.vector_load %arg7[%get3A_211, %get3A_212] {strides = array<i32>} : memref<93x128xi32, #tpu.memory_space<vmem>>, vector<1x16xi32>,
        %get3A_214 = vector.shape_cast %get3A_213 : vector<1x16xi32> to vector<16xi32>
        %swap3A_215 = arith.constant 16 : index
        %swap3A_216 = tpu.vector_load %arg11[%swap3A_215] {strides = array<i32>} : memref<128xi32, #tpu.memory_space<vmem>>, vector<16xi32>,
        %swap3A_217 = vector.shape_cast %swap3A_216 : vector<16xi32> to vector<16xi32>
        %swap3A_218 = vector.shape_cast %get3A_214 : vector<16xi32> to vector<16xi32>
        tpu.vector_store %arg11[%swap3A_215], %swap3A_218 {strides = array<i32>} : memref<128xi32, #tpu.memory_space<vmem>>, vector<16xi32>,
        %get3A_219 = arith.index_cast %add3A_186 : i32 to index
        %get3A_220 = arith.constant 32 : index
        %get3A_221 = tpu.vector_load %arg6[%get3A_219, %get3A_220] {strides = array<i32>} : memref<93x128xi32, #tpu.memory_space<vmem>>, vector<1x16xi32>,
        %get3A_222 = vector.shape_cast %get3A_221 : vector<1x16xi32> to vector<16xi32>
        %swap3A_223 = arith.constant 32 : index
        %swap3A_224 = tpu.vector_load %arg9[%swap3A_223] {strides = array<i32>} : memref<128xi32, #tpu.memory_space<vmem>>, vector<16xi32>,
        %swap3A_225 = vector.shape_cast %swap3A_224 : vector<16xi32> to vector<16xi32>
        %swap3A_226 = vector.shape_cast %get3A_222 : vector<16xi32> to vector<16xi32>
        tpu.vector_store %arg9[%swap3A_223], %swap3A_226 {strides = array<i32>} : memref<128xi32, #tpu.memory_space<vmem>>, vector<16xi32>,
        %get3A_227 = arith.index_cast %add3A_186 : i32 to index
        %get3A_228 = arith.constant 32 : index
        %get3A_229 = tpu.vector_load %arg7[%get3A_227, %get3A_228] {strides = array<i32>} : memref<93x128xi32, #tpu.memory_space<vmem>>, vector<1x16xi32>,
        %get3A_230 = vector.shape_cast %get3A_229 : vector<1x16xi32> to vector<16xi32>
        %swap3A_231 = arith.constant 32 : index
        %swap3A_232 = tpu.vector_load %arg11[%swap3A_231] {strides = array<i32>} : memref<128xi32, #tpu.memory_space<vmem>>, vector<16xi32>,
        %swap3A_233 = vector.shape_cast %swap3A_232 : vector<16xi32> to vector<16xi32>
        %swap3A_234 = vector.shape_cast %get3A_230 : vector<16xi32> to vector<16xi32>
        tpu.vector_store %arg11[%swap3A_231], %swap3A_234 {strides = array<i32>} : memref<128xi32, #tpu.memory_space<vmem>>, vector<16xi32>,
        %get3A_235 = arith.index_cast %add3A_186 : i32 to index
        %get3A_236 = arith.constant 48 : index
        %get3A_237 = tpu.vector_load %arg6[%get3A_235, %get3A_236] {strides = array<i32>} : memref<93x128xi32, #tpu.memory_space<vmem>>, vector<1x16xi32>,
        %get3A_238 = vector.shape_cast %get3A_237 : vector<1x16xi32> to vector<16xi32>
        %swap3A_239 = arith.constant 48 : index
        %swap3A_240 = tpu.vector_load %arg9[%swap3A_239] {strides = array<i32>} : memref<128xi32, #tpu.memory_space<vmem>>, vector<16xi32>,
        %swap3A_241 = vector.shape_cast %swap3A_240 : vector<16xi32> to vector<16xi32>
        %swap3A_242 = vector.shape_cast %get3A_238 : vector<16xi32> to vector<16xi32>
        tpu.vector_store %arg9[%swap3A_239], %swap3A_242 {strides = array<i32>} : memref<128xi32, #tpu.memory_space<vmem>>, vector<16xi32>,
        %get3A_243 = arith.index_cast %add3A_186 : i32 to index
        %get3A_244 = arith.constant 48 : index
        %get3A_245 = tpu.vector_load %arg7[%get3A_243, %get3A_244] {strides = array<i32>} : memref<93x128xi32, #tpu.memory_space<vmem>>, vector<1x16xi32>,
        %get3A_246 = vector.shape_cast %get3A_245 : vector<1x16xi32> to vector<16xi32>
        %swap3A_247 = arith.constant 48 : index
        %swap3A_248 = tpu.vector_load %arg11[%swap3A_247] {strides = array<i32>} : memref<128xi32, #tpu.memory_space<vmem>>, vector<16xi32>,
        %swap3A_249 = vector.shape_cast %swap3A_248 : vector<16xi32> to vector<16xi32>
        %swap3A_250 = vector.shape_cast %get3A_246 : vector<16xi32> to vector<16xi32>
        tpu.vector_store %arg11[%swap3A_247], %swap3A_250 {strides = array<i32>} : memref<128xi32, #tpu.memory_space<vmem>>, vector<16xi32>,
        %get3A_251 = arith.index_cast %add3A_186 : i32 to index
        %get3A_252 = arith.constant 64 : index
        %get3A_253 = tpu.vector_load %arg6[%get3A_251, %get3A_252] {strides = array<i32>} : memref<93x128xi32, #tpu.memory_space<vmem>>, vector<1x16xi32>,
        %get3A_254 = vector.shape_cast %get3A_253 : vector<1x16xi32> to vector<16xi32>
        %swap3A_255 = arith.constant 64 : index
        %swap3A_256 = tpu.vector_load %arg9[%swap3A_255] {strides = array<i32>} : memref<128xi32, #tpu.memory_space<vmem>>, vector<16xi32>,
        %swap3A_257 = vector.shape_cast %swap3A_256 : vector<16xi32> to vector<16xi32>
        %swap3A_258 = vector.shape_cast %get3A_254 : vector<16xi32> to vector<16xi32>
        tpu.vector_store %arg9[%swap3A_255], %swap3A_258 {strides = array<i32>} : memref<128xi32, #tpu.memory_space<vmem>>, vector<16xi32>,
        %get3A_259 = arith.index_cast %add3A_186 : i32 to index
        %get3A_260 = arith.constant 64 : index
        %get3A_261 = tpu.vector_load %arg7[%get3A_259, %get3A_260] {strides = array<i32>} : memref<93x128xi32, #tpu.memory_space<vmem>>, vector<1x16xi32>,
        %get3A_262 = vector.shape_cast %get3A_261 : vector<1x16xi32> to vector<16xi32>
        %swap3A_263 = arith.constant 64 : index
        %swap3A_264 = tpu.vector_load %arg11[%swap3A_263] {strides = array<i32>} : memref<128xi32, #tpu.memory_space<vmem>>, vector<16xi32>,
        %swap3A_265 = vector.shape_cast %swap3A_264 : vector<16xi32> to vector<16xi32>
        %swap3A_266 = vector.shape_cast %get3A_262 : vector<16xi32> to vector<16xi32>
        tpu.vector_store %arg11[%swap3A_263], %swap3A_266 {strides = array<i32>} : memref<128xi32, #tpu.memory_space<vmem>>, vector<16xi32>,
        %get3A_267 = arith.index_cast %add3A_186 : i32 to index
        %get3A_268 = arith.constant 80 : index
        %get3A_269 = tpu.vector_load %arg6[%get3A_267, %get3A_268] {strides = array<i32>} : memref<93x128xi32, #tpu.memory_space<vmem>>, vector<1x16xi32>,
        %get3A_270 = vector.shape_cast %get3A_269 : vector<1x16xi32> to vector<16xi32>
        %swap3A_271 = arith.constant 80 : index
        %swap3A_272 = tpu.vector_load %arg9[%swap3A_271] {strides = array<i32>} : memref<128xi32, #tpu.memory_space<vmem>>, vector<16xi32>,
        %swap3A_273 = vector.shape_cast %swap3A_272 : vector<16xi32> to vector<16xi32>
        %swap3A_274 = vector.shape_cast %get3A_270 : vector<16xi32> to vector<16xi32>
        tpu.vector_store %arg9[%swap3A_271], %swap3A_274 {strides = array<i32>} : memref<128xi32, #tpu.memory_space<vmem>>, vector<16xi32>,
        %get3A_275 = arith.index_cast %add3A_186 : i32 to index
        %get3A_276 = arith.constant 80 : index
        %get3A_277 = tpu.vector_load %arg7[%get3A_275, %get3A_276] {strides = array<i32>} : memref<93x128xi32, #tpu.memory_space<vmem>>, vector<1x16xi32>,
        %get3A_278 = vector.shape_cast %get3A_277 : vector<1x16xi32> to vector<16xi32>
        %swap3A_279 = arith.constant 80 : index
        %swap3A_280 = tpu.vector_load %arg11[%swap3A_279] {strides = array<i32>} : memref<128xi32, #tpu.memory_space<vmem>>, vector<16xi32>,
        %swap3A_281 = vector.shape_cast %swap3A_280 : vector<16xi32> to vector<16xi32>
        %swap3A_282 = vector.shape_cast %get3A_278 : vector<16xi32> to vector<16xi32>
        tpu.vector_store %arg11[%swap3A_279], %swap3A_282 {strides = array<i32>} : memref<128xi32, #tpu.memory_space<vmem>>, vector<16xi32>,
        %get3A_283 = arith.index_cast %add3A_186 : i32 to index
        %get3A_284 = arith.constant 96 : index
        %get3A_285 = tpu.vector_load %arg6[%get3A_283, %get3A_284] {strides = array<i32>} : memref<93x128xi32, #tpu.memory_space<vmem>>, vector<1x16xi32>,
        %get3A_286 = vector.shape_cast %get3A_285 : vector<1x16xi32> to vector<16xi32>
        %swap3A_287 = arith.constant 96 : index
        %swap3A_288 = tpu.vector_load %arg9[%swap3A_287] {strides = array<i32>} : memref<128xi32, #tpu.memory_space<vmem>>, vector<16xi32>,
        %swap3A_289 = vector.shape_cast %swap3A_288 : vector<16xi32> to vector<16xi32>
        %swap3A_290 = vector.shape_cast %get3A_286 : vector<16xi32> to vector<16xi32>
        tpu.vector_store %arg9[%swap3A_287], %swap3A_290 {strides = array<i32>} : memref<128xi32, #tpu.memory_space<vmem>>, vector<16xi32>,
        %get3A_291 = arith.index_cast %add3A_186 : i32 to index
        %get3A_292 = arith.constant 96 : index
        %get3A_293 = tpu.vector_load %arg7[%get3A_291, %get3A_292] {strides = array<i32>} : memref<93x128xi32, #tpu.memory_space<vmem>>, vector<1x16xi32>,
        %get3A_294 = vector.shape_cast %get3A_293 : vector<1x16xi32> to vector<16xi32>
        %swap3A_295 = arith.constant 96 : index
        %swap3A_296 = tpu.vector_load %arg11[%swap3A_295] {strides = array<i32>} : memref<128xi32, #tpu.memory_space<vmem>>, vector<16xi32>,
        %swap3A_297 = vector.shape_cast %swap3A_296 : vector<16xi32> to vector<16xi32>
        %swap3A_298 = vector.shape_cast %get3A_294 : vector<16xi32> to vector<16xi32>
        tpu.vector_store %arg11[%swap3A_295], %swap3A_298 {strides = array<i32>} : memref<128xi32, #tpu.memory_space<vmem>>, vector<16xi32>,
        %get3A_299 = arith.index_cast %add3A_186 : i32 to index
        %get3A_300 = arith.constant 112 : index
        %get3A_301 = tpu.vector_load %arg6[%get3A_299, %get3A_300] {strides = array<i32>} : memref<93x128xi32, #tpu.memory_space<vmem>>, vector<1x16xi32>,
        %get3A_302 = vector.shape_cast %get3A_301 : vector<1x16xi32> to vector<16xi32>
        %swap3A_303 = arith.constant 112 : index
        %swap3A_304 = tpu.vector_load %arg9[%swap3A_303] {strides = array<i32>} : memref<128xi32, #tpu.memory_space<vmem>>, vector<16xi32>,
        %swap3A_305 = vector.shape_cast %swap3A_304 : vector<16xi32> to vector<16xi32>
        %swap3A_306 = vector.shape_cast %get3A_302 : vector<16xi32> to vector<16xi32>
        tpu.vector_store %arg9[%swap3A_303], %swap3A_306 {strides = array<i32>} : memref<128xi32, #tpu.memory_space<vmem>>, vector<16xi32>,
        %get3A_307 = arith.index_cast %add3A_186 : i32 to index
        %get3A_308 = arith.constant 112 : index
        %get3A_309 = tpu.vector_load %arg7[%get3A_307, %get3A_308] {strides = array<i32>} : memref<93x128xi32, #tpu.memory_space<vmem>>, vector<1x16xi32>,
        %get3A_310 = vector.shape_cast %get3A_309 : vector<1x16xi32> to vector<16xi32>
        %swap3A_311 = arith.constant 112 : index
        %swap3A_312 = tpu.vector_load %arg11[%swap3A_311] {strides = array<i32>} : memref<128xi32, #tpu.memory_space<vmem>>, vector<16xi32>,
        %swap3A_313 = vector.shape_cast %swap3A_312 : vector<16xi32> to vector<16xi32>
        %swap3A_314 = vector.shape_cast %get3A_310 : vector<16xi32> to vector<16xi32>
        tpu.vector_store %arg11[%swap3A_311], %swap3A_314 {strides = array<i32>} : memref<128xi32, #tpu.memory_space<vmem>>, vector<16xi32>,
        %dma_wait3A = arith.constant 0 : i32
        %dma_wait3A_315 = arith.constant 0 : i32
        %dma_wait3A_316 = tpu.memref_slice %arg2[%dma_wait3A, %dma_wait3A_315] : memref<10240x128xf32, #tpu.memory_space<hbm>> -> memref<10240x128xf32, #tpu.memory_space<hbm>>
        tpu.wait_indirect_dma semaphore(%arg14 : memref<!tpu.dma_semaphore, #tpu.memory_space<semaphore_mem>>) src(%dma_wait3A_316 : memref<10240x128xf32, #tpu.memory_space<hbm>>) dst(%arg12 : memref<128x128xf32, #tpu.memory_space<vmem>>)
        "tpu.region"() ({
          %run_scoped3A = tpu.sem_alloc : memref<!tpu.dma_semaphore, #tpu.memory_space<semaphore_mem>>
          %dma_start3A_317 = arith.constant 0 : i32
          %dma_start3A_318 = arith.constant 0 : i32
          %dma_start3A_319 = tpu.memref_slice %arg13[%dma_start3A_317, %dma_start3A_318] : memref<10240x128xf32, #tpu.memory_space<vmem_shared>> -> memref<10240x128xf32, #tpu.memory_space<vmem_shared>>
          tpu.enqueue_indirect_dma source(%arg12 : memref<128x128xf32, #tpu.memory_space<vmem>>) target(%dma_start3A_319 : memref<10240x128xf32, #tpu.memory_space<vmem_shared>>) offsets(%arg10 : memref<128xi32, #tpu.memory_space<vmem>>) semaphore(%run_scoped3A : memref<!tpu.dma_semaphore, #tpu.memory_space<semaphore_mem>>) {add = true}
          %dma_wait3A_320 = arith.constant 0 : i32
          %dma_wait3A_321 = arith.constant 0 : i32
          %dma_wait3A_322 = tpu.memref_slice %arg13[%dma_wait3A_320, %dma_wait3A_321] : memref<10240x128xf32, #tpu.memory_space<vmem_shared>> -> memref<10240x128xf32, #tpu.memory_space<vmem_shared>>
          tpu.wait_indirect_dma semaphore(%run_scoped3A : memref<!tpu.dma_semaphore, #tpu.memory_space<semaphore_mem>>) src(%arg12 : memref<128x128xf32, #tpu.memory_space<vmem>>) dst(%dma_wait3A_322 : memref<10240x128xf32, #tpu.memory_space<vmem_shared>>)
          tpu.yield
        }) : () -> ()
      } else {
      }
      %add3A_176 = arith.constant 1 : i32
      %add3A_177 = arith.addi %mul3A_174, %add3A_176 : i32
      %lt3A_178 = arith.cmpi slt, %add3A_177, %select_n3A : i32
      %convert_element_type3A_179 = arith.extui %lt3A_178 : i1 to i32
      %cond3A_180 = arith.constant 0 : i32
      %cond3A_181 = arith.cmpi ne, %convert_element_type3A_179, %cond3A_180 : i32
      scf.if %cond3A_181 {
        %dma_start3A = arith.constant 0 : i32
        %dma_start3A_183 = arith.constant 0 : i32
        %dma_start3A_184 = tpu.memref_slice %arg2[%dma_start3A, %dma_start3A_183] : memref<10240x128xf32, #tpu.memory_space<hbm>> -> memref<10240x128xf32, #tpu.memory_space<hbm>>
        tpu.enqueue_indirect_dma source(%dma_start3A_184 : memref<10240x128xf32, #tpu.memory_space<hbm>>) target(%arg12 : memref<128x128xf32, #tpu.memory_space<vmem>>) offsets(%arg9 : memref<128xi32, #tpu.memory_space<vmem>>) semaphore(%arg14 : memref<!tpu.dma_semaphore, #tpu.memory_space<semaphore_mem>>)
        %add3A_185 = arith.constant 2 : i32
        %add3A_186 = arith.addi %mul3A_174, %add3A_185 : i32
        %get3A_187 = arith.index_cast %add3A_186 : i32 to index
        %get3A_188 = arith.constant 0 : index
        %get3A_189 = tpu.vector_load %arg6[%get3A_187, %get3A_188] {strides = array<i32>} : memref<93x128xi32, #tpu.memory_space<vmem>>, vector<1x16xi32>,
        %get3A_190 = vector.shape_cast %get3A_189 : vector<1x16xi32> to vector<16xi32>
        %swap3A_191 = arith.constant 0 : index
        %swap3A_192 = tpu.vector_load %arg8[%swap3A_191] {strides = array<i32>} : memref<128xi32, #tpu.memory_space<vmem>>, vector<16xi32>,
        %swap3A_193 = vector.shape_cast %swap3A_192 : vector<16xi32> to vector<16xi32>
        %swap3A_194 = vector.shape_cast %get3A_190 : vector<16xi32> to vector<16xi32>
        tpu.vector_store %arg8[%swap3A_191], %swap3A_194 {strides = array<i32>} : memref<128xi32, #tpu.memory_space<vmem>>, vector<16xi32>,
        %get3A_195 = arith.index_cast %add3A_186 : i32 to index
        %get3A_196 = arith.constant 0 : index
        %get3A_197 = tpu.vector_load %arg7[%get3A_195, %get3A_196] {strides = array<i32>} : memref<93x128xi32, #tpu.memory_space<vmem>>, vector<1x16xi32>,
        %get3A_198 = vector.shape_cast %get3A_197 : vector<1x16xi32> to vector<16xi32>
        %swap3A_199 = arith.constant 0 : index
        %swap3A_200 = tpu.vector_load %arg10[%swap3A_199] {strides = array<i32>} : memref<128xi32, #tpu.memory_space<vmem>>, vector<16xi32>,
        %swap3A_201 = vector.shape_cast %swap3A_200 : vector<16xi32> to vector<16xi32>
        %swap3A_202 = vector.shape_cast %get3A_198 : vector<16xi32> to vector<16xi32>
        tpu.vector_store %arg10[%swap3A_199], %swap3A_202 {strides = array<i32>} : memref<128xi32, #tpu.memory_space<vmem>>, vector<16xi32>,
        %get3A_203 = arith.index_cast %add3A_186 : i32 to index
        %get3A_204 = arith.constant 16 : index
        %get3A_205 = tpu.vector_load %arg6[%get3A_203, %get3A_204] {strides = array<i32>} : memref<93x128xi32, #tpu.memory_space<vmem>>, vector<1x16xi32>,
        %get3A_206 = vector.shape_cast %get3A_205 : vector<1x16xi32> to vector<16xi32>
        %swap3A_207 = arith.constant 16 : index
        %swap3A_208 = tpu.vector_load %arg8[%swap3A_207] {strides = array<i32>} : memref<128xi32, #tpu.memory_space<vmem>>, vector<16xi32>,
        %swap3A_209 = vector.shape_cast %swap3A_208 : vector<16xi32> to vector<16xi32>
        %swap3A_210 = vector.shape_cast %get3A_206 : vector<16xi32> to vector<16xi32>
        tpu.vector_store %arg8[%swap3A_207], %swap3A_210 {strides = array<i32>} : memref<128xi32, #tpu.memory_space<vmem>>, vector<16xi32>,
        %get3A_211 = arith.index_cast %add3A_186 : i32 to index
        %get3A_212 = arith.constant 16 : index
        %get3A_213 = tpu.vector_load %arg7[%get3A_211, %get3A_212] {strides = array<i32>} : memref<93x128xi32, #tpu.memory_space<vmem>>, vector<1x16xi32>,
        %get3A_214 = vector.shape_cast %get3A_213 : vector<1x16xi32> to vector<16xi32>
        %swap3A_215 = arith.constant 16 : index
        %swap3A_216 = tpu.vector_load %arg10[%swap3A_215] {strides = array<i32>} : memref<128xi32, #tpu.memory_space<vmem>>, vector<16xi32>,
        %swap3A_217 = vector.shape_cast %swap3A_216 : vector<16xi32> to vector<16xi32>
        %swap3A_218 = vector.shape_cast %get3A_214 : vector<16xi32> to vector<16xi32>
        tpu.vector_store %arg10[%swap3A_215], %swap3A_218 {strides = array<i32>} : memref<128xi32, #tpu.memory_space<vmem>>, vector<16xi32>,
        %get3A_219 = arith.index_cast %add3A_186 : i32 to index
        %get3A_220 = arith.constant 32 : index
        %get3A_221 = tpu.vector_load %arg6[%get3A_219, %get3A_220] {strides = array<i32>} : memref<93x128xi32, #tpu.memory_space<vmem>>, vector<1x16xi32>,
        %get3A_222 = vector.shape_cast %get3A_221 : vector<1x16xi32> to vector<16xi32>
        %swap3A_223 = arith.constant 32 : index
        %swap3A_224 = tpu.vector_load %arg8[%swap3A_223] {strides = array<i32>} : memref<128xi32, #tpu.memory_space<vmem>>, vector<16xi32>,
        %swap3A_225 = vector.shape_cast %swap3A_224 : vector<16xi32> to vector<16xi32>
        %swap3A_226 = vector.shape_cast %get3A_222 : vector<16xi32> to vector<16xi32>
        tpu.vector_store %arg8[%swap3A_223], %swap3A_226 {strides = array<i32>} : memref<128xi32, #tpu.memory_space<vmem>>, vector<16xi32>,
        %get3A_227 = arith.index_cast %add3A_186 : i32 to index
        %get3A_228 = arith.constant 32 : index
        %get3A_229 = tpu.vector_load %arg7[%get3A_227, %get3A_228] {strides = array<i32>} : memref<93x128xi32, #tpu.memory_space<vmem>>, vector<1x16xi32>,
        %get3A_230 = vector.shape_cast %get3A_229 : vector<1x16xi32> to vector<16xi32>
        %swap3A_231 = arith.constant 32 : index
        %swap3A_232 = tpu.vector_load %arg10[%swap3A_231] {strides = array<i32>} : memref<128xi32, #tpu.memory_space<vmem>>, vector<16xi32>,
        %swap3A_233 = vector.shape_cast %swap3A_232 : vector<16xi32> to vector<16xi32>
        %swap3A_234 = vector.shape_cast %get3A_230 : vector<16xi32> to vector<16xi32>
        tpu.vector_store %arg10[%swap3A_231], %swap3A_234 {strides = array<i32>} : memref<128xi32, #tpu.memory_space<vmem>>, vector<16xi32>,
        %get3A_235 = arith.index_cast %add3A_186 : i32 to index
        %get3A_236 = arith.constant 48 : index
        %get3A_237 = tpu.vector_load %arg6[%get3A_235, %get3A_236] {strides = array<i32>} : memref<93x128xi32, #tpu.memory_space<vmem>>, vector<1x16xi32>,
        %get3A_238 = vector.shape_cast %get3A_237 : vector<1x16xi32> to vector<16xi32>
        %swap3A_239 = arith.constant 48 : index
        %swap3A_240 = tpu.vector_load %arg8[%swap3A_239] {strides = array<i32>} : memref<128xi32, #tpu.memory_space<vmem>>, vector<16xi32>,
        %swap3A_241 = vector.shape_cast %swap3A_240 : vector<16xi32> to vector<16xi32>
        %swap3A_242 = vector.shape_cast %get3A_238 : vector<16xi32> to vector<16xi32>
        tpu.vector_store %arg8[%swap3A_239], %swap3A_242 {strides = array<i32>} : memref<128xi32, #tpu.memory_space<vmem>>, vector<16xi32>,
        %get3A_243 = arith.index_cast %add3A_186 : i32 to index
        %get3A_244 = arith.constant 48 : index
        %get3A_245 = tpu.vector_load %arg7[%get3A_243, %get3A_244] {strides = array<i32>} : memref<93x128xi32, #tpu.memory_space<vmem>>, vector<1x16xi32>,
        %get3A_246 = vector.shape_cast %get3A_245 : vector<1x16xi32> to vector<16xi32>
        %swap3A_247 = arith.constant 48 : index
        %swap3A_248 = tpu.vector_load %arg10[%swap3A_247] {strides = array<i32>} : memref<128xi32, #tpu.memory_space<vmem>>, vector<16xi32>,
        %swap3A_249 = vector.shape_cast %swap3A_248 : vector<16xi32> to vector<16xi32>
        %swap3A_250 = vector.shape_cast %get3A_246 : vector<16xi32> to vector<16xi32>
        tpu.vector_store %arg10[%swap3A_247], %swap3A_250 {strides = array<i32>} : memref<128xi32, #tpu.memory_space<vmem>>, vector<16xi32>,
        %get3A_251 = arith.index_cast %add3A_186 : i32 to index
        %get3A_252 = arith.constant 64 : index
        %get3A_253 = tpu.vector_load %arg6[%get3A_251, %get3A_252] {strides = array<i32>} : memref<93x128xi32, #tpu.memory_space<vmem>>, vector<1x16xi32>,
        %get3A_254 = vector.shape_cast %get3A_253 : vector<1x16xi32> to vector<16xi32>
        %swap3A_255 = arith.constant 64 : index
        %swap3A_256 = tpu.vector_load %arg8[%swap3A_255] {strides = array<i32>} : memref<128xi32, #tpu.memory_space<vmem>>, vector<16xi32>,
        %swap3A_257 = vector.shape_cast %swap3A_256 : vector<16xi32> to vector<16xi32>
        %swap3A_258 = vector.shape_cast %get3A_254 : vector<16xi32> to vector<16xi32>
        tpu.vector_store %arg8[%swap3A_255], %swap3A_258 {strides = array<i32>} : memref<128xi32, #tpu.memory_space<vmem>>, vector<16xi32>,
        %get3A_259 = arith.index_cast %add3A_186 : i32 to index
        %get3A_260 = arith.constant 64 : index
        %get3A_261 = tpu.vector_load %arg7[%get3A_259, %get3A_260] {strides = array<i32>} : memref<93x128xi32, #tpu.memory_space<vmem>>, vector<1x16xi32>,
        %get3A_262 = vector.shape_cast %get3A_261 : vector<1x16xi32> to vector<16xi32>
        %swap3A_263 = arith.constant 64 : index
        %swap3A_264 = tpu.vector_load %arg10[%swap3A_263] {strides = array<i32>} : memref<128xi32, #tpu.memory_space<vmem>>, vector<16xi32>,
        %swap3A_265 = vector.shape_cast %swap3A_264 : vector<16xi32> to vector<16xi32>
        %swap3A_266 = vector.shape_cast %get3A_262 : vector<16xi32> to vector<16xi32>
        tpu.vector_store %arg10[%swap3A_263], %swap3A_266 {strides = array<i32>} : memref<128xi32, #tpu.memory_space<vmem>>, vector<16xi32>,
        %get3A_267 = arith.index_cast %add3A_186 : i32 to index
        %get3A_268 = arith.constant 80 : index
        %get3A_269 = tpu.vector_load %arg6[%get3A_267, %get3A_268] {strides = array<i32>} : memref<93x128xi32, #tpu.memory_space<vmem>>, vector<1x16xi32>,
        %get3A_270 = vector.shape_cast %get3A_269 : vector<1x16xi32> to vector<16xi32>
        %swap3A_271 = arith.constant 80 : index
        %swap3A_272 = tpu.vector_load %arg8[%swap3A_271] {strides = array<i32>} : memref<128xi32, #tpu.memory_space<vmem>>, vector<16xi32>,
        %swap3A_273 = vector.shape_cast %swap3A_272 : vector<16xi32> to vector<16xi32>
        %swap3A_274 = vector.shape_cast %get3A_270 : vector<16xi32> to vector<16xi32>
        tpu.vector_store %arg8[%swap3A_271], %swap3A_274 {strides = array<i32>} : memref<128xi32, #tpu.memory_space<vmem>>, vector<16xi32>,
        %get3A_275 = arith.index_cast %add3A_186 : i32 to index
        %get3A_276 = arith.constant 80 : index
        %get3A_277 = tpu.vector_load %arg7[%get3A_275, %get3A_276] {strides = array<i32>} : memref<93x128xi32, #tpu.memory_space<vmem>>, vector<1x16xi32>,
        %get3A_278 = vector.shape_cast %get3A_277 : vector<1x16xi32> to vector<16xi32>
        %swap3A_279 = arith.constant 80 : index
        %swap3A_280 = tpu.vector_load %arg10[%swap3A_279] {strides = array<i32>} : memref<128xi32, #tpu.memory_space<vmem>>, vector<16xi32>,
        %swap3A_281 = vector.shape_cast %swap3A_280 : vector<16xi32> to vector<16xi32>
        %swap3A_282 = vector.shape_cast %get3A_278 : vector<16xi32> to vector<16xi32>
        tpu.vector_store %arg10[%swap3A_279], %swap3A_282 {strides = array<i32>} : memref<128xi32, #tpu.memory_space<vmem>>, vector<16xi32>,
        %get3A_283 = arith.index_cast %add3A_186 : i32 to index
        %get3A_284 = arith.constant 96 : index
        %get3A_285 = tpu.vector_load %arg6[%get3A_283, %get3A_284] {strides = array<i32>} : memref<93x128xi32, #tpu.memory_space<vmem>>, vector<1x16xi32>,
        %get3A_286 = vector.shape_cast %get3A_285 : vector<1x16xi32> to vector<16xi32>
        %swap3A_287 = arith.constant 96 : index
        %swap3A_288 = tpu.vector_load %arg8[%swap3A_287] {strides = array<i32>} : memref<128xi32, #tpu.memory_space<vmem>>, vector<16xi32>,
        %swap3A_289 = vector.shape_cast %swap3A_288 : vector<16xi32> to vector<16xi32>
        %swap3A_290 = vector.shape_cast %get3A_286 : vector<16xi32> to vector<16xi32>
        tpu.vector_store %arg8[%swap3A_287], %swap3A_290 {strides = array<i32>} : memref<128xi32, #tpu.memory_space<vmem>>, vector<16xi32>,
        %get3A_291 = arith.index_cast %add3A_186 : i32 to index
        %get3A_292 = arith.constant 96 : index
        %get3A_293 = tpu.vector_load %arg7[%get3A_291, %get3A_292] {strides = array<i32>} : memref<93x128xi32, #tpu.memory_space<vmem>>, vector<1x16xi32>,
        %get3A_294 = vector.shape_cast %get3A_293 : vector<1x16xi32> to vector<16xi32>
        %swap3A_295 = arith.constant 96 : index
        %swap3A_296 = tpu.vector_load %arg10[%swap3A_295] {strides = array<i32>} : memref<128xi32, #tpu.memory_space<vmem>>, vector<16xi32>,
        %swap3A_297 = vector.shape_cast %swap3A_296 : vector<16xi32> to vector<16xi32>
        %swap3A_298 = vector.shape_cast %get3A_294 : vector<16xi32> to vector<16xi32>
        tpu.vector_store %arg10[%swap3A_295], %swap3A_298 {strides = array<i32>} : memref<128xi32, #tpu.memory_space<vmem>>, vector<16xi32>,
        %get3A_299 = arith.index_cast %add3A_186 : i32 to index
        %get3A_300 = arith.constant 112 : index
        %get3A_301 = tpu.vector_load %arg6[%get3A_299, %get3A_300] {strides = array<i32>} : memref<93x128xi32, #tpu.memory_space<vmem>>, vector<1x16xi32>,
        %get3A_302 = vector.shape_cast %get3A_301 : vector<1x16xi32> to vector<16xi32>
        %swap3A_303 = arith.constant 112 : index
        %swap3A_304 = tpu.vector_load %arg8[%swap3A_303] {strides = array<i32>} : memref<128xi32, #tpu.memory_space<vmem>>, vector<16xi32>,
        %swap3A_305 = vector.shape_cast %swap3A_304 : vector<16xi32> to vector<16xi32>
        %swap3A_306 = vector.shape_cast %get3A_302 : vector<16xi32> to vector<16xi32>
        tpu.vector_store %arg8[%swap3A_303], %swap3A_306 {strides = array<i32>} : memref<128xi32, #tpu.memory_space<vmem>>, vector<16xi32>,
        %get3A_307 = arith.index_cast %add3A_186 : i32 to index
        %get3A_308 = arith.constant 112 : index
        %get3A_309 = tpu.vector_load %arg7[%get3A_307, %get3A_308] {strides = array<i32>} : memref<93x128xi32, #tpu.memory_space<vmem>>, vector<1x16xi32>,
        %get3A_310 = vector.shape_cast %get3A_309 : vector<1x16xi32> to vector<16xi32>
        %swap3A_311 = arith.constant 112 : index
        %swap3A_312 = tpu.vector_load %arg10[%swap3A_311] {strides = array<i32>} : memref<128xi32, #tpu.memory_space<vmem>>, vector<16xi32>,
        %swap3A_313 = vector.shape_cast %swap3A_312 : vector<16xi32> to vector<16xi32>
        %swap3A_314 = vector.shape_cast %get3A_310 : vector<16xi32> to vector<16xi32>
        tpu.vector_store %arg10[%swap3A_311], %swap3A_314 {strides = array<i32>} : memref<128xi32, #tpu.memory_space<vmem>>, vector<16xi32>,
        %dma_wait3A = arith.constant 0 : i32
        %dma_wait3A_315 = arith.constant 0 : i32
        %dma_wait3A_316 = tpu.memref_slice %arg2[%dma_wait3A, %dma_wait3A_315] : memref<10240x128xf32, #tpu.memory_space<hbm>> -> memref<10240x128xf32, #tpu.memory_space<hbm>>
        tpu.wait_indirect_dma semaphore(%arg14 : memref<!tpu.dma_semaphore, #tpu.memory_space<semaphore_mem>>) src(%dma_wait3A_316 : memref<10240x128xf32, #tpu.memory_space<hbm>>) dst(%arg12 : memref<128x128xf32, #tpu.memory_space<vmem>>)
        "tpu.region"() ({
          %run_scoped3A = tpu.sem_alloc : memref<!tpu.dma_semaphore, #tpu.memory_space<semaphore_mem>>
          %dma_start3A_317 = arith.constant 0 : i32
          %dma_start3A_318 = arith.constant 0 : i32
          %dma_start3A_319 = tpu.memref_slice %arg13[%dma_start3A_317, %dma_start3A_318] : memref<10240x128xf32, #tpu.memory_space<vmem_shared>> -> memref<10240x128xf32, #tpu.memory_space<vmem_shared>>
          tpu.enqueue_indirect_dma source(%arg12 : memref<128x128xf32, #tpu.memory_space<vmem>>) target(%dma_start3A_319 : memref<10240x128xf32, #tpu.memory_space<vmem_shared>>) offsets(%arg11 : memref<128xi32, #tpu.memory_space<vmem>>) semaphore(%run_scoped3A : memref<!tpu.dma_semaphore, #tpu.memory_space<semaphore_mem>>) {add = true}
          %dma_wait3A_320 = arith.constant 0 : i32
          %dma_wait3A_321 = arith.constant 0 : i32
          %dma_wait3A_322 = tpu.memref_slice %arg13[%dma_wait3A_320, %dma_wait3A_321] : memref<10240x128xf32, #tpu.memory_space<vmem_shared>> -> memref<10240x128xf32, #tpu.memory_space<vmem_shared>>
          tpu.wait_indirect_dma semaphore(%run_scoped3A : memref<!tpu.dma_semaphore, #tpu.memory_space<semaphore_mem>>) src(%arg12 : memref<128x128xf32, #tpu.memory_space<vmem>>) dst(%dma_wait3A_322 : memref<10240x128xf32, #tpu.memory_space<vmem_shared>>)
          tpu.yield
        }) : () -> ()
      } else {
      }
      %scan3A_182 = arith.constant 0 : i32
      scf.yield %scan3A_182 : i32
    }
    %scan3A_165 = arith.constant 47 : i32
    %barrier3A_166 = arith.constant 0 : index
    tpu.barrier barrier_id(%barrier3A_166)
    %mul3A_167 = arith.constant 640 : i32
    %mul3A_168 = arith.muli %arg1, %mul3A_167 : i32
    %mul3A_169 = arith.constant 640 : i32
    %mul3A_170 = arith.muli %arg1, %mul3A_169 : i32
    "tpu.region"() ({
      %run_scoped3A = tpu.sem_alloc : memref<!tpu.dma_semaphore, #tpu.memory_space<semaphore_mem>>
      %dma_start3A = arith.constant 0 : i32
      %dma_start3A_171 = tpu.memref_slice %arg5[%arg0, %mul3A_170, %dma_start3A] : memref<2x10240x128xf32, #tpu.memory_space<hbm>> -> memref<1x640x128xf32, #tpu.memory_space<hbm>>
      %dma_start3A_172 = tpu.memref_squeeze %dma_start3A_171 : memref<1x640x128xf32, #tpu.memory_space<hbm>> -> memref<640x128xf32, #tpu.memory_space<hbm>>
      %dma_start3A_173 = arith.constant 0 : i32
      %dma_start3A_174 = tpu.memref_slice %arg13[%mul3A_168, %dma_start3A_173] : memref<10240x128xf32, #tpu.memory_space<vmem_shared>> -> memref<640x128xf32, #tpu.memory_space<vmem_shared>>
      tpu.enqueue_dma source(%dma_start3A_174 : memref<640x128xf32, #tpu.memory_space<vmem_shared>>) target(%dma_start3A_172 : memref<640x128xf32, #tpu.memory_space<hbm>>) target_semaphore(%run_scoped3A : memref<!tpu.dma_semaphore, #tpu.memory_space<semaphore_mem>>)
      %dma_wait3A = arith.constant 0 : i32
      %dma_wait3A_175 = tpu.memref_slice %arg5[%arg0, %mul3A_170, %dma_wait3A] : memref<2x10240x128xf32, #tpu.memory_space<hbm>> -> memref<1x640x128xf32, #tpu.memory_space<hbm>>
      %dma_wait3A_176 = tpu.memref_squeeze %dma_wait3A_175 : memref<1x640x128xf32, #tpu.memory_space<hbm>> -> memref<640x128xf32, #tpu.memory_space<hbm>>
      %dma_wait3A_177 = arith.constant 0 : i32
      %dma_wait3A_178 = tpu.memref_slice %arg13[%mul3A_168, %dma_wait3A_177] : memref<10240x128xf32, #tpu.memory_space<vmem_shared>> -> memref<640x128xf32, #tpu.memory_space<vmem_shared>>
      tpu.wait_dma2 semaphore(%run_scoped3A : memref<!tpu.dma_semaphore, #tpu.memory_space<semaphore_mem>>) src(%dma_wait3A_178 : memref<640x128xf32, #tpu.memory_space<vmem_shared>>) dst(%dma_wait3A_176 : memref<640x128xf32, #tpu.memory_space<hbm>>)
      tpu.yield
    }) : () -> ()
    return
  }
}

#map = affine_map<(d0, d1) -> (0, 0)>
#map1 = affine_map<(d0, d1) -> (0, 0, 0)>
module attributes {stable_mosaic.version = 14 : i64} {
  func.func @_seg_sum_body(%arg0: i32, %arg1: i32, %arg2: memref<10240x128xf32, #tpu.memory_space<hbm>>, %arg3: memref<32x93x128xi32, #tpu.memory_space<hbm>>, %arg4: memref<32x93x128xi32, #tpu.memory_space<hbm>>, %arg5: memref<2x10240x128xf32, #tpu.memory_space<hbm>>, %arg6: memref<93x128xi32, #tpu.memory_space<vmem>>, %arg7: memref<93x128xi32, #tpu.memory_space<vmem>>, %arg8: memref<128xi32, #tpu.memory_space<vmem>>, %arg9: memref<128xi32, #tpu.memory_space<vmem>>, %arg10: memref<128xi32, #tpu.memory_space<vmem>>, %arg11: memref<128xi32, #tpu.memory_space<vmem>>, %arg12: memref<128x128xf32, #tpu.memory_space<vmem>>, %arg13: memref<10240x128xf32, #tpu.memory_space<vmem_shared>>, %arg14: memref<!tpu.dma_semaphore, #tpu.memory_space<semaphore_mem>>) attributes {dimension_semantics = [#tpu.dimension_semantics<core_parallel>, #tpu.dimension_semantics<subcore_parallel>], iteration_bounds = array<i64: 2, 16>, scalar_prefetch = 0 : i64, scratch_operands = 9 : i64, tpu.core_type = #tpu.core_type<sc_vector_subcore>, window_params = [{transform_indices = #map}, {transform_indices = #map1}, {transform_indices = #map1}, {transform_indices = #map1}]} {
    %mul3A = arith.constant 16 : i32
    %mul3A_0 = arith.muli %arg0, %mul3A : i32
    %add3A = arith.addi %mul3A_0, %arg1 : i32
    %broadcast_in_dim3A = arith.constant 0.000000e+00 : f32
    %broadcast_in_dim3A_1 = vector.broadcast %broadcast_in_dim3A : f32 to vector<16xf32>
    %scan3A = arith.constant 0 : i32
    %scan3A_2 = arith.constant 0 : i32
    %scan3A_3 = arith.constant 128 : i32
    %scan3A_4 = arith.addi %scan3A_2, %scan3A_3 : i32
    %scan3A_5 = arith.constant 1 : i32
    %scan3A_6 = scf.for %scan3A_171 = %scan3A_2 to %scan3A_4 step %scan3A_5 iter_args(%scan3A_172 = %scan3A) -> (i32)  : i32 {
      %swap3A_173 = arith.index_cast %scan3A_171 : i32 to index
      %swap3A_174 = arith.constant 0 : index
      %swap3A_175 = tpu.vector_load %arg12[%swap3A_173, %swap3A_174] {strides = array<i32>} : memref<128x128xf32, #tpu.memory_space<vmem>>, vector<1x16xf32>,
      %swap3A_176 = vector.shape_cast %swap3A_175 : vector<1x16xf32> to vector<16xf32>
      %swap3A_177 = vector.shape_cast %broadcast_in_dim3A_1 : vector<16xf32> to vector<1x16xf32>
      tpu.vector_store %arg12[%swap3A_173, %swap3A_174], %swap3A_177 {strides = array<i32>} : memref<128x128xf32, #tpu.memory_space<vmem>>, vector<1x16xf32>,
      %swap3A_178 = arith.index_cast %scan3A_171 : i32 to index
      %swap3A_179 = arith.constant 16 : index
      %swap3A_180 = tpu.vector_load %arg12[%swap3A_178, %swap3A_179] {strides = array<i32>} : memref<128x128xf32, #tpu.memory_space<vmem>>, vector<1x16xf32>,
      %swap3A_181 = vector.shape_cast %swap3A_180 : vector<1x16xf32> to vector<16xf32>
      %swap3A_182 = vector.shape_cast %broadcast_in_dim3A_1 : vector<16xf32> to vector<1x16xf32>
      tpu.vector_store %arg12[%swap3A_178, %swap3A_179], %swap3A_182 {strides = array<i32>} : memref<128x128xf32, #tpu.memory_space<vmem>>, vector<1x16xf32>,
      %swap3A_183 = arith.index_cast %scan3A_171 : i32 to index
      %swap3A_184 = arith.constant 32 : index
      %swap3A_185 = tpu.vector_load %arg12[%swap3A_183, %swap3A_184] {strides = array<i32>} : memref<128x128xf32, #tpu.memory_space<vmem>>, vector<1x16xf32>,
      %swap3A_186 = vector.shape_cast %swap3A_185 : vector<1x16xf32> to vector<16xf32>
      %swap3A_187 = vector.shape_cast %broadcast_in_dim3A_1 : vector<16xf32> to vector<1x16xf32>
      tpu.vector_store %arg12[%swap3A_183, %swap3A_184], %swap3A_187 {strides = array<i32>} : memref<128x128xf32, #tpu.memory_space<vmem>>, vector<1x16xf32>,
      %swap3A_188 = arith.index_cast %scan3A_171 : i32 to index
      %swap3A_189 = arith.constant 48 : index
      %swap3A_190 = tpu.vector_load %arg12[%swap3A_188, %swap3A_189] {strides = array<i32>} : memref<128x128xf32, #tpu.memory_space<vmem>>, vector<1x16xf32>,
      %swap3A_191 = vector.shape_cast %swap3A_190 : vector<1x16xf32> to vector<16xf32>
      %swap3A_192 = vector.shape_cast %broadcast_in_dim3A_1 : vector<16xf32> to vector<1x16xf32>
      tpu.vector_store %arg12[%swap3A_188, %swap3A_189], %swap3A_192 {strides = array<i32>} : memref<128x128xf32, #tpu.memory_space<vmem>>, vector<1x16xf32>,
      %swap3A_193 = arith.index_cast %scan3A_171 : i32 to index
      %swap3A_194 = arith.constant 64 : index
      %swap3A_195 = tpu.vector_load %arg12[%swap3A_193, %swap3A_194] {strides = array<i32>} : memref<128x128xf32, #tpu.memory_space<vmem>>, vector<1x16xf32>,
      %swap3A_196 = vector.shape_cast %swap3A_195 : vector<1x16xf32> to vector<16xf32>
      %swap3A_197 = vector.shape_cast %broadcast_in_dim3A_1 : vector<16xf32> to vector<1x16xf32>
      tpu.vector_store %arg12[%swap3A_193, %swap3A_194], %swap3A_197 {strides = array<i32>} : memref<128x128xf32, #tpu.memory_space<vmem>>, vector<1x16xf32>,
      %swap3A_198 = arith.index_cast %scan3A_171 : i32 to index
      %swap3A_199 = arith.constant 80 : index
      %swap3A_200 = tpu.vector_load %arg12[%swap3A_198, %swap3A_199] {strides = array<i32>} : memref<128x128xf32, #tpu.memory_space<vmem>>, vector<1x16xf32>,
      %swap3A_201 = vector.shape_cast %swap3A_200 : vector<1x16xf32> to vector<16xf32>
      %swap3A_202 = vector.shape_cast %broadcast_in_dim3A_1 : vector<16xf32> to vector<1x16xf32>
      tpu.vector_store %arg12[%swap3A_198, %swap3A_199], %swap3A_202 {strides = array<i32>} : memref<128x128xf32, #tpu.memory_space<vmem>>, vector<1x16xf32>,
      %swap3A_203 = arith.index_cast %scan3A_171 : i32 to index
      %swap3A_204 = arith.constant 96 : index
      %swap3A_205 = tpu.vector_load %arg12[%swap3A_203, %swap3A_204] {strides = array<i32>} : memref<128x128xf32, #tpu.memory_space<vmem>>, vector<1x16xf32>,
      %swap3A_206 = vector.shape_cast %swap3A_205 : vector<1x16xf32> to vector<16xf32>
      %swap3A_207 = vector.shape_cast %broadcast_in_dim3A_1 : vector<16xf32> to vector<1x16xf32>
      tpu.vector_store %arg12[%swap3A_203, %swap3A_204], %swap3A_207 {strides = array<i32>} : memref<128x128xf32, #tpu.memory_space<vmem>>, vector<1x16xf32>,
      %swap3A_208 = arith.index_cast %scan3A_171 : i32 to index
      %swap3A_209 = arith.constant 112 : index
      %swap3A_210 = tpu.vector_load %arg12[%swap3A_208, %swap3A_209] {strides = array<i32>} : memref<128x128xf32, #tpu.memory_space<vmem>>, vector<1x16xf32>,
      %swap3A_211 = vector.shape_cast %swap3A_210 : vector<1x16xf32> to vector<16xf32>
      %swap3A_212 = vector.shape_cast %broadcast_in_dim3A_1 : vector<16xf32> to vector<1x16xf32>
      tpu.vector_store %arg12[%swap3A_208, %swap3A_209], %swap3A_212 {strides = array<i32>} : memref<128x128xf32, #tpu.memory_space<vmem>>, vector<1x16xf32>,
      %scan3A_213 = arith.constant 0 : i32
      scf.yield %scan3A_213 : i32
    }
    %scan3A_7 = arith.constant 128 : i32
    "tpu.region"() ({
      %run_scoped3A = tpu.sem_alloc : memref<!tpu.dma_semaphore, #tpu.memory_space<semaphore_mem>>
      %dma_start3A = arith.constant 0 : i32
      %dma_start3A_171 = arith.constant 0 : i32
      %dma_start3A_172 = tpu.memref_slice %arg3[%add3A, %dma_start3A, %dma_start3A_171] : memref<32x93x128xi32, #tpu.memory_space<hbm>> -> memref<1x93x128xi32, #tpu.memory_space<hbm>>
      %dma_start3A_173 = tpu.memref_squeeze %dma_start3A_172 : memref<1x93x128xi32, #tpu.memory_space<hbm>> -> memref<93x128xi32, #tpu.memory_space<hbm>>
      %dma_start3A_174 = arith.constant 0 : i32
      %dma_start3A_175 = arith.constant 0 : i32
      %dma_start3A_176 = tpu.memref_slice %arg3[%add3A, %dma_start3A_174, %dma_start3A_175] : memref<32x93x128xi32, #tpu.memory_space<hbm>> -> memref<1x93x128xi32, #tpu.memory_space<hbm>>
      %dma_start3A_177 = tpu.memref_squeeze %dma_start3A_176 : memref<1x93x128xi32, #tpu.memory_space<hbm>> -> memref<93x128xi32, #tpu.memory_space<hbm>>
      tpu.enqueue_dma source(%dma_start3A_177 : memref<93x128xi32, #tpu.memory_space<hbm>>) target(%arg6 : memref<93x128xi32, #tpu.memory_space<vmem>>) target_semaphore(%run_scoped3A : memref<!tpu.dma_semaphore, #tpu.memory_space<semaphore_mem>>)
      %dma_wait3A = arith.constant 0 : i32
      %dma_wait3A_178 = arith.constant 0 : i32
      %dma_wait3A_179 = tpu.memref_slice %arg3[%add3A, %dma_wait3A, %dma_wait3A_178] : memref<32x93x128xi32, #tpu.memory_space<hbm>> -> memref<1x93x128xi32, #tpu.memory_space<hbm>>
      %dma_wait3A_180 = tpu.memref_squeeze %dma_wait3A_179 : memref<1x93x128xi32, #tpu.memory_space<hbm>> -> memref<93x128xi32, #tpu.memory_space<hbm>>
      %dma_wait3A_181 = arith.constant 0 : i32
      %dma_wait3A_182 = arith.constant 0 : i32
      %dma_wait3A_183 = tpu.memref_slice %arg3[%add3A, %dma_wait3A_181, %dma_wait3A_182] : memref<32x93x128xi32, #tpu.memory_space<hbm>> -> memref<1x93x128xi32, #tpu.memory_space<hbm>>
      %dma_wait3A_184 = tpu.memref_squeeze %dma_wait3A_183 : memref<1x93x128xi32, #tpu.memory_space<hbm>> -> memref<93x128xi32, #tpu.memory_space<hbm>>
      tpu.wait_dma2 semaphore(%run_scoped3A : memref<!tpu.dma_semaphore, #tpu.memory_space<semaphore_mem>>) src(%dma_wait3A_184 : memref<93x128xi32, #tpu.memory_space<hbm>>) dst(%arg6 : memref<93x128xi32, #tpu.memory_space<vmem>>)
      tpu.yield
    }) : () -> ()
    "tpu.region"() ({
      %run_scoped3A = tpu.sem_alloc : memref<!tpu.dma_semaphore, #tpu.memory_space<semaphore_mem>>
      %dma_start3A = arith.constant 0 : i32
      %dma_start3A_171 = arith.constant 0 : i32
      %dma_start3A_172 = tpu.memref_slice %arg4[%add3A, %dma_start3A, %dma_start3A_171] : memref<32x93x128xi32, #tpu.memory_space<hbm>> -> memref<1x93x128xi32, #tpu.memory_space<hbm>>
      %dma_start3A_173 = tpu.memref_squeeze %dma_start3A_172 : memref<1x93x128xi32, #tpu.memory_space<hbm>> -> memref<93x128xi32, #tpu.memory_space<hbm>>
      %dma_start3A_174 = arith.constant 0 : i32
      %dma_start3A_175 = arith.constant 0 : i32
      %dma_start3A_176 = tpu.memref_slice %arg4[%add3A, %dma_start3A_174, %dma_start3A_175] : memref<32x93x128xi32, #tpu.memory_space<hbm>> -> memref<1x93x128xi32, #tpu.memory_space<hbm>>
      %dma_start3A_177 = tpu.memref_squeeze %dma_start3A_176 : memref<1x93x128xi32, #tpu.memory_space<hbm>> -> memref<93x128xi32, #tpu.memory_space<hbm>>
      tpu.enqueue_dma source(%dma_start3A_177 : memref<93x128xi32, #tpu.memory_space<hbm>>) target(%arg7 : memref<93x128xi32, #tpu.memory_space<vmem>>) target_semaphore(%run_scoped3A : memref<!tpu.dma_semaphore, #tpu.memory_space<semaphore_mem>>)
      %dma_wait3A = arith.constant 0 : i32
      %dma_wait3A_178 = arith.constant 0 : i32
      %dma_wait3A_179 = tpu.memref_slice %arg4[%add3A, %dma_wait3A, %dma_wait3A_178] : memref<32x93x128xi32, #tpu.memory_space<hbm>> -> memref<1x93x128xi32, #tpu.memory_space<hbm>>
      %dma_wait3A_180 = tpu.memref_squeeze %dma_wait3A_179 : memref<1x93x128xi32, #tpu.memory_space<hbm>> -> memref<93x128xi32, #tpu.memory_space<hbm>>
      %dma_wait3A_181 = arith.constant 0 : i32
      %dma_wait3A_182 = arith.constant 0 : i32
      %dma_wait3A_183 = tpu.memref_slice %arg4[%add3A, %dma_wait3A_181, %dma_wait3A_182] : memref<32x93x128xi32, #tpu.memory_space<hbm>> -> memref<1x93x128xi32, #tpu.memory_space<hbm>>
      %dma_wait3A_184 = tpu.memref_squeeze %dma_wait3A_183 : memref<1x93x128xi32, #tpu.memory_space<hbm>> -> memref<93x128xi32, #tpu.memory_space<hbm>>
      tpu.wait_dma2 semaphore(%run_scoped3A : memref<!tpu.dma_semaphore, #tpu.memory_space<semaphore_mem>>) src(%dma_wait3A_184 : memref<93x128xi32, #tpu.memory_space<hbm>>) dst(%arg7 : memref<93x128xi32, #tpu.memory_space<vmem>>)
      tpu.yield
    }) : () -> ()
    %scan3A_8 = arith.constant 0 : i32
    %scan3A_9 = arith.constant 0 : i32
    %scan3A_10 = arith.constant 5 : i32
    %scan3A_11 = arith.addi %scan3A_9, %scan3A_10 : i32
    %scan3A_12 = arith.constant 1 : i32
    %scan3A_13 = scf.for %scan3A_171 = %scan3A_9 to %scan3A_11 step %scan3A_12 iter_args(%scan3A_172 = %scan3A_8) -> (i32)  : i32 {
      %mul3A_173 = arith.constant 640 : i32
      %mul3A_174 = arith.muli %arg1, %mul3A_173 : i32
      %mul3A_175 = arith.constant 128 : i32
      %mul3A_176 = arith.muli %scan3A_171, %mul3A_175 : i32
      %add3A_177 = arith.addi %mul3A_174, %mul3A_176 : i32
      "tpu.region"() ({
        %run_scoped3A = tpu.sem_alloc : memref<!tpu.dma_semaphore, #tpu.memory_space<semaphore_mem>>
        %dma_start3A = arith.constant 0 : i32
        %dma_start3A_179 = tpu.memref_slice %arg13[%add3A_177, %dma_start3A] : memref<10240x128xf32, #tpu.memory_space<vmem_shared>> -> memref<128x128xf32, #tpu.memory_space<vmem_shared>>
        %dma_start3A_180 = arith.constant 0 : i32
        %dma_start3A_181 = tpu.memref_slice %arg13[%add3A_177, %dma_start3A_180] : memref<10240x128xf32, #tpu.memory_space<vmem_shared>> -> memref<128x128xf32, #tpu.memory_space<vmem_shared>>
        tpu.enqueue_dma source(%arg12 : memref<128x128xf32, #tpu.memory_space<vmem>>) target(%dma_start3A_181 : memref<128x128xf32, #tpu.memory_space<vmem_shared>>) target_semaphore(%run_scoped3A : memref<!tpu.dma_semaphore, #tpu.memory_space<semaphore_mem>>)
        %dma_wait3A = arith.constant 0 : i32
        %dma_wait3A_182 = tpu.memref_slice %arg13[%add3A_177, %dma_wait3A] : memref<10240x128xf32, #tpu.memory_space<vmem_shared>> -> memref<128x128xf32, #tpu.memory_space<vmem_shared>>
        %dma_wait3A_183 = arith.constant 0 : i32
        %dma_wait3A_184 = tpu.memref_slice %arg13[%add3A_177, %dma_wait3A_183] : memref<10240x128xf32, #tpu.memory_space<vmem_shared>> -> memref<128x128xf32, #tpu.memory_space<vmem_shared>>
        tpu.wait_dma2 semaphore(%run_scoped3A : memref<!tpu.dma_semaphore, #tpu.memory_space<semaphore_mem>>) src(%arg12 : memref<128x128xf32, #tpu.memory_space<vmem>>) dst(%dma_wait3A_184 : memref<128x128xf32, #tpu.memory_space<vmem_shared>>)
        tpu.yield
      }) : () -> ()
      %scan3A_178 = arith.constant 0 : i32
      scf.yield %scan3A_178 : i32
    }
    %scan3A_14 = arith.constant 5 : i32
    %get3A = arith.constant 0 : i32
    %get3A_15 = arith.index_cast %get3A : i32 to index
    %get3A_16 = arith.constant 0 : index
    %get3A_17 = tpu.vector_load %arg6[%get3A_15, %get3A_16] {strides = array<i32>} : memref<93x128xi32, #tpu.memory_space<vmem>>, vector<1x16xi32>,
    %get3A_18 = vector.shape_cast %get3A_17 : vector<1x16xi32> to vector<16xi32>
    %swap3A = arith.constant 0 : index
    %swap3A_19 = tpu.vector_load %arg8[%swap3A] {strides = array<i32>} : memref<128xi32, #tpu.memory_space<vmem>>, vector<16xi32>,
    %swap3A_20 = vector.shape_cast %swap3A_19 : vector<16xi32> to vector<16xi32>
    %swap3A_21 = vector.shape_cast %get3A_18 : vector<16xi32> to vector<16xi32>
    tpu.vector_store %arg8[%swap3A], %swap3A_21 {strides = array<i32>} : memref<128xi32, #tpu.memory_space<vmem>>, vector<16xi32>,
    %get3A_22 = arith.constant 0 : i32
    %get3A_23 = arith.index_cast %get3A_22 : i32 to index
    %get3A_24 = arith.constant 0 : index
    %get3A_25 = tpu.vector_load %arg7[%get3A_23, %get3A_24] {strides = array<i32>} : memref<93x128xi32, #tpu.memory_space<vmem>>, vector<1x16xi32>,
    %get3A_26 = vector.shape_cast %get3A_25 : vector<1x16xi32> to vector<16xi32>
    %swap3A_27 = arith.constant 0 : index
    %swap3A_28 = tpu.vector_load %arg10[%swap3A_27] {strides = array<i32>} : memref<128xi32, #tpu.memory_space<vmem>>, vector<16xi32>,
    %swap3A_29 = vector.shape_cast %swap3A_28 : vector<16xi32> to vector<16xi32>
    %swap3A_30 = vector.shape_cast %get3A_26 : vector<16xi32> to vector<16xi32>
    tpu.vector_store %arg10[%swap3A_27], %swap3A_30 {strides = array<i32>} : memref<128xi32, #tpu.memory_space<vmem>>, vector<16xi32>,
    %get3A_31 = arith.constant 0 : i32
    %get3A_32 = arith.index_cast %get3A_31 : i32 to index
    %get3A_33 = arith.constant 16 : index
    %get3A_34 = tpu.vector_load %arg6[%get3A_32, %get3A_33] {strides = array<i32>} : memref<93x128xi32, #tpu.memory_space<vmem>>, vector<1x16xi32>,
    %get3A_35 = vector.shape_cast %get3A_34 : vector<1x16xi32> to vector<16xi32>
    %swap3A_36 = arith.constant 16 : index
    %swap3A_37 = tpu.vector_load %arg8[%swap3A_36] {strides = array<i32>} : memref<128xi32, #tpu.memory_space<vmem>>, vector<16xi32>,
    %swap3A_38 = vector.shape_cast %swap3A_37 : vector<16xi32> to vector<16xi32>
    %swap3A_39 = vector.shape_cast %get3A_35 : vector<16xi32> to vector<16xi32>
    tpu.vector_store %arg8[%swap3A_36], %swap3A_39 {strides = array<i32>} : memref<128xi32, #tpu.memory_space<vmem>>, vector<16xi32>,
    %get3A_40 = arith.constant 0 : i32
    %get3A_41 = arith.index_cast %get3A_40 : i32 to index
    %get3A_42 = arith.constant 16 : index
    %get3A_43 = tpu.vector_load %arg7[%get3A_41, %get3A_42] {strides = array<i32>} : memref<93x128xi32, #tpu.memory_space<vmem>>, vector<1x16xi32>,
    %get3A_44 = vector.shape_cast %get3A_43 : vector<1x16xi32> to vector<16xi32>
    %swap3A_45 = arith.constant 16 : index
    %swap3A_46 = tpu.vector_load %arg10[%swap3A_45] {strides = array<i32>} : memref<128xi32, #tpu.memory_space<vmem>>, vector<16xi32>,
    %swap3A_47 = vector.shape_cast %swap3A_46 : vector<16xi32> to vector<16xi32>
    %swap3A_48 = vector.shape_cast %get3A_44 : vector<16xi32> to vector<16xi32>
    tpu.vector_store %arg10[%swap3A_45], %swap3A_48 {strides = array<i32>} : memref<128xi32, #tpu.memory_space<vmem>>, vector<16xi32>,
    %get3A_49 = arith.constant 0 : i32
    %get3A_50 = arith.index_cast %get3A_49 : i32 to index
    %get3A_51 = arith.constant 32 : index
    %get3A_52 = tpu.vector_load %arg6[%get3A_50, %get3A_51] {strides = array<i32>} : memref<93x128xi32, #tpu.memory_space<vmem>>, vector<1x16xi32>,
    %get3A_53 = vector.shape_cast %get3A_52 : vector<1x16xi32> to vector<16xi32>
    %swap3A_54 = arith.constant 32 : index
    %swap3A_55 = tpu.vector_load %arg8[%swap3A_54] {strides = array<i32>} : memref<128xi32, #tpu.memory_space<vmem>>, vector<16xi32>,
    %swap3A_56 = vector.shape_cast %swap3A_55 : vector<16xi32> to vector<16xi32>
    %swap3A_57 = vector.shape_cast %get3A_53 : vector<16xi32> to vector<16xi32>
    tpu.vector_store %arg8[%swap3A_54], %swap3A_57 {strides = array<i32>} : memref<128xi32, #tpu.memory_space<vmem>>, vector<16xi32>,
    %get3A_58 = arith.constant 0 : i32
    %get3A_59 = arith.index_cast %get3A_58 : i32 to index
    %get3A_60 = arith.constant 32 : index
    %get3A_61 = tpu.vector_load %arg7[%get3A_59, %get3A_60] {strides = array<i32>} : memref<93x128xi32, #tpu.memory_space<vmem>>, vector<1x16xi32>,
    %get3A_62 = vector.shape_cast %get3A_61 : vector<1x16xi32> to vector<16xi32>
    %swap3A_63 = arith.constant 32 : index
    %swap3A_64 = tpu.vector_load %arg10[%swap3A_63] {strides = array<i32>} : memref<128xi32, #tpu.memory_space<vmem>>, vector<16xi32>,
    %swap3A_65 = vector.shape_cast %swap3A_64 : vector<16xi32> to vector<16xi32>
    %swap3A_66 = vector.shape_cast %get3A_62 : vector<16xi32> to vector<16xi32>
    tpu.vector_store %arg10[%swap3A_63], %swap3A_66 {strides = array<i32>} : memref<128xi32, #tpu.memory_space<vmem>>, vector<16xi32>,
    %get3A_67 = arith.constant 0 : i32
    %get3A_68 = arith.index_cast %get3A_67 : i32 to index
    %get3A_69 = arith.constant 48 : index
    %get3A_70 = tpu.vector_load %arg6[%get3A_68, %get3A_69] {strides = array<i32>} : memref<93x128xi32, #tpu.memory_space<vmem>>, vector<1x16xi32>,
    %get3A_71 = vector.shape_cast %get3A_70 : vector<1x16xi32> to vector<16xi32>
    %swap3A_72 = arith.constant 48 : index
    %swap3A_73 = tpu.vector_load %arg8[%swap3A_72] {strides = array<i32>} : memref<128xi32, #tpu.memory_space<vmem>>, vector<16xi32>,
    %swap3A_74 = vector.shape_cast %swap3A_73 : vector<16xi32> to vector<16xi32>
    %swap3A_75 = vector.shape_cast %get3A_71 : vector<16xi32> to vector<16xi32>
    tpu.vector_store %arg8[%swap3A_72], %swap3A_75 {strides = array<i32>} : memref<128xi32, #tpu.memory_space<vmem>>, vector<16xi32>,
    %get3A_76 = arith.constant 0 : i32
    %get3A_77 = arith.index_cast %get3A_76 : i32 to index
    %get3A_78 = arith.constant 48 : index
    %get3A_79 = tpu.vector_load %arg7[%get3A_77, %get3A_78] {strides = array<i32>} : memref<93x128xi32, #tpu.memory_space<vmem>>, vector<1x16xi32>,
    %get3A_80 = vector.shape_cast %get3A_79 : vector<1x16xi32> to vector<16xi32>
    %swap3A_81 = arith.constant 48 : index
    %swap3A_82 = tpu.vector_load %arg10[%swap3A_81] {strides = array<i32>} : memref<128xi32, #tpu.memory_space<vmem>>, vector<16xi32>,
    %swap3A_83 = vector.shape_cast %swap3A_82 : vector<16xi32> to vector<16xi32>
    %swap3A_84 = vector.shape_cast %get3A_80 : vector<16xi32> to vector<16xi32>
    tpu.vector_store %arg10[%swap3A_81], %swap3A_84 {strides = array<i32>} : memref<128xi32, #tpu.memory_space<vmem>>, vector<16xi32>,
    %get3A_85 = arith.constant 0 : i32
    %get3A_86 = arith.index_cast %get3A_85 : i32 to index
    %get3A_87 = arith.constant 64 : index
    %get3A_88 = tpu.vector_load %arg6[%get3A_86, %get3A_87] {strides = array<i32>} : memref<93x128xi32, #tpu.memory_space<vmem>>, vector<1x16xi32>,
    %get3A_89 = vector.shape_cast %get3A_88 : vector<1x16xi32> to vector<16xi32>
    %swap3A_90 = arith.constant 64 : index
    %swap3A_91 = tpu.vector_load %arg8[%swap3A_90] {strides = array<i32>} : memref<128xi32, #tpu.memory_space<vmem>>, vector<16xi32>,
    %swap3A_92 = vector.shape_cast %swap3A_91 : vector<16xi32> to vector<16xi32>
    %swap3A_93 = vector.shape_cast %get3A_89 : vector<16xi32> to vector<16xi32>
    tpu.vector_store %arg8[%swap3A_90], %swap3A_93 {strides = array<i32>} : memref<128xi32, #tpu.memory_space<vmem>>, vector<16xi32>,
    %get3A_94 = arith.constant 0 : i32
    %get3A_95 = arith.index_cast %get3A_94 : i32 to index
    %get3A_96 = arith.constant 64 : index
    %get3A_97 = tpu.vector_load %arg7[%get3A_95, %get3A_96] {strides = array<i32>} : memref<93x128xi32, #tpu.memory_space<vmem>>, vector<1x16xi32>,
    %get3A_98 = vector.shape_cast %get3A_97 : vector<1x16xi32> to vector<16xi32>
    %swap3A_99 = arith.constant 64 : index
    %swap3A_100 = tpu.vector_load %arg10[%swap3A_99] {strides = array<i32>} : memref<128xi32, #tpu.memory_space<vmem>>, vector<16xi32>,
    %swap3A_101 = vector.shape_cast %swap3A_100 : vector<16xi32> to vector<16xi32>
    %swap3A_102 = vector.shape_cast %get3A_98 : vector<16xi32> to vector<16xi32>
    tpu.vector_store %arg10[%swap3A_99], %swap3A_102 {strides = array<i32>} : memref<128xi32, #tpu.memory_space<vmem>>, vector<16xi32>,
    %get3A_103 = arith.constant 0 : i32
    %get3A_104 = arith.index_cast %get3A_103 : i32 to index
    %get3A_105 = arith.constant 80 : index
    %get3A_106 = tpu.vector_load %arg6[%get3A_104, %get3A_105] {strides = array<i32>} : memref<93x128xi32, #tpu.memory_space<vmem>>, vector<1x16xi32>,
    %get3A_107 = vector.shape_cast %get3A_106 : vector<1x16xi32> to vector<16xi32>
    %swap3A_108 = arith.constant 80 : index
    %swap3A_109 = tpu.vector_load %arg8[%swap3A_108] {strides = array<i32>} : memref<128xi32, #tpu.memory_space<vmem>>, vector<16xi32>,
    %swap3A_110 = vector.shape_cast %swap3A_109 : vector<16xi32> to vector<16xi32>
    %swap3A_111 = vector.shape_cast %get3A_107 : vector<16xi32> to vector<16xi32>
    tpu.vector_store %arg8[%swap3A_108], %swap3A_111 {strides = array<i32>} : memref<128xi32, #tpu.memory_space<vmem>>, vector<16xi32>,
    %get3A_112 = arith.constant 0 : i32
    %get3A_113 = arith.index_cast %get3A_112 : i32 to index
    %get3A_114 = arith.constant 80 : index
    %get3A_115 = tpu.vector_load %arg7[%get3A_113, %get3A_114] {strides = array<i32>} : memref<93x128xi32, #tpu.memory_space<vmem>>, vector<1x16xi32>,
    %get3A_116 = vector.shape_cast %get3A_115 : vector<1x16xi32> to vector<16xi32>
    %swap3A_117 = arith.constant 80 : index
    %swap3A_118 = tpu.vector_load %arg10[%swap3A_117] {strides = array<i32>} : memref<128xi32, #tpu.memory_space<vmem>>, vector<16xi32>,
    %swap3A_119 = vector.shape_cast %swap3A_118 : vector<16xi32> to vector<16xi32>
    %swap3A_120 = vector.shape_cast %get3A_116 : vector<16xi32> to vector<16xi32>
    tpu.vector_store %arg10[%swap3A_117], %swap3A_120 {strides = array<i32>} : memref<128xi32, #tpu.memory_space<vmem>>, vector<16xi32>,
    %get3A_121 = arith.constant 0 : i32
    %get3A_122 = arith.index_cast %get3A_121 : i32 to index
    %get3A_123 = arith.constant 96 : index
    %get3A_124 = tpu.vector_load %arg6[%get3A_122, %get3A_123] {strides = array<i32>} : memref<93x128xi32, #tpu.memory_space<vmem>>, vector<1x16xi32>,
    %get3A_125 = vector.shape_cast %get3A_124 : vector<1x16xi32> to vector<16xi32>
    %swap3A_126 = arith.constant 96 : index
    %swap3A_127 = tpu.vector_load %arg8[%swap3A_126] {strides = array<i32>} : memref<128xi32, #tpu.memory_space<vmem>>, vector<16xi32>,
    %swap3A_128 = vector.shape_cast %swap3A_127 : vector<16xi32> to vector<16xi32>
    %swap3A_129 = vector.shape_cast %get3A_125 : vector<16xi32> to vector<16xi32>
    tpu.vector_store %arg8[%swap3A_126], %swap3A_129 {strides = array<i32>} : memref<128xi32, #tpu.memory_space<vmem>>, vector<16xi32>,
    %get3A_130 = arith.constant 0 : i32
    %get3A_131 = arith.index_cast %get3A_130 : i32 to index
    %get3A_132 = arith.constant 96 : index
    %get3A_133 = tpu.vector_load %arg7[%get3A_131, %get3A_132] {strides = array<i32>} : memref<93x128xi32, #tpu.memory_space<vmem>>, vector<1x16xi32>,
    %get3A_134 = vector.shape_cast %get3A_133 : vector<1x16xi32> to vector<16xi32>
    %swap3A_135 = arith.constant 96 : index
    %swap3A_136 = tpu.vector_load %arg10[%swap3A_135] {strides = array<i32>} : memref<128xi32, #tpu.memory_space<vmem>>, vector<16xi32>,
    %swap3A_137 = vector.shape_cast %swap3A_136 : vector<16xi32> to vector<16xi32>
    %swap3A_138 = vector.shape_cast %get3A_134 : vector<16xi32> to vector<16xi32>
    tpu.vector_store %arg10[%swap3A_135], %swap3A_138 {strides = array<i32>} : memref<128xi32, #tpu.memory_space<vmem>>, vector<16xi32>,
    %get3A_139 = arith.constant 0 : i32
    %get3A_140 = arith.index_cast %get3A_139 : i32 to index
    %get3A_141 = arith.constant 112 : index
    %get3A_142 = tpu.vector_load %arg6[%get3A_140, %get3A_141] {strides = array<i32>} : memref<93x128xi32, #tpu.memory_space<vmem>>, vector<1x16xi32>,
    %get3A_143 = vector.shape_cast %get3A_142 : vector<1x16xi32> to vector<16xi32>
    %swap3A_144 = arith.constant 112 : index
    %swap3A_145 = tpu.vector_load %arg8[%swap3A_144] {strides = array<i32>} : memref<128xi32, #tpu.memory_space<vmem>>, vector<16xi32>,
    %swap3A_146 = vector.shape_cast %swap3A_145 : vector<16xi32> to vector<16xi32>
    %swap3A_147 = vector.shape_cast %get3A_143 : vector<16xi32> to vector<16xi32>
    tpu.vector_store %arg8[%swap3A_144], %swap3A_147 {strides = array<i32>} : memref<128xi32, #tpu.memory_space<vmem>>, vector<16xi32>,
    %get3A_148 = arith.constant 0 : i32
    %get3A_149 = arith.index_cast %get3A_148 : i32 to index
    %get3A_150 = arith.constant 112 : index
    %get3A_151 = tpu.vector_load %arg7[%get3A_149, %get3A_150] {strides = array<i32>} : memref<93x128xi32, #tpu.memory_space<vmem>>, vector<1x16xi32>,
    %get3A_152 = vector.shape_cast %get3A_151 : vector<1x16xi32> to vector<16xi32>
    %swap3A_153 = arith.constant 112 : index
    %swap3A_154 = tpu.vector_load %arg10[%swap3A_153] {strides = array<i32>} : memref<128xi32, #tpu.memory_space<vmem>>, vector<16xi32>,
    %swap3A_155 = vector.shape_cast %swap3A_154 : vector<16xi32> to vector<16xi32>
    %swap3A_156 = vector.shape_cast %get3A_152 : vector<16xi32> to vector<16xi32>
    tpu.vector_store %arg10[%swap3A_153], %swap3A_156 {strides = array<i32>} : memref<128xi32, #tpu.memory_space<vmem>>, vector<16xi32>,
    %barrier3A = arith.constant 0 : index
    tpu.barrier barrier_id(%barrier3A)
    %eq3A = arith.constant 0 : i32
    %eq3A_157 = arith.cmpi eq, %arg0, %eq3A : i32
    %jit3A = arith.constant 93 : i32
    %jit3A_158 = arith.constant 64 : i32
    %select_n3A = arith.select %eq3A_157, %jit3A, %jit3A_158 : i32
    %scan3A_159 = arith.constant 0 : i32
    %scan3A_160 = arith.constant 0 : i32
    %scan3A_161 = arith.constant 47 : i32
    %scan3A_162 = arith.addi %scan3A_160, %scan3A_161 : i32
    %scan3A_163 = arith.constant 1 : i32
    %scan3A_164 = scf.for %scan3A_171 = %scan3A_160 to %scan3A_162 step %scan3A_163 iter_args(%scan3A_172 = %scan3A_159) -> (i32)  : i32 {
      %mul3A_173 = arith.constant 2 : i32
      %mul3A_174 = arith.muli %mul3A_173, %scan3A_171 : i32
      %lt3A = arith.cmpi slt, %mul3A_174, %select_n3A : i32
      %convert_element_type3A = arith.extui %lt3A : i1 to i32
      %cond3A = arith.constant 0 : i32
      %cond3A_175 = arith.cmpi ne, %convert_element_type3A, %cond3A : i32
      scf.if %cond3A_175 {
        %dma_start3A = arith.constant 0 : i32
        %dma_start3A_183 = arith.constant 0 : i32
        %dma_start3A_184 = tpu.memref_slice %arg2[%dma_start3A, %dma_start3A_183] : memref<10240x128xf32, #tpu.memory_space<hbm>> -> memref<10240x128xf32, #tpu.memory_space<hbm>>
        tpu.enqueue_indirect_dma source(%dma_start3A_184 : memref<10240x128xf32, #tpu.memory_space<hbm>>) target(%arg12 : memref<128x128xf32, #tpu.memory_space<vmem>>) offsets(%arg8 : memref<128xi32, #tpu.memory_space<vmem>>) semaphore(%arg14 : memref<!tpu.dma_semaphore, #tpu.memory_space<semaphore_mem>>)
        %add3A_185 = arith.constant 1 : i32
        %add3A_186 = arith.addi %mul3A_174, %add3A_185 : i32
        %get3A_187 = arith.index_cast %add3A_186 : i32 to index
        %get3A_188 = arith.constant 0 : index
        %get3A_189 = tpu.vector_load %arg6[%get3A_187, %get3A_188] {strides = array<i32>} : memref<93x128xi32, #tpu.memory_space<vmem>>, vector<1x16xi32>,
        %get3A_190 = vector.shape_cast %get3A_189 : vector<1x16xi32> to vector<16xi32>
        %swap3A_191 = arith.constant 0 : index
        %swap3A_192 = tpu.vector_load %arg9[%swap3A_191] {strides = array<i32>} : memref<128xi32, #tpu.memory_space<vmem>>, vector<16xi32>,
        %swap3A_193 = vector.shape_cast %swap3A_192 : vector<16xi32> to vector<16xi32>
        %swap3A_194 = vector.shape_cast %get3A_190 : vector<16xi32> to vector<16xi32>
        tpu.vector_store %arg9[%swap3A_191], %swap3A_194 {strides = array<i32>} : memref<128xi32, #tpu.memory_space<vmem>>, vector<16xi32>,
        %get3A_195 = arith.index_cast %add3A_186 : i32 to index
        %get3A_196 = arith.constant 0 : index
        %get3A_197 = tpu.vector_load %arg7[%get3A_195, %get3A_196] {strides = array<i32>} : memref<93x128xi32, #tpu.memory_space<vmem>>, vector<1x16xi32>,
        %get3A_198 = vector.shape_cast %get3A_197 : vector<1x16xi32> to vector<16xi32>
        %swap3A_199 = arith.constant 0 : index
        %swap3A_200 = tpu.vector_load %arg11[%swap3A_199] {strides = array<i32>} : memref<128xi32, #tpu.memory_space<vmem>>, vector<16xi32>,
        %swap3A_201 = vector.shape_cast %swap3A_200 : vector<16xi32> to vector<16xi32>
        %swap3A_202 = vector.shape_cast %get3A_198 : vector<16xi32> to vector<16xi32>
        tpu.vector_store %arg11[%swap3A_199], %swap3A_202 {strides = array<i32>} : memref<128xi32, #tpu.memory_space<vmem>>, vector<16xi32>,
        %get3A_203 = arith.index_cast %add3A_186 : i32 to index
        %get3A_204 = arith.constant 16 : index
        %get3A_205 = tpu.vector_load %arg6[%get3A_203, %get3A_204] {strides = array<i32>} : memref<93x128xi32, #tpu.memory_space<vmem>>, vector<1x16xi32>,
        %get3A_206 = vector.shape_cast %get3A_205 : vector<1x16xi32> to vector<16xi32>
        %swap3A_207 = arith.constant 16 : index
        %swap3A_208 = tpu.vector_load %arg9[%swap3A_207] {strides = array<i32>} : memref<128xi32, #tpu.memory_space<vmem>>, vector<16xi32>,
        %swap3A_209 = vector.shape_cast %swap3A_208 : vector<16xi32> to vector<16xi32>
        %swap3A_210 = vector.shape_cast %get3A_206 : vector<16xi32> to vector<16xi32>
        tpu.vector_store %arg9[%swap3A_207], %swap3A_210 {strides = array<i32>} : memref<128xi32, #tpu.memory_space<vmem>>, vector<16xi32>,
        %get3A_211 = arith.index_cast %add3A_186 : i32 to index
        %get3A_212 = arith.constant 16 : index
        %get3A_213 = tpu.vector_load %arg7[%get3A_211, %get3A_212] {strides = array<i32>} : memref<93x128xi32, #tpu.memory_space<vmem>>, vector<1x16xi32>,
        %get3A_214 = vector.shape_cast %get3A_213 : vector<1x16xi32> to vector<16xi32>
        %swap3A_215 = arith.constant 16 : index
        %swap3A_216 = tpu.vector_load %arg11[%swap3A_215] {strides = array<i32>} : memref<128xi32, #tpu.memory_space<vmem>>, vector<16xi32>,
        %swap3A_217 = vector.shape_cast %swap3A_216 : vector<16xi32> to vector<16xi32>
        %swap3A_218 = vector.shape_cast %get3A_214 : vector<16xi32> to vector<16xi32>
        tpu.vector_store %arg11[%swap3A_215], %swap3A_218 {strides = array<i32>} : memref<128xi32, #tpu.memory_space<vmem>>, vector<16xi32>,
        %get3A_219 = arith.index_cast %add3A_186 : i32 to index
        %get3A_220 = arith.constant 32 : index
        %get3A_221 = tpu.vector_load %arg6[%get3A_219, %get3A_220] {strides = array<i32>} : memref<93x128xi32, #tpu.memory_space<vmem>>, vector<1x16xi32>,
        %get3A_222 = vector.shape_cast %get3A_221 : vector<1x16xi32> to vector<16xi32>
        %swap3A_223 = arith.constant 32 : index
        %swap3A_224 = tpu.vector_load %arg9[%swap3A_223] {strides = array<i32>} : memref<128xi32, #tpu.memory_space<vmem>>, vector<16xi32>,
        %swap3A_225 = vector.shape_cast %swap3A_224 : vector<16xi32> to vector<16xi32>
        %swap3A_226 = vector.shape_cast %get3A_222 : vector<16xi32> to vector<16xi32>
        tpu.vector_store %arg9[%swap3A_223], %swap3A_226 {strides = array<i32>} : memref<128xi32, #tpu.memory_space<vmem>>, vector<16xi32>,
        %get3A_227 = arith.index_cast %add3A_186 : i32 to index
        %get3A_228 = arith.constant 32 : index
        %get3A_229 = tpu.vector_load %arg7[%get3A_227, %get3A_228] {strides = array<i32>} : memref<93x128xi32, #tpu.memory_space<vmem>>, vector<1x16xi32>,
        %get3A_230 = vector.shape_cast %get3A_229 : vector<1x16xi32> to vector<16xi32>
        %swap3A_231 = arith.constant 32 : index
        %swap3A_232 = tpu.vector_load %arg11[%swap3A_231] {strides = array<i32>} : memref<128xi32, #tpu.memory_space<vmem>>, vector<16xi32>,
        %swap3A_233 = vector.shape_cast %swap3A_232 : vector<16xi32> to vector<16xi32>
        %swap3A_234 = vector.shape_cast %get3A_230 : vector<16xi32> to vector<16xi32>
        tpu.vector_store %arg11[%swap3A_231], %swap3A_234 {strides = array<i32>} : memref<128xi32, #tpu.memory_space<vmem>>, vector<16xi32>,
        %get3A_235 = arith.index_cast %add3A_186 : i32 to index
        %get3A_236 = arith.constant 48 : index
        %get3A_237 = tpu.vector_load %arg6[%get3A_235, %get3A_236] {strides = array<i32>} : memref<93x128xi32, #tpu.memory_space<vmem>>, vector<1x16xi32>,
        %get3A_238 = vector.shape_cast %get3A_237 : vector<1x16xi32> to vector<16xi32>
        %swap3A_239 = arith.constant 48 : index
        %swap3A_240 = tpu.vector_load %arg9[%swap3A_239] {strides = array<i32>} : memref<128xi32, #tpu.memory_space<vmem>>, vector<16xi32>,
        %swap3A_241 = vector.shape_cast %swap3A_240 : vector<16xi32> to vector<16xi32>
        %swap3A_242 = vector.shape_cast %get3A_238 : vector<16xi32> to vector<16xi32>
        tpu.vector_store %arg9[%swap3A_239], %swap3A_242 {strides = array<i32>} : memref<128xi32, #tpu.memory_space<vmem>>, vector<16xi32>,
        %get3A_243 = arith.index_cast %add3A_186 : i32 to index
        %get3A_244 = arith.constant 48 : index
        %get3A_245 = tpu.vector_load %arg7[%get3A_243, %get3A_244] {strides = array<i32>} : memref<93x128xi32, #tpu.memory_space<vmem>>, vector<1x16xi32>,
        %get3A_246 = vector.shape_cast %get3A_245 : vector<1x16xi32> to vector<16xi32>
        %swap3A_247 = arith.constant 48 : index
        %swap3A_248 = tpu.vector_load %arg11[%swap3A_247] {strides = array<i32>} : memref<128xi32, #tpu.memory_space<vmem>>, vector<16xi32>,
        %swap3A_249 = vector.shape_cast %swap3A_248 : vector<16xi32> to vector<16xi32>
        %swap3A_250 = vector.shape_cast %get3A_246 : vector<16xi32> to vector<16xi32>
        tpu.vector_store %arg11[%swap3A_247], %swap3A_250 {strides = array<i32>} : memref<128xi32, #tpu.memory_space<vmem>>, vector<16xi32>,
        %get3A_251 = arith.index_cast %add3A_186 : i32 to index
        %get3A_252 = arith.constant 64 : index
        %get3A_253 = tpu.vector_load %arg6[%get3A_251, %get3A_252] {strides = array<i32>} : memref<93x128xi32, #tpu.memory_space<vmem>>, vector<1x16xi32>,
        %get3A_254 = vector.shape_cast %get3A_253 : vector<1x16xi32> to vector<16xi32>
        %swap3A_255 = arith.constant 64 : index
        %swap3A_256 = tpu.vector_load %arg9[%swap3A_255] {strides = array<i32>} : memref<128xi32, #tpu.memory_space<vmem>>, vector<16xi32>,
        %swap3A_257 = vector.shape_cast %swap3A_256 : vector<16xi32> to vector<16xi32>
        %swap3A_258 = vector.shape_cast %get3A_254 : vector<16xi32> to vector<16xi32>
        tpu.vector_store %arg9[%swap3A_255], %swap3A_258 {strides = array<i32>} : memref<128xi32, #tpu.memory_space<vmem>>, vector<16xi32>,
        %get3A_259 = arith.index_cast %add3A_186 : i32 to index
        %get3A_260 = arith.constant 64 : index
        %get3A_261 = tpu.vector_load %arg7[%get3A_259, %get3A_260] {strides = array<i32>} : memref<93x128xi32, #tpu.memory_space<vmem>>, vector<1x16xi32>,
        %get3A_262 = vector.shape_cast %get3A_261 : vector<1x16xi32> to vector<16xi32>
        %swap3A_263 = arith.constant 64 : index
        %swap3A_264 = tpu.vector_load %arg11[%swap3A_263] {strides = array<i32>} : memref<128xi32, #tpu.memory_space<vmem>>, vector<16xi32>,
        %swap3A_265 = vector.shape_cast %swap3A_264 : vector<16xi32> to vector<16xi32>
        %swap3A_266 = vector.shape_cast %get3A_262 : vector<16xi32> to vector<16xi32>
        tpu.vector_store %arg11[%swap3A_263], %swap3A_266 {strides = array<i32>} : memref<128xi32, #tpu.memory_space<vmem>>, vector<16xi32>,
        %get3A_267 = arith.index_cast %add3A_186 : i32 to index
        %get3A_268 = arith.constant 80 : index
        %get3A_269 = tpu.vector_load %arg6[%get3A_267, %get3A_268] {strides = array<i32>} : memref<93x128xi32, #tpu.memory_space<vmem>>, vector<1x16xi32>,
        %get3A_270 = vector.shape_cast %get3A_269 : vector<1x16xi32> to vector<16xi32>
        %swap3A_271 = arith.constant 80 : index
        %swap3A_272 = tpu.vector_load %arg9[%swap3A_271] {strides = array<i32>} : memref<128xi32, #tpu.memory_space<vmem>>, vector<16xi32>,
        %swap3A_273 = vector.shape_cast %swap3A_272 : vector<16xi32> to vector<16xi32>
        %swap3A_274 = vector.shape_cast %get3A_270 : vector<16xi32> to vector<16xi32>
        tpu.vector_store %arg9[%swap3A_271], %swap3A_274 {strides = array<i32>} : memref<128xi32, #tpu.memory_space<vmem>>, vector<16xi32>,
        %get3A_275 = arith.index_cast %add3A_186 : i32 to index
        %get3A_276 = arith.constant 80 : index
        %get3A_277 = tpu.vector_load %arg7[%get3A_275, %get3A_276] {strides = array<i32>} : memref<93x128xi32, #tpu.memory_space<vmem>>, vector<1x16xi32>,
        %get3A_278 = vector.shape_cast %get3A_277 : vector<1x16xi32> to vector<16xi32>
        %swap3A_279 = arith.constant 80 : index
        %swap3A_280 = tpu.vector_load %arg11[%swap3A_279] {strides = array<i32>} : memref<128xi32, #tpu.memory_space<vmem>>, vector<16xi32>,
        %swap3A_281 = vector.shape_cast %swap3A_280 : vector<16xi32> to vector<16xi32>
        %swap3A_282 = vector.shape_cast %get3A_278 : vector<16xi32> to vector<16xi32>
        tpu.vector_store %arg11[%swap3A_279], %swap3A_282 {strides = array<i32>} : memref<128xi32, #tpu.memory_space<vmem>>, vector<16xi32>,
        %get3A_283 = arith.index_cast %add3A_186 : i32 to index
        %get3A_284 = arith.constant 96 : index
        %get3A_285 = tpu.vector_load %arg6[%get3A_283, %get3A_284] {strides = array<i32>} : memref<93x128xi32, #tpu.memory_space<vmem>>, vector<1x16xi32>,
        %get3A_286 = vector.shape_cast %get3A_285 : vector<1x16xi32> to vector<16xi32>
        %swap3A_287 = arith.constant 96 : index
        %swap3A_288 = tpu.vector_load %arg9[%swap3A_287] {strides = array<i32>} : memref<128xi32, #tpu.memory_space<vmem>>, vector<16xi32>,
        %swap3A_289 = vector.shape_cast %swap3A_288 : vector<16xi32> to vector<16xi32>
        %swap3A_290 = vector.shape_cast %get3A_286 : vector<16xi32> to vector<16xi32>
        tpu.vector_store %arg9[%swap3A_287], %swap3A_290 {strides = array<i32>} : memref<128xi32, #tpu.memory_space<vmem>>, vector<16xi32>,
        %get3A_291 = arith.index_cast %add3A_186 : i32 to index
        %get3A_292 = arith.constant 96 : index
        %get3A_293 = tpu.vector_load %arg7[%get3A_291, %get3A_292] {strides = array<i32>} : memref<93x128xi32, #tpu.memory_space<vmem>>, vector<1x16xi32>,
        %get3A_294 = vector.shape_cast %get3A_293 : vector<1x16xi32> to vector<16xi32>
        %swap3A_295 = arith.constant 96 : index
        %swap3A_296 = tpu.vector_load %arg11[%swap3A_295] {strides = array<i32>} : memref<128xi32, #tpu.memory_space<vmem>>, vector<16xi32>,
        %swap3A_297 = vector.shape_cast %swap3A_296 : vector<16xi32> to vector<16xi32>
        %swap3A_298 = vector.shape_cast %get3A_294 : vector<16xi32> to vector<16xi32>
        tpu.vector_store %arg11[%swap3A_295], %swap3A_298 {strides = array<i32>} : memref<128xi32, #tpu.memory_space<vmem>>, vector<16xi32>,
        %get3A_299 = arith.index_cast %add3A_186 : i32 to index
        %get3A_300 = arith.constant 112 : index
        %get3A_301 = tpu.vector_load %arg6[%get3A_299, %get3A_300] {strides = array<i32>} : memref<93x128xi32, #tpu.memory_space<vmem>>, vector<1x16xi32>,
        %get3A_302 = vector.shape_cast %get3A_301 : vector<1x16xi32> to vector<16xi32>
        %swap3A_303 = arith.constant 112 : index
        %swap3A_304 = tpu.vector_load %arg9[%swap3A_303] {strides = array<i32>} : memref<128xi32, #tpu.memory_space<vmem>>, vector<16xi32>,
        %swap3A_305 = vector.shape_cast %swap3A_304 : vector<16xi32> to vector<16xi32>
        %swap3A_306 = vector.shape_cast %get3A_302 : vector<16xi32> to vector<16xi32>
        tpu.vector_store %arg9[%swap3A_303], %swap3A_306 {strides = array<i32>} : memref<128xi32, #tpu.memory_space<vmem>>, vector<16xi32>,
        %get3A_307 = arith.index_cast %add3A_186 : i32 to index
        %get3A_308 = arith.constant 112 : index
        %get3A_309 = tpu.vector_load %arg7[%get3A_307, %get3A_308] {strides = array<i32>} : memref<93x128xi32, #tpu.memory_space<vmem>>, vector<1x16xi32>,
        %get3A_310 = vector.shape_cast %get3A_309 : vector<1x16xi32> to vector<16xi32>
        %swap3A_311 = arith.constant 112 : index
        %swap3A_312 = tpu.vector_load %arg11[%swap3A_311] {strides = array<i32>} : memref<128xi32, #tpu.memory_space<vmem>>, vector<16xi32>,
        %swap3A_313 = vector.shape_cast %swap3A_312 : vector<16xi32> to vector<16xi32>
        %swap3A_314 = vector.shape_cast %get3A_310 : vector<16xi32> to vector<16xi32>
        tpu.vector_store %arg11[%swap3A_311], %swap3A_314 {strides = array<i32>} : memref<128xi32, #tpu.memory_space<vmem>>, vector<16xi32>,
        %dma_wait3A = arith.constant 0 : i32
        %dma_wait3A_315 = arith.constant 0 : i32
        %dma_wait3A_316 = tpu.memref_slice %arg2[%dma_wait3A, %dma_wait3A_315] : memref<10240x128xf32, #tpu.memory_space<hbm>> -> memref<10240x128xf32, #tpu.memory_space<hbm>>
        tpu.wait_indirect_dma semaphore(%arg14 : memref<!tpu.dma_semaphore, #tpu.memory_space<semaphore_mem>>) src(%dma_wait3A_316 : memref<10240x128xf32, #tpu.memory_space<hbm>>) dst(%arg12 : memref<128x128xf32, #tpu.memory_space<vmem>>)
        "tpu.region"() ({
          %run_scoped3A = tpu.sem_alloc : memref<!tpu.dma_semaphore, #tpu.memory_space<semaphore_mem>>
          %dma_start3A_317 = arith.constant 0 : i32
          %dma_start3A_318 = arith.constant 0 : i32
          %dma_start3A_319 = tpu.memref_slice %arg13[%dma_start3A_317, %dma_start3A_318] : memref<10240x128xf32, #tpu.memory_space<vmem_shared>> -> memref<10240x128xf32, #tpu.memory_space<vmem_shared>>
          tpu.enqueue_indirect_dma source(%arg12 : memref<128x128xf32, #tpu.memory_space<vmem>>) target(%dma_start3A_319 : memref<10240x128xf32, #tpu.memory_space<vmem_shared>>) offsets(%arg10 : memref<128xi32, #tpu.memory_space<vmem>>) semaphore(%run_scoped3A : memref<!tpu.dma_semaphore, #tpu.memory_space<semaphore_mem>>) {add = true}
          %dma_wait3A_320 = arith.constant 0 : i32
          %dma_wait3A_321 = arith.constant 0 : i32
          %dma_wait3A_322 = tpu.memref_slice %arg13[%dma_wait3A_320, %dma_wait3A_321] : memref<10240x128xf32, #tpu.memory_space<vmem_shared>> -> memref<10240x128xf32, #tpu.memory_space<vmem_shared>>
          tpu.wait_indirect_dma semaphore(%run_scoped3A : memref<!tpu.dma_semaphore, #tpu.memory_space<semaphore_mem>>) src(%arg12 : memref<128x128xf32, #tpu.memory_space<vmem>>) dst(%dma_wait3A_322 : memref<10240x128xf32, #tpu.memory_space<vmem_shared>>)
          tpu.yield
        }) : () -> ()
      } else {
      }
      %add3A_176 = arith.constant 1 : i32
      %add3A_177 = arith.addi %mul3A_174, %add3A_176 : i32
      %lt3A_178 = arith.cmpi slt, %add3A_177, %select_n3A : i32
      %convert_element_type3A_179 = arith.extui %lt3A_178 : i1 to i32
      %cond3A_180 = arith.constant 0 : i32
      %cond3A_181 = arith.cmpi ne, %convert_element_type3A_179, %cond3A_180 : i32
      scf.if %cond3A_181 {
        %dma_start3A = arith.constant 0 : i32
        %dma_start3A_183 = arith.constant 0 : i32
        %dma_start3A_184 = tpu.memref_slice %arg2[%dma_start3A, %dma_start3A_183] : memref<10240x128xf32, #tpu.memory_space<hbm>> -> memref<10240x128xf32, #tpu.memory_space<hbm>>
        tpu.enqueue_indirect_dma source(%dma_start3A_184 : memref<10240x128xf32, #tpu.memory_space<hbm>>) target(%arg12 : memref<128x128xf32, #tpu.memory_space<vmem>>) offsets(%arg9 : memref<128xi32, #tpu.memory_space<vmem>>) semaphore(%arg14 : memref<!tpu.dma_semaphore, #tpu.memory_space<semaphore_mem>>)
        %add3A_185 = arith.constant 2 : i32
        %add3A_186 = arith.addi %mul3A_174, %add3A_185 : i32
        %get3A_187 = arith.index_cast %add3A_186 : i32 to index
        %get3A_188 = arith.constant 0 : index
        %get3A_189 = tpu.vector_load %arg6[%get3A_187, %get3A_188] {strides = array<i32>} : memref<93x128xi32, #tpu.memory_space<vmem>>, vector<1x16xi32>,
        %get3A_190 = vector.shape_cast %get3A_189 : vector<1x16xi32> to vector<16xi32>
        %swap3A_191 = arith.constant 0 : index
        %swap3A_192 = tpu.vector_load %arg8[%swap3A_191] {strides = array<i32>} : memref<128xi32, #tpu.memory_space<vmem>>, vector<16xi32>,
        %swap3A_193 = vector.shape_cast %swap3A_192 : vector<16xi32> to vector<16xi32>
        %swap3A_194 = vector.shape_cast %get3A_190 : vector<16xi32> to vector<16xi32>
        tpu.vector_store %arg8[%swap3A_191], %swap3A_194 {strides = array<i32>} : memref<128xi32, #tpu.memory_space<vmem>>, vector<16xi32>,
        %get3A_195 = arith.index_cast %add3A_186 : i32 to index
        %get3A_196 = arith.constant 0 : index
        %get3A_197 = tpu.vector_load %arg7[%get3A_195, %get3A_196] {strides = array<i32>} : memref<93x128xi32, #tpu.memory_space<vmem>>, vector<1x16xi32>,
        %get3A_198 = vector.shape_cast %get3A_197 : vector<1x16xi32> to vector<16xi32>
        %swap3A_199 = arith.constant 0 : index
        %swap3A_200 = tpu.vector_load %arg10[%swap3A_199] {strides = array<i32>} : memref<128xi32, #tpu.memory_space<vmem>>, vector<16xi32>,
        %swap3A_201 = vector.shape_cast %swap3A_200 : vector<16xi32> to vector<16xi32>
        %swap3A_202 = vector.shape_cast %get3A_198 : vector<16xi32> to vector<16xi32>
        tpu.vector_store %arg10[%swap3A_199], %swap3A_202 {strides = array<i32>} : memref<128xi32, #tpu.memory_space<vmem>>, vector<16xi32>,
        %get3A_203 = arith.index_cast %add3A_186 : i32 to index
        %get3A_204 = arith.constant 16 : index
        %get3A_205 = tpu.vector_load %arg6[%get3A_203, %get3A_204] {strides = array<i32>} : memref<93x128xi32, #tpu.memory_space<vmem>>, vector<1x16xi32>,
        %get3A_206 = vector.shape_cast %get3A_205 : vector<1x16xi32> to vector<16xi32>
        %swap3A_207 = arith.constant 16 : index
        %swap3A_208 = tpu.vector_load %arg8[%swap3A_207] {strides = array<i32>} : memref<128xi32, #tpu.memory_space<vmem>>, vector<16xi32>,
        %swap3A_209 = vector.shape_cast %swap3A_208 : vector<16xi32> to vector<16xi32>
        %swap3A_210 = vector.shape_cast %get3A_206 : vector<16xi32> to vector<16xi32>
        tpu.vector_store %arg8[%swap3A_207], %swap3A_210 {strides = array<i32>} : memref<128xi32, #tpu.memory_space<vmem>>, vector<16xi32>,
        %get3A_211 = arith.index_cast %add3A_186 : i32 to index
        %get3A_212 = arith.constant 16 : index
        %get3A_213 = tpu.vector_load %arg7[%get3A_211, %get3A_212] {strides = array<i32>} : memref<93x128xi32, #tpu.memory_space<vmem>>, vector<1x16xi32>,
        %get3A_214 = vector.shape_cast %get3A_213 : vector<1x16xi32> to vector<16xi32>
        %swap3A_215 = arith.constant 16 : index
        %swap3A_216 = tpu.vector_load %arg10[%swap3A_215] {strides = array<i32>} : memref<128xi32, #tpu.memory_space<vmem>>, vector<16xi32>,
        %swap3A_217 = vector.shape_cast %swap3A_216 : vector<16xi32> to vector<16xi32>
        %swap3A_218 = vector.shape_cast %get3A_214 : vector<16xi32> to vector<16xi32>
        tpu.vector_store %arg10[%swap3A_215], %swap3A_218 {strides = array<i32>} : memref<128xi32, #tpu.memory_space<vmem>>, vector<16xi32>,
        %get3A_219 = arith.index_cast %add3A_186 : i32 to index
        %get3A_220 = arith.constant 32 : index
        %get3A_221 = tpu.vector_load %arg6[%get3A_219, %get3A_220] {strides = array<i32>} : memref<93x128xi32, #tpu.memory_space<vmem>>, vector<1x16xi32>,
        %get3A_222 = vector.shape_cast %get3A_221 : vector<1x16xi32> to vector<16xi32>
        %swap3A_223 = arith.constant 32 : index
        %swap3A_224 = tpu.vector_load %arg8[%swap3A_223] {strides = array<i32>} : memref<128xi32, #tpu.memory_space<vmem>>, vector<16xi32>,
        %swap3A_225 = vector.shape_cast %swap3A_224 : vector<16xi32> to vector<16xi32>
        %swap3A_226 = vector.shape_cast %get3A_222 : vector<16xi32> to vector<16xi32>
        tpu.vector_store %arg8[%swap3A_223], %swap3A_226 {strides = array<i32>} : memref<128xi32, #tpu.memory_space<vmem>>, vector<16xi32>,
        %get3A_227 = arith.index_cast %add3A_186 : i32 to index
        %get3A_228 = arith.constant 32 : index
        %get3A_229 = tpu.vector_load %arg7[%get3A_227, %get3A_228] {strides = array<i32>} : memref<93x128xi32, #tpu.memory_space<vmem>>, vector<1x16xi32>,
        %get3A_230 = vector.shape_cast %get3A_229 : vector<1x16xi32> to vector<16xi32>
        %swap3A_231 = arith.constant 32 : index
        %swap3A_232 = tpu.vector_load %arg10[%swap3A_231] {strides = array<i32>} : memref<128xi32, #tpu.memory_space<vmem>>, vector<16xi32>,
        %swap3A_233 = vector.shape_cast %swap3A_232 : vector<16xi32> to vector<16xi32>
        %swap3A_234 = vector.shape_cast %get3A_230 : vector<16xi32> to vector<16xi32>
        tpu.vector_store %arg10[%swap3A_231], %swap3A_234 {strides = array<i32>} : memref<128xi32, #tpu.memory_space<vmem>>, vector<16xi32>,
        %get3A_235 = arith.index_cast %add3A_186 : i32 to index
        %get3A_236 = arith.constant 48 : index
        %get3A_237 = tpu.vector_load %arg6[%get3A_235, %get3A_236] {strides = array<i32>} : memref<93x128xi32, #tpu.memory_space<vmem>>, vector<1x16xi32>,
        %get3A_238 = vector.shape_cast %get3A_237 : vector<1x16xi32> to vector<16xi32>
        %swap3A_239 = arith.constant 48 : index
        %swap3A_240 = tpu.vector_load %arg8[%swap3A_239] {strides = array<i32>} : memref<128xi32, #tpu.memory_space<vmem>>, vector<16xi32>,
        %swap3A_241 = vector.shape_cast %swap3A_240 : vector<16xi32> to vector<16xi32>
        %swap3A_242 = vector.shape_cast %get3A_238 : vector<16xi32> to vector<16xi32>
        tpu.vector_store %arg8[%swap3A_239], %swap3A_242 {strides = array<i32>} : memref<128xi32, #tpu.memory_space<vmem>>, vector<16xi32>,
        %get3A_243 = arith.index_cast %add3A_186 : i32 to index
        %get3A_244 = arith.constant 48 : index
        %get3A_245 = tpu.vector_load %arg7[%get3A_243, %get3A_244] {strides = array<i32>} : memref<93x128xi32, #tpu.memory_space<vmem>>, vector<1x16xi32>,
        %get3A_246 = vector.shape_cast %get3A_245 : vector<1x16xi32> to vector<16xi32>
        %swap3A_247 = arith.constant 48 : index
        %swap3A_248 = tpu.vector_load %arg10[%swap3A_247] {strides = array<i32>} : memref<128xi32, #tpu.memory_space<vmem>>, vector<16xi32>,
        %swap3A_249 = vector.shape_cast %swap3A_248 : vector<16xi32> to vector<16xi32>
        %swap3A_250 = vector.shape_cast %get3A_246 : vector<16xi32> to vector<16xi32>
        tpu.vector_store %arg10[%swap3A_247], %swap3A_250 {strides = array<i32>} : memref<128xi32, #tpu.memory_space<vmem>>, vector<16xi32>,
        %get3A_251 = arith.index_cast %add3A_186 : i32 to index
        %get3A_252 = arith.constant 64 : index
        %get3A_253 = tpu.vector_load %arg6[%get3A_251, %get3A_252] {strides = array<i32>} : memref<93x128xi32, #tpu.memory_space<vmem>>, vector<1x16xi32>,
        %get3A_254 = vector.shape_cast %get3A_253 : vector<1x16xi32> to vector<16xi32>
        %swap3A_255 = arith.constant 64 : index
        %swap3A_256 = tpu.vector_load %arg8[%swap3A_255] {strides = array<i32>} : memref<128xi32, #tpu.memory_space<vmem>>, vector<16xi32>,
        %swap3A_257 = vector.shape_cast %swap3A_256 : vector<16xi32> to vector<16xi32>
        %swap3A_258 = vector.shape_cast %get3A_254 : vector<16xi32> to vector<16xi32>
        tpu.vector_store %arg8[%swap3A_255], %swap3A_258 {strides = array<i32>} : memref<128xi32, #tpu.memory_space<vmem>>, vector<16xi32>,
        %get3A_259 = arith.index_cast %add3A_186 : i32 to index
        %get3A_260 = arith.constant 64 : index
        %get3A_261 = tpu.vector_load %arg7[%get3A_259, %get3A_260] {strides = array<i32>} : memref<93x128xi32, #tpu.memory_space<vmem>>, vector<1x16xi32>,
        %get3A_262 = vector.shape_cast %get3A_261 : vector<1x16xi32> to vector<16xi32>
        %swap3A_263 = arith.constant 64 : index
        %swap3A_264 = tpu.vector_load %arg10[%swap3A_263] {strides = array<i32>} : memref<128xi32, #tpu.memory_space<vmem>>, vector<16xi32>,
        %swap3A_265 = vector.shape_cast %swap3A_264 : vector<16xi32> to vector<16xi32>
        %swap3A_266 = vector.shape_cast %get3A_262 : vector<16xi32> to vector<16xi32>
        tpu.vector_store %arg10[%swap3A_263], %swap3A_266 {strides = array<i32>} : memref<128xi32, #tpu.memory_space<vmem>>, vector<16xi32>,
        %get3A_267 = arith.index_cast %add3A_186 : i32 to index
        %get3A_268 = arith.constant 80 : index
        %get3A_269 = tpu.vector_load %arg6[%get3A_267, %get3A_268] {strides = array<i32>} : memref<93x128xi32, #tpu.memory_space<vmem>>, vector<1x16xi32>,
        %get3A_270 = vector.shape_cast %get3A_269 : vector<1x16xi32> to vector<16xi32>
        %swap3A_271 = arith.constant 80 : index
        %swap3A_272 = tpu.vector_load %arg8[%swap3A_271] {strides = array<i32>} : memref<128xi32, #tpu.memory_space<vmem>>, vector<16xi32>,
        %swap3A_273 = vector.shape_cast %swap3A_272 : vector<16xi32> to vector<16xi32>
        %swap3A_274 = vector.shape_cast %get3A_270 : vector<16xi32> to vector<16xi32>
        tpu.vector_store %arg8[%swap3A_271], %swap3A_274 {strides = array<i32>} : memref<128xi32, #tpu.memory_space<vmem>>, vector<16xi32>,
        %get3A_275 = arith.index_cast %add3A_186 : i32 to index
        %get3A_276 = arith.constant 80 : index
        %get3A_277 = tpu.vector_load %arg7[%get3A_275, %get3A_276] {strides = array<i32>} : memref<93x128xi32, #tpu.memory_space<vmem>>, vector<1x16xi32>,
        %get3A_278 = vector.shape_cast %get3A_277 : vector<1x16xi32> to vector<16xi32>
        %swap3A_279 = arith.constant 80 : index
        %swap3A_280 = tpu.vector_load %arg10[%swap3A_279] {strides = array<i32>} : memref<128xi32, #tpu.memory_space<vmem>>, vector<16xi32>,
        %swap3A_281 = vector.shape_cast %swap3A_280 : vector<16xi32> to vector<16xi32>
        %swap3A_282 = vector.shape_cast %get3A_278 : vector<16xi32> to vector<16xi32>
        tpu.vector_store %arg10[%swap3A_279], %swap3A_282 {strides = array<i32>} : memref<128xi32, #tpu.memory_space<vmem>>, vector<16xi32>,
        %get3A_283 = arith.index_cast %add3A_186 : i32 to index
        %get3A_284 = arith.constant 96 : index
        %get3A_285 = tpu.vector_load %arg6[%get3A_283, %get3A_284] {strides = array<i32>} : memref<93x128xi32, #tpu.memory_space<vmem>>, vector<1x16xi32>,
        %get3A_286 = vector.shape_cast %get3A_285 : vector<1x16xi32> to vector<16xi32>
        %swap3A_287 = arith.constant 96 : index
        %swap3A_288 = tpu.vector_load %arg8[%swap3A_287] {strides = array<i32>} : memref<128xi32, #tpu.memory_space<vmem>>, vector<16xi32>,
        %swap3A_289 = vector.shape_cast %swap3A_288 : vector<16xi32> to vector<16xi32>
        %swap3A_290 = vector.shape_cast %get3A_286 : vector<16xi32> to vector<16xi32>
        tpu.vector_store %arg8[%swap3A_287], %swap3A_290 {strides = array<i32>} : memref<128xi32, #tpu.memory_space<vmem>>, vector<16xi32>,
        %get3A_291 = arith.index_cast %add3A_186 : i32 to index
        %get3A_292 = arith.constant 96 : index
        %get3A_293 = tpu.vector_load %arg7[%get3A_291, %get3A_292] {strides = array<i32>} : memref<93x128xi32, #tpu.memory_space<vmem>>, vector<1x16xi32>,
        %get3A_294 = vector.shape_cast %get3A_293 : vector<1x16xi32> to vector<16xi32>
        %swap3A_295 = arith.constant 96 : index
        %swap3A_296 = tpu.vector_load %arg10[%swap3A_295] {strides = array<i32>} : memref<128xi32, #tpu.memory_space<vmem>>, vector<16xi32>,
        %swap3A_297 = vector.shape_cast %swap3A_296 : vector<16xi32> to vector<16xi32>
        %swap3A_298 = vector.shape_cast %get3A_294 : vector<16xi32> to vector<16xi32>
        tpu.vector_store %arg10[%swap3A_295], %swap3A_298 {strides = array<i32>} : memref<128xi32, #tpu.memory_space<vmem>>, vector<16xi32>,
        %get3A_299 = arith.index_cast %add3A_186 : i32 to index
        %get3A_300 = arith.constant 112 : index
        %get3A_301 = tpu.vector_load %arg6[%get3A_299, %get3A_300] {strides = array<i32>} : memref<93x128xi32, #tpu.memory_space<vmem>>, vector<1x16xi32>,
        %get3A_302 = vector.shape_cast %get3A_301 : vector<1x16xi32> to vector<16xi32>
        %swap3A_303 = arith.constant 112 : index
        %swap3A_304 = tpu.vector_load %arg8[%swap3A_303] {strides = array<i32>} : memref<128xi32, #tpu.memory_space<vmem>>, vector<16xi32>,
        %swap3A_305 = vector.shape_cast %swap3A_304 : vector<16xi32> to vector<16xi32>
        %swap3A_306 = vector.shape_cast %get3A_302 : vector<16xi32> to vector<16xi32>
        tpu.vector_store %arg8[%swap3A_303], %swap3A_306 {strides = array<i32>} : memref<128xi32, #tpu.memory_space<vmem>>, vector<16xi32>,
        %get3A_307 = arith.index_cast %add3A_186 : i32 to index
        %get3A_308 = arith.constant 112 : index
        %get3A_309 = tpu.vector_load %arg7[%get3A_307, %get3A_308] {strides = array<i32>} : memref<93x128xi32, #tpu.memory_space<vmem>>, vector<1x16xi32>,
        %get3A_310 = vector.shape_cast %get3A_309 : vector<1x16xi32> to vector<16xi32>
        %swap3A_311 = arith.constant 112 : index
        %swap3A_312 = tpu.vector_load %arg10[%swap3A_311] {strides = array<i32>} : memref<128xi32, #tpu.memory_space<vmem>>, vector<16xi32>,
        %swap3A_313 = vector.shape_cast %swap3A_312 : vector<16xi32> to vector<16xi32>
        %swap3A_314 = vector.shape_cast %get3A_310 : vector<16xi32> to vector<16xi32>
        tpu.vector_store %arg10[%swap3A_311], %swap3A_314 {strides = array<i32>} : memref<128xi32, #tpu.memory_space<vmem>>, vector<16xi32>,
        %dma_wait3A = arith.constant 0 : i32
        %dma_wait3A_315 = arith.constant 0 : i32
        %dma_wait3A_316 = tpu.memref_slice %arg2[%dma_wait3A, %dma_wait3A_315] : memref<10240x128xf32, #tpu.memory_space<hbm>> -> memref<10240x128xf32, #tpu.memory_space<hbm>>
        tpu.wait_indirect_dma semaphore(%arg14 : memref<!tpu.dma_semaphore, #tpu.memory_space<semaphore_mem>>) src(%dma_wait3A_316 : memref<10240x128xf32, #tpu.memory_space<hbm>>) dst(%arg12 : memref<128x128xf32, #tpu.memory_space<vmem>>)
        "tpu.region"() ({
          %run_scoped3A = tpu.sem_alloc : memref<!tpu.dma_semaphore, #tpu.memory_space<semaphore_mem>>
          %dma_start3A_317 = arith.constant 0 : i32
          %dma_start3A_318 = arith.constant 0 : i32
          %dma_start3A_319 = tpu.memref_slice %arg13[%dma_start3A_317, %dma_start3A_318] : memref<10240x128xf32, #tpu.memory_space<vmem_shared>> -> memref<10240x128xf32, #tpu.memory_space<vmem_shared>>
          tpu.enqueue_indirect_dma source(%arg12 : memref<128x128xf32, #tpu.memory_space<vmem>>) target(%dma_start3A_319 : memref<10240x128xf32, #tpu.memory_space<vmem_shared>>) offsets(%arg11 : memref<128xi32, #tpu.memory_space<vmem>>) semaphore(%run_scoped3A : memref<!tpu.dma_semaphore, #tpu.memory_space<semaphore_mem>>) {add = true}
          %dma_wait3A_320 = arith.constant 0 : i32
          %dma_wait3A_321 = arith.constant 0 : i32
          %dma_wait3A_322 = tpu.memref_slice %arg13[%dma_wait3A_320, %dma_wait3A_321] : memref<10240x128xf32, #tpu.memory_space<vmem_shared>> -> memref<10240x128xf32, #tpu.memory_space<vmem_shared>>
          tpu.wait_indirect_dma semaphore(%run_scoped3A : memref<!tpu.dma_semaphore, #tpu.memory_space<semaphore_mem>>) src(%arg12 : memref<128x128xf32, #tpu.memory_space<vmem>>) dst(%dma_wait3A_322 : memref<10240x128xf32, #tpu.memory_space<vmem_shared>>)
          tpu.yield
        }) : () -> ()
      } else {
      }
      %scan3A_182 = arith.constant 0 : i32
      scf.yield %scan3A_182 : i32
    }
    %scan3A_165 = arith.constant 47 : i32
    %barrier3A_166 = arith.constant 0 : index
    tpu.barrier barrier_id(%barrier3A_166)
    %mul3A_167 = arith.constant 640 : i32
    %mul3A_168 = arith.muli %arg1, %mul3A_167 : i32
    %mul3A_169 = arith.constant 640 : i32
    %mul3A_170 = arith.muli %arg1, %mul3A_169 : i32
    "tpu.region"() ({
      %run_scoped3A = tpu.sem_alloc : memref<!tpu.dma_semaphore, #tpu.memory_space<semaphore_mem>>
      %dma_start3A = arith.constant 0 : i32
      %dma_start3A_171 = tpu.memref_slice %arg5[%arg0, %mul3A_170, %dma_start3A] : memref<2x10240x128xf32, #tpu.memory_space<hbm>> -> memref<1x640x128xf32, #tpu.memory_space<hbm>>
      %dma_start3A_172 = tpu.memref_squeeze %dma_start3A_171 : memref<1x640x128xf32, #tpu.memory_space<hbm>> -> memref<640x128xf32, #tpu.memory_space<hbm>>
      %dma_start3A_173 = arith.constant 0 : i32
      %dma_start3A_174 = tpu.memref_slice %arg13[%mul3A_168, %dma_start3A_173] : memref<10240x128xf32, #tpu.memory_space<vmem_shared>> -> memref<640x128xf32, #tpu.memory_space<vmem_shared>>
      tpu.enqueue_dma source(%dma_start3A_174 : memref<640x128xf32, #tpu.memory_space<vmem_shared>>) target(%dma_start3A_172 : memref<640x128xf32, #tpu.memory_space<hbm>>) target_semaphore(%run_scoped3A : memref<!tpu.dma_semaphore, #tpu.memory_space<semaphore_mem>>)
      %dma_wait3A = arith.constant 0 : i32
      %dma_wait3A_175 = tpu.memref_slice %arg5[%arg0, %mul3A_170, %dma_wait3A] : memref<2x10240x128xf32, #tpu.memory_space<hbm>> -> memref<1x640x128xf32, #tpu.memory_space<hbm>>
      %dma_wait3A_176 = tpu.memref_squeeze %dma_wait3A_175 : memref<1x640x128xf32, #tpu.memory_space<hbm>> -> memref<640x128xf32, #tpu.memory_space<hbm>>
      %dma_wait3A_177 = arith.constant 0 : i32
      %dma_wait3A_178 = tpu.memref_slice %arg13[%mul3A_168, %dma_wait3A_177] : memref<10240x128xf32, #tpu.memory_space<vmem_shared>> -> memref<640x128xf32, #tpu.memory_space<vmem_shared>>
      tpu.wait_dma2 semaphore(%run_scoped3A : memref<!tpu.dma_semaphore, #tpu.memory_space<semaphore_mem>>) src(%dma_wait3A_178 : memref<640x128xf32, #tpu.memory_space<vmem_shared>>) dst(%dma_wait3A_176 : memref<640x128xf32, #tpu.memory_space<hbm>>)
      tpu.yield
    }) : () -> ()
    return
  }
}

module attributes {stable_mosaic.version = 14 : i64} {
  func.func @_tc1_body(%arg0: i32, %arg1: memref<1024x128xf32, #tpu.memory_space<vmem>>, %arg2: memref<128x128xf32, #tpu.memory_space<vmem>>, %arg3: memref<2x1024x128xf32, #tpu.memory_space<vmem>>, %arg4: memref<1024x128xf32, #tpu.memory_space<vmem>>) attributes {dimension_semantics = [#tpu.dimension_semantics<arbitrary>], iteration_bounds = array<i64: 10>, scalar_prefetch = 0 : i64, scratch_operands = 0 : i64, tpu.core_type = #tpu.core_type<tc>, window_params = [{transform_indices = @transform_0, window_bounds = array<i64: 1024, 128>}, {pipeline_mode = #tpu.pipeline_mode<synchronous>, transform_indices = @transform_1, window_bounds = array<i64: 128, 128>}, {transform_indices = @transform_2, window_bounds = array<i64: 2, 1024, 128>}, {transform_indices = @transform_3, window_bounds = array<i64: 1024, 128>}]} {
    %get3A = arith.constant 0 : index
    %get3A_0 = arith.constant 0 : index
    %get3A_1 = vector.load %arg1[%get3A, %get3A_0] : memref<1024x128xf32, #tpu.memory_space<vmem>>, vector<1024x128xf32>
    %get3A_2 = arith.constant 0 : index
    %get3A_3 = arith.constant 0 : index
    %get3A_4 = vector.load %arg2[%get3A_2, %get3A_3] : memref<128x128xf32, #tpu.memory_space<vmem>>, vector<128x128xf32>
    %dot_general3A = arith.constant dense<0.000000e+00> : vector<1024x128xf32>
    %dot_general3A_5 = tpu.matmul %get3A_1, %get3A_4, %dot_general3A {dimension_numbers = #tpu.dot_dimension_numbers<[1], [0], [0], [1], [0, 0, 1, 1], [], []>, transpose_lhs_hint = false} : vector<1024x128xf32>, vector<128x128xf32>, vector<1024x128xf32> -> vector<1024x128xf32>
    %get3A_6 = arith.constant 0 : index
    %get3A_7 = arith.constant 0 : index
    %get3A_8 = arith.constant 0 : index
    %get3A_9 = vector.load %arg3[%get3A_6, %get3A_7, %get3A_8] : memref<2x1024x128xf32, #tpu.memory_space<vmem>>, vector<1x1024x128xf32>
    %get3A_10 = vector.shape_cast %get3A_9 : vector<1x1024x128xf32> to vector<1024x128xf32>
    %get3A_11 = arith.constant 1 : index
    %get3A_12 = arith.constant 0 : index
    %get3A_13 = arith.constant 0 : index
    %get3A_14 = vector.load %arg3[%get3A_11, %get3A_12, %get3A_13] : memref<2x1024x128xf32, #tpu.memory_space<vmem>>, vector<1x1024x128xf32>
    %get3A_15 = vector.shape_cast %get3A_14 : vector<1x1024x128xf32> to vector<1024x128xf32>
    %add3A = arith.addf %get3A_10, %get3A_15 : vector<1024x128xf32>
    %add3A_16 = arith.constant 1.000000e+00 : f32
    %add3A_17 = vector.broadcast %add3A_16 : f32 to vector<1024x128xf32>
    %add3A_18 = arith.addf %add3A, %add3A_17 : vector<1024x128xf32>
    %rsqrt3A = math.rsqrt %add3A_18 : vector<1024x128xf32>
    %mul3A = arith.mulf %dot_general3A_5, %rsqrt3A : vector<1024x128xf32>
    %swap3A = arith.constant 0 : index
    %swap3A_19 = arith.constant 0 : index
    %swap3A_20 = vector.load %arg4[%swap3A, %swap3A_19] : memref<1024x128xf32, #tpu.memory_space<vmem>>, vector<1024x128xf32>
    tpu.vector_store %arg4[%swap3A, %swap3A_19], %mul3A {strides = array<i32>} : memref<1024x128xf32, #tpu.memory_space<vmem>>, vector<1024x128xf32>,
    return
  }
  func.func @transform_0(%arg0: i32) -> (i32, i32) {
    %c0_i32 = arith.constant 0 : i32
    %c0_i32_0 = arith.constant 0 : i32
    return %arg0, %c0_i32 : i32, i32
  }
  func.func @transform_1(%arg0: i32) -> (i32, i32) {
    %c0_i32 = arith.constant 0 : i32
    %c0_i32_0 = arith.constant 0 : i32
    %c0_i32_1 = arith.constant 0 : i32
    return %c0_i32, %c0_i32_0 : i32, i32
  }
  func.func @transform_2(%arg0: i32) -> (i32, i32, i32) {
    %c0_i32 = arith.constant 0 : i32
    %c0_i32_0 = arith.constant 0 : i32
    %c0_i32_1 = arith.constant 0 : i32
    return %c0_i32, %arg0, %c0_i32_0 : i32, i32, i32
  }
  func.func @transform_3(%arg0: i32) -> (i32, i32) {
    %c0_i32 = arith.constant 0 : i32
    %c0_i32_0 = arith.constant 0 : i32
    return %arg0, %c0_i32 : i32, i32
  }
}

module attributes {stable_mosaic.version = 14 : i64} {
  func.func @_tc2_body(%arg0: i32, %arg1: memref<2x1024x128xf32, #tpu.memory_space<vmem>>, %arg2: memref<1024x128xf32, #tpu.memory_space<vmem>>, %arg3: memref<128x128xf32, #tpu.memory_space<vmem>>, %arg4: memref<1x128xf32, #tpu.memory_space<vmem>>, %arg5: memref<2x1024x128xf32, #tpu.memory_space<vmem>>, %arg6: memref<1024x128xf32, #tpu.memory_space<vmem>>) attributes {dimension_semantics = [#tpu.dimension_semantics<arbitrary>], iteration_bounds = array<i64: 10>, scalar_prefetch = 0 : i64, scratch_operands = 0 : i64, tpu.core_type = #tpu.core_type<tc>, window_params = [{transform_indices = @transform_0, window_bounds = array<i64: 2, 1024, 128>}, {transform_indices = @transform_1, window_bounds = array<i64: 1024, 128>}, {pipeline_mode = #tpu.pipeline_mode<synchronous>, transform_indices = @transform_2, window_bounds = array<i64: 128, 128>}, {pipeline_mode = #tpu.pipeline_mode<synchronous>, transform_indices = @transform_3, window_bounds = array<i64: 1, 128>}, {transform_indices = @transform_4, window_bounds = array<i64: 2, 1024, 128>}, {transform_indices = @transform_5, window_bounds = array<i64: 1024, 128>}]} {
    %get3A = arith.constant 0 : index
    %get3A_0 = arith.constant 0 : index
    %get3A_1 = arith.constant 0 : index
    %get3A_2 = vector.load %arg5[%get3A, %get3A_0, %get3A_1] : memref<2x1024x128xf32, #tpu.memory_space<vmem>>, vector<1x1024x128xf32>
    %get3A_3 = vector.shape_cast %get3A_2 : vector<1x1024x128xf32> to vector<1024x128xf32>
    %get3A_4 = arith.constant 1 : index
    %get3A_5 = arith.constant 0 : index
    %get3A_6 = arith.constant 0 : index
    %get3A_7 = vector.load %arg5[%get3A_4, %get3A_5, %get3A_6] : memref<2x1024x128xf32, #tpu.memory_space<vmem>>, vector<1x1024x128xf32>
    %get3A_8 = vector.shape_cast %get3A_7 : vector<1x1024x128xf32> to vector<1024x128xf32>
    %add3A = arith.addf %get3A_3, %get3A_8 : vector<1024x128xf32>
    %add3A_9 = arith.constant 1.000000e+00 : f32
    %add3A_10 = vector.broadcast %add3A_9 : f32 to vector<1024x128xf32>
    %add3A_11 = arith.addf %add3A, %add3A_10 : vector<1024x128xf32>
    %rsqrt3A = math.rsqrt %add3A_11 : vector<1024x128xf32>
    %get3A_12 = arith.constant 0 : index
    %get3A_13 = arith.constant 0 : index
    %get3A_14 = arith.constant 0 : index
    %get3A_15 = vector.load %arg1[%get3A_12, %get3A_13, %get3A_14] : memref<2x1024x128xf32, #tpu.memory_space<vmem>>, vector<1x1024x128xf32>
    %get3A_16 = vector.shape_cast %get3A_15 : vector<1x1024x128xf32> to vector<1024x128xf32>
    %get3A_17 = arith.constant 1 : index
    %get3A_18 = arith.constant 0 : index
    %get3A_19 = arith.constant 0 : index
    %get3A_20 = vector.load %arg1[%get3A_17, %get3A_18, %get3A_19] : memref<2x1024x128xf32, #tpu.memory_space<vmem>>, vector<1x1024x128xf32>
    %get3A_21 = vector.shape_cast %get3A_20 : vector<1x1024x128xf32> to vector<1024x128xf32>
    %add3A_22 = arith.addf %get3A_16, %get3A_21 : vector<1024x128xf32>
    %get3A_23 = arith.constant 0 : index
    %get3A_24 = arith.constant 0 : index
    %get3A_25 = vector.load %arg2[%get3A_23, %get3A_24] : memref<1024x128xf32, #tpu.memory_space<vmem>>, vector<1024x128xf32>
    %add3A_26 = arith.addf %add3A_22, %get3A_25 : vector<1024x128xf32>
    %mul3A = arith.mulf %rsqrt3A, %add3A_26 : vector<1024x128xf32>
    %get3A_27 = arith.constant 0 : index
    %get3A_28 = arith.constant 0 : index
    %get3A_29 = vector.load %arg4[%get3A_27, %get3A_28] : memref<1x128xf32, #tpu.memory_space<vmem>>, vector<1x128xf32>
    %add3A_30 = vector.broadcast %get3A_29 : vector<1x128xf32> to vector<1024x128xf32>
    %add3A_31 = arith.addf %mul3A, %add3A_30 : vector<1024x128xf32>
    %max3A = arith.constant 0.000000e+00 : f32
    %max3A_32 = vector.broadcast %max3A : f32 to vector<1024x128xf32>
    %max3A_33 = arith.maximumf %add3A_31, %max3A_32 : vector<1024x128xf32>
    %get3A_34 = arith.constant 0 : index
    %get3A_35 = arith.constant 0 : index
    %get3A_36 = vector.load %arg3[%get3A_34, %get3A_35] : memref<128x128xf32, #tpu.memory_space<vmem>>, vector<128x128xf32>
    %dot_general3A = arith.constant dense<0.000000e+00> : vector<1024x128xf32>
    %dot_general3A_37 = tpu.matmul %max3A_33, %get3A_36, %dot_general3A {dimension_numbers = #tpu.dot_dimension_numbers<[1], [0], [0], [1], [0, 0, 1, 1], [], []>, transpose_lhs_hint = false} : vector<1024x128xf32>, vector<128x128xf32>, vector<1024x128xf32> -> vector<1024x128xf32>
    %mul3A_38 = arith.mulf %dot_general3A_37, %rsqrt3A : vector<1024x128xf32>
    %swap3A = arith.constant 0 : index
    %swap3A_39 = arith.constant 0 : index
    %swap3A_40 = vector.load %arg6[%swap3A, %swap3A_39] : memref<1024x128xf32, #tpu.memory_space<vmem>>, vector<1024x128xf32>
    tpu.vector_store %arg6[%swap3A, %swap3A_39], %mul3A_38 {strides = array<i32>} : memref<1024x128xf32, #tpu.memory_space<vmem>>, vector<1024x128xf32>,
    return
  }
  func.func @transform_0(%arg0: i32) -> (i32, i32, i32) {
    %c0_i32 = arith.constant 0 : i32
    %c0_i32_0 = arith.constant 0 : i32
    %c0_i32_1 = arith.constant 0 : i32
    return %c0_i32, %arg0, %c0_i32_0 : i32, i32, i32
  }
  func.func @transform_1(%arg0: i32) -> (i32, i32) {
    %c0_i32 = arith.constant 0 : i32
    %c0_i32_0 = arith.constant 0 : i32
    return %arg0, %c0_i32 : i32, i32
  }
  func.func @transform_2(%arg0: i32) -> (i32, i32) {
    %c0_i32 = arith.constant 0 : i32
    %c0_i32_0 = arith.constant 0 : i32
    %c0_i32_1 = arith.constant 0 : i32
    return %c0_i32, %c0_i32_0 : i32, i32
  }
  func.func @transform_3(%arg0: i32) -> (i32, i32) {
    %c0_i32 = arith.constant 0 : i32
    %c0_i32_0 = arith.constant 0 : i32
    %c0_i32_1 = arith.constant 0 : i32
    return %c0_i32, %c0_i32_0 : i32, i32
  }
  func.func @transform_4(%arg0: i32) -> (i32, i32, i32) {
    %c0_i32 = arith.constant 0 : i32
    %c0_i32_0 = arith.constant 0 : i32
    %c0_i32_1 = arith.constant 0 : i32
    return %c0_i32, %arg0, %c0_i32_0 : i32, i32, i32
  }
  func.func @transform_5(%arg0: i32) -> (i32, i32) {
    %c0_i32 = arith.constant 0 : i32
    %c0_i32_0 = arith.constant 0 : i32
    return %arg0, %c0_i32 : i32, i32
  }
}

module attributes {stable_mosaic.version = 14 : i64} {
  func.func @_tc3_body(%arg0: i32, %arg1: memref<2x1024x128xf32, #tpu.memory_space<vmem>>, %arg2: memref<1024x128xf32, #tpu.memory_space<vmem>>, %arg3: memref<1x128xf32, #tpu.memory_space<vmem>>, %arg4: memref<2x1024x128xf32, #tpu.memory_space<vmem>>, %arg5: memref<1024x128xf32, #tpu.memory_space<vmem>>, %arg6: memref<1024x128xf32, #tpu.memory_space<vmem>>) attributes {dimension_semantics = [#tpu.dimension_semantics<arbitrary>], iteration_bounds = array<i64: 10>, scalar_prefetch = 0 : i64, scratch_operands = 0 : i64, tpu.core_type = #tpu.core_type<tc>, window_params = [{transform_indices = @transform_0, window_bounds = array<i64: 2, 1024, 128>}, {transform_indices = @transform_1, window_bounds = array<i64: 1024, 128>}, {pipeline_mode = #tpu.pipeline_mode<synchronous>, transform_indices = @transform_2, window_bounds = array<i64: 1, 128>}, {transform_indices = @transform_3, window_bounds = array<i64: 2, 1024, 128>}, {transform_indices = @transform_4, window_bounds = array<i64: 1024, 128>}, {transform_indices = @transform_5, window_bounds = array<i64: 1024, 128>}]} {
    %get3A = arith.constant 0 : index
    %get3A_0 = arith.constant 0 : index
    %get3A_1 = arith.constant 0 : index
    %get3A_2 = vector.load %arg4[%get3A, %get3A_0, %get3A_1] : memref<2x1024x128xf32, #tpu.memory_space<vmem>>, vector<1x1024x128xf32>
    %get3A_3 = vector.shape_cast %get3A_2 : vector<1x1024x128xf32> to vector<1024x128xf32>
    %get3A_4 = arith.constant 1 : index
    %get3A_5 = arith.constant 0 : index
    %get3A_6 = arith.constant 0 : index
    %get3A_7 = vector.load %arg4[%get3A_4, %get3A_5, %get3A_6] : memref<2x1024x128xf32, #tpu.memory_space<vmem>>, vector<1x1024x128xf32>
    %get3A_8 = vector.shape_cast %get3A_7 : vector<1x1024x128xf32> to vector<1024x128xf32>
    %add3A = arith.addf %get3A_3, %get3A_8 : vector<1024x128xf32>
    %add3A_9 = arith.constant 1.000000e+00 : f32
    %add3A_10 = vector.broadcast %add3A_9 : f32 to vector<1024x128xf32>
    %add3A_11 = arith.addf %add3A, %add3A_10 : vector<1024x128xf32>
    %rsqrt3A = math.rsqrt %add3A_11 : vector<1024x128xf32>
    %get3A_12 = arith.constant 0 : index
    %get3A_13 = arith.constant 0 : index
    %get3A_14 = arith.constant 0 : index
    %get3A_15 = vector.load %arg1[%get3A_12, %get3A_13, %get3A_14] : memref<2x1024x128xf32, #tpu.memory_space<vmem>>, vector<1x1024x128xf32>
    %get3A_16 = vector.shape_cast %get3A_15 : vector<1x1024x128xf32> to vector<1024x128xf32>
    %get3A_17 = arith.constant 1 : index
    %get3A_18 = arith.constant 0 : index
    %get3A_19 = arith.constant 0 : index
    %get3A_20 = vector.load %arg1[%get3A_17, %get3A_18, %get3A_19] : memref<2x1024x128xf32, #tpu.memory_space<vmem>>, vector<1x1024x128xf32>
    %get3A_21 = vector.shape_cast %get3A_20 : vector<1x1024x128xf32> to vector<1024x128xf32>
    %add3A_22 = arith.addf %get3A_16, %get3A_21 : vector<1024x128xf32>
    %get3A_23 = arith.constant 0 : index
    %get3A_24 = arith.constant 0 : index
    %get3A_25 = vector.load %arg2[%get3A_23, %get3A_24] : memref<1024x128xf32, #tpu.memory_space<vmem>>, vector<1024x128xf32>
    %add3A_26 = arith.addf %add3A_22, %get3A_25 : vector<1024x128xf32>
    %mul3A = arith.mulf %rsqrt3A, %add3A_26 : vector<1024x128xf32>
    %get3A_27 = arith.constant 0 : index
    %get3A_28 = arith.constant 0 : index
    %get3A_29 = vector.load %arg3[%get3A_27, %get3A_28] : memref<1x128xf32, #tpu.memory_space<vmem>>, vector<1x128xf32>
    %add3A_30 = vector.broadcast %get3A_29 : vector<1x128xf32> to vector<1024x128xf32>
    %add3A_31 = arith.addf %mul3A, %add3A_30 : vector<1024x128xf32>
    %swap3A = arith.constant 0 : index
    %swap3A_32 = arith.constant 0 : index
    %swap3A_33 = vector.load %arg5[%swap3A, %swap3A_32] : memref<1024x128xf32, #tpu.memory_space<vmem>>, vector<1024x128xf32>
    tpu.vector_store %arg5[%swap3A, %swap3A_32], %add3A_31 {strides = array<i32>} : memref<1024x128xf32, #tpu.memory_space<vmem>>, vector<1024x128xf32>,
    %reduce_max3A = arith.constant dense<0xFF800000> : vector<1024xf32>
    %reduce_max3A_34 = vector.multi_reduction <maximumf>, %add3A_31, %reduce_max3A [1] : vector<1024x128xf32> to vector<1024xf32>
    %broadcast_in_dim3A = vector.shape_cast %reduce_max3A_34 : vector<1024xf32> to vector<1024x1xf32>
    %sub3A = vector.broadcast %broadcast_in_dim3A : vector<1024x1xf32> to vector<1024x128xf32>
    %sub3A_35 = arith.subf %add3A_31, %sub3A : vector<1024x128xf32>
    %exp3A = math.exp %sub3A_35 : vector<1024x128xf32>
    %reduce_sum3A = arith.constant dense<0.000000e+00> : vector<1024xf32>
    %reduce_sum3A_36 = vector.multi_reduction <add>, %exp3A, %reduce_sum3A [1] : vector<1024x128xf32> to vector<1024xf32>
    %broadcast_in_dim3A_37 = vector.shape_cast %reduce_sum3A_36 : vector<1024xf32> to vector<1024x1xf32>
    %log3A = math.log %broadcast_in_dim3A_37 : vector<1024x1xf32>
    %add3A_38 = arith.addf %log3A, %broadcast_in_dim3A : vector<1024x1xf32>
    %sub3A_39 = vector.broadcast %add3A_38 : vector<1024x1xf32> to vector<1024x128xf32>
    %sub3A_40 = arith.subf %add3A_31, %sub3A_39 : vector<1024x128xf32>
    %swap3A_41 = arith.constant 0 : index
    %swap3A_42 = arith.constant 0 : index
    %swap3A_43 = vector.load %arg6[%swap3A_41, %swap3A_42] : memref<1024x128xf32, #tpu.memory_space<vmem>>, vector<1024x128xf32>
    tpu.vector_store %arg6[%swap3A_41, %swap3A_42], %sub3A_40 {strides = array<i32>} : memref<1024x128xf32, #tpu.memory_space<vmem>>, vector<1024x128xf32>,
    return
  }
  func.func @transform_0(%arg0: i32) -> (i32, i32, i32) {
    %c0_i32 = arith.constant 0 : i32
    %c0_i32_0 = arith.constant 0 : i32
    %c0_i32_1 = arith.constant 0 : i32
    return %c0_i32, %arg0, %c0_i32_0 : i32, i32, i32
  }
  func.func @transform_1(%arg0: i32) -> (i32, i32) {
    %c0_i32 = arith.constant 0 : i32
    %c0_i32_0 = arith.constant 0 : i32
    return %arg0, %c0_i32 : i32, i32
  }
  func.func @transform_2(%arg0: i32) -> (i32, i32) {
    %c0_i32 = arith.constant 0 : i32
    %c0_i32_0 = arith.constant 0 : i32
    %c0_i32_1 = arith.constant 0 : i32
    return %c0_i32, %c0_i32_0 : i32, i32
  }
  func.func @transform_3(%arg0: i32) -> (i32, i32, i32) {
    %c0_i32 = arith.constant 0 : i32
    %c0_i32_0 = arith.constant 0 : i32
    %c0_i32_1 = arith.constant 0 : i32
    return %c0_i32, %arg0, %c0_i32_0 : i32, i32, i32
  }
  func.func @transform_4(%arg0: i32) -> (i32, i32) {
    %c0_i32 = arith.constant 0 : i32
    %c0_i32_0 = arith.constant 0 : i32
    return %arg0, %c0_i32 : i32, i32
  }
  func.func @transform_5(%arg0: i32) -> (i32, i32) {
    %c0_i32 = arith.constant 0 : i32
    %c0_i32_0 = arith.constant 0 : i32
    return %arg0, %c0_i32 : i32, i32
  }
}

</mosaic_0001>

<sc_bundles>
// kernel: kernel.11.cloned.1.call-start
scs
__scs_entry_jumppad:
0x0: {  	(pc) =	sbr.rel $0x88, $3  }
0x1: {  	(tag) =	ssettag $0x0;
	lr =	simm.s32 $0x1  }
0x2: {  	[smem:$0x3F9B] =	sst lr;
	_ =	strace $0xD0000000  }
0x3: {  	_ = 	snop  }
0x4: {  	_ = 	snop  }
0x5: {  	_ = 	snop  }
0x6: {  	_ = 	snop  }
0x7: {  	_ = 	snop  }
__scs_overlays_trampoline_lowered:
0x8: {  	[smem:$0x3FAA] =	sst s0  }
0x9: {  	[smem:$0x3FAB] =	sst s1  }
0xa: {  	[smem:$0x3FAC] =	sst s2  }
0xb: {  	[smem:$0x3FAD] =	sst s3  }
0xc: {  	[smem:$0x3FAE] =	sst s4  }
0xd: {  	[smem:$0x3FAF] =	sst s5  }
0xe: {  	[smem:$0x3FB0] =	sst s6  }
0xf: {  	[smem:$0x3FB1] =	sst s7  }
0x10: {  	[smem:$0x3FB2] =	sst s8  }
0x11: {  	[smem:$0x3FB3] =	sst s9;
	s0 =	simm.s32 @!p0 $0x0  }
0x12: {  	s1 =	sld [smem:$0x3F99];
	s0 =	simm.s32 @p0 $0x1  }
0x13: {  	[smem:$0x3FB4] =	sst s0;
	s0 =	simm.s32 @!p1 $0x0  }
0x14: {  	s2 =	sld [smem:$0x3F98];
	s0 =	simm.s32 @p1 $0x1  }
0x15: {  	[smem:$0x3FB5] =	sst s0;
	s0 =	simm.s32 @!p2 $0x0  }
0x16: {  	s3 =	sld [smem:$0x3FDB];
	s0 =	simm.s32 @p2 $0x1  }
0x17: {  	s4 =	simm.s32 $0x1BF5;
	[smem:$0x3FB7] =	sst s0  }
0x18: {  	s0 =	sld [smem:$0x3F9A];
	_ =	swait.ge [sflag:s4], $0x0  }
0x19: {  	s7 =	sld [smem:$0x3F9B]  }
0x1a: {  	s8 =	sadd.s32 $0xFFFFE003, lr  }
0x1b: {  	s9 =	sadd.s32 $0xFFFFFEF7, lr;
	s5 =	simm.s32 $0xFFFFFFFF;
	p2 =	slt.u32 s8, $0xFFFFF086  }
0x1c: {  	p1 =	slt.u32 s9, $0xF7A;
	s5 =	simm.s32 @!p2 $0x0  }
0x1d: {  	s5 =	simm.s32 @p1 $0x1;
	p0 =	seq.s32 s7, s2  }
0x1e: {  	s7 =	smul.u32 @!p0 $0xF7A, s2;
	p2 =	seq.s32 @!p0 s5, $0x0  }
0x1f: {  	s9 =	smul.u32 $0xF7A, s1;
	s8 =	simm.s32 @!p0 $0x1BF5;
	p2 =	por !p2, p0  }
0x20: {  	[sflag:s8] =	ssyncset.s32 @!p0 $0xFFFFF086;
	s6 =	sadd.s32 @!p0 s3, s7;
	s7 =	simm.s32 @!p0 $0x108  }
0x21: {  	s3 =	sadd.s32 s3, s9;
	s6 =	sadd.s32 @!p0 $0x88, s6;
	s7 =	simm.s32 @p2 $0x1082  }
0x22: {  	[simem:s7], [sflag:s8] =	dma.local @!p0 [hbm:s6], $0xF7A  }
0x23: {  	s9 =	sor.u32 $0xD0000000, s2;
	s6 =	simm.s32 $0x108;
	_ =	swait.ge @!p0 [sflag:s8], $0x0  }
0x24: {  	s3 =	sadd.s32 $0x88, s3;
	s6 =	simm.s32 @!p1 $0x1082;
	[sflag:s4] =	ssyncset.s32 $0xFFFFF086  }
0x25: {  	[simem:s6], [sflag:s4] =	dma.local [hbm:s3], $0xF7A  }
0x26: {  	[smem:$0x3F9B] =	sst s1;
	(tag) =	ssettag s2;
	_ =	strace s9  }
0x27: {  	s1 =	sld [smem:$0x3FAB]  }
0x28: {  	s2 =	sld [smem:$0x3FAC]  }
0x29: {  	s4 =	sld [smem:$0x3FAE]  }
0x2a: {  	p0 =	seq.s32 s5, $0x0;
	s5 =	sld [smem:$0x3FAF]  }
0x2b: {  	s6 =	sld [smem:$0x3FB0]  }
0x2c: {  	s7 =	sld [smem:$0x3FB1]  }
0x2d: {  	s3 =	simm.s32 $0x108;
	s8 =	sld [smem:$0x3FB2]  }
0x2e: {  	s3 =	simm.s32 @!p0 $0x1082;
	s9 =	sld [smem:$0x3FB3]  }
0x2f: {  	lr =	sadd.s32 s0, s3;
	s0 =	sld [smem:$0x3FAA]  }
0x30: {  	s3 =	sld [smem:$0x3FAD]  }
0x31: {  	[smem:$0x3FB6] =	sst s10  }
0x32: {  	s10 =	sld [smem:$0x3FB4];
	_ =	sdelay $0x3  }
0x33: {  	p0 =	seq.s32 s10, $0x1;
	s10 =	sld [smem:$0x3FB6];
	_ =	sdelay $0x3  }
0x34: {  	[smem:$0x3FB6] =	sst s10  }
0x35: {  	s10 =	sld [smem:$0x3FB5];
	_ =	sdelay $0x3  }
0x36: {  	p1 =	seq.s32 s10, $0x1;
	s10 =	sld [smem:$0x3FB6];
	_ =	sdelay $0x3  }
0x37: {  	[smem:$0x3FB6] =	sst s10  }
0x38: {  	s10 =	sld [smem:$0x3FB7]  }
0x39: {  	_ = 	snop;
	(pc) =	sbr.ind lr, $3  }
0x3a: {  	_ = 	snop  }
0x3b: {  	_ = 	snop  }
0x3c: {  	p2 =	seq.s32 s10, $0x1;
	s10 =	sld [smem:$0x3FB6]  }
0x3d: {  	_ =	shalt  }
0x3e: {  	_ =	shalt  }
0x3f: {  	_ =	shalt  }
0x40: {  	_ =	shalt  }
0x41: {  	_ =	shalt  }
0x42: {  	_ =	shalt  }
0x43: {  	_ =	shalt  }
0x44: {  	_ =	shalt  }
0x45: {  	_ =	shalt  }
0x46: {  	_ =	shalt  }
0x47: {  	_ =	shalt  }
0x48: {  	_ =	shalt  }
0x49: {  	_ =	shalt  }
0x4a: {  	_ =	shalt  }
0x4b: {  	_ =	shalt  }
0x4c: {  	_ =	shalt  }
0x4d: {  	_ =	shalt  }
0x4e: {  	_ =	shalt  }
0x4f: {  	_ =	shalt  }
0x50: {  	_ =	shalt  }
0x51: {  	_ =	shalt  }
0x52: {  	_ =	shalt  }
0x53: {  	_ =	shalt  }
0x54: {  	_ =	shalt  }
0x55: {  	_ =	shalt  }
0x56: {  	_ =	shalt  }
0x57: {  	_ =	shalt  }
0x58: {  	_ =	shalt  }
0x59: {  	_ =	shalt  }
0x5a: {  	_ =	shalt  }
0x5b: {  	_ =	shalt  }
0x5c: {  	_ =	shalt  }
0x5d: {  	_ =	shalt  }
0x5e: {  	_ =	shalt  }
0x5f: {  	_ =	shalt  }
0x60: {  	_ =	shalt  }
0x61: {  	_ =	shalt  }
0x62: {  	_ =	shalt  }
0x63: {  	_ =	shalt  }
0x64: {  	_ =	shalt  }
0x65: {  	_ =	shalt  }
0x66: {  	_ =	shalt  }
0x67: {  	_ =	shalt  }
0x68: {  	_ =	shalt  }
0x69: {  	_ =	shalt  }
0x6a: {  	_ =	shalt  }
0x6b: {  	_ =	shalt  }
0x6c: {  	_ =	shalt  }
0x6d: {  	_ =	shalt  }
0x6e: {  	_ =	shalt  }
0x6f: {  	_ =	shalt  }
0x70: {  	_ =	shalt  }
0x71: {  	_ =	shalt  }
0x72: {  	_ =	shalt  }
0x73: {  	_ =	shalt  }
0x74: {  	_ =	shalt  }
0x75: {  	_ =	shalt  }
0x76: {  	_ =	shalt  }
0x77: {  	_ =	shalt  }
0x78: {  	_ =	shalt  }
0x79: {  	_ =	shalt  }
0x7a: {  	_ =	shalt  }
0x7b: {  	_ =	shalt  }
0x7c: {  	_ =	shalt  }
0x7d: {  	_ =	shalt  }
0x7e: {  	_ =	shalt  }
0x7f: {  	_ =	shalt  }
0x80: {  	_ =	shalt  }
0x81: {  	_ =	shalt  }
0x82: {  	_ =	shalt  }
0x83: {  	_ =	shalt  }
0x84: {  	_ =	shalt  }
0x85: {  	_ =	shalt  }
0x86: {  	_ =	shalt  }
0x87: {  	_ =	shalt  }
.Lfunc_end0:
.L_simem_size_0:
called_computation.1_lowered:
.L_overlay_start_0:
0x88: {  	s2 =	sld [smem:$0x3FD9]  }
0x89: {  	s3 =	sld [smem:$0x3FFE];
	_ =	sdelay $0x1  }
0x8a: {  	s1 =	srdreg.scid  }
0x8b: {  	s0 =	sand.u32 $0x1, s1  }
0x8c: {  	s14 =	sshll.u32 s0, $0xA;
	s2 =	sadd.s32 s3, s2  }
0x8d: {  	s2 =	sadd.s32 s2, s14  }
0x8e: {  	[smem:$0x3FC2] =	sst s2  }
0x8f: {  	_ = 	snop  }
0x90: {  	s2 =	sld [smem:$0x3FD0];
	_ =	sdelay $0x2  }
0x91: {  	s15 =	simm.s32 $0xA;
	s4 =	simm.s32 $0x10  }
0x92: {  	[smem:s4], [sflag:s15] =	dma.local [hbm:s2], $0x1  }
0x93: {  	_ =	swait.eq [sflag:s15], $0x1  }
0x94: {  	[sflag:s15] =	ssyncset.done $0x0  }
0x95: {  	s16 =	sld [smem:$0x10];
	[sflag:s15] =	ssyncadd.s32 $0xFFFFFFFF  }
0x96: {  	s17 =	sld [smem:$0x11];
	(tm) =	ssettm $0x1  }
0x97: {  	s18 =	sld [smem:$0x3FFB];
	_ =	sdelay $0x3  }
0x98: {  	_ =	strace s18  }
0x99: {  	s4 =	sld [smem:$0x3FFC];
	_ =	sdelay $0x3  }
0x9a: {  	_ =	strace s4  }
0x9b: {  	s4 =	sld [smem:$0x3FFD];
	_ =	sdelay $0x3  }
0x9c: {  	_ =	strace s4  }
0x9d: {  	_ =	strace $0x8FFFFFFF  }
0x9e: {  	s19 =	sld [smem:$0x3FDB];
	_ =	sdelay $0x1  }
0x9f: {  	s5 =	simm.s32 $_scs_section_size  }
0xa0: {  	s6 =	simm.s32 $_size__tile_overlayer_lowered;
	s7 =	simm.s32 $_tile_overlayer_lowered  }
0xa1: {  	s22 =	simm.s32 $0x1BFF;
	s21 =	sshll.u32 s7, $0x1;
	s4 =	sadd.s32 s5, s19  }
0xa2: {  	s8 =	simm.s32 $0x0;
	s20 =	sshll.u32 s6, $0x1;
	s6 =	sadd.s32 s21, s4  }
0xa3: {  	[timem:s8], [sflag:s22] =	dma.local [hbm:s6], s20  }
0xa4: {  	_ =	swait.ge [sflag:s22], s20  }
0xa5: {  	s5 =	ssub.s32 $0x0, s20;
	[sflag:s22] =	ssyncset.done $0x0  }
0xa6: {  	[sflag:s22] =	ssyncadd.s32 s5;
	_ =	sdelay $0x1  }
0xa7: {  	s23 =	simm.s32 $0x1B8B  }
0xa8: {  	_ =	swait.ge [sflag:s23], $0x1  }
0xa9: {  	[sflag:s23] =	ssyncset.done $0x0  }
0xaa: {  	s25 =	simm.s32 $0x1B8E;
	s24 =	sld [smem:$0x3FFE];
	[sflag:s23] =	ssyncadd.s32 $0xFFFFFFFF  }
0xab: {  	s26 =	simm.s32 $execute0_lowered;
	[smem:$0x3FD2] =	sst s25  }
0xac: {  	s6 =	sshll.u32 s26, $0x1;
	_ =	strace $0x80000049;
	[dreg:$0x1] =	wrdreg $0xFFFFFFFF  }
0xad: {  	s28 =	simm.s32 $_size_execute0_lowered;
	s4 =	sadd.s32 s4, s6;
	[dreg:$0x0] =	wrdreg $0x0  }
0xae: {  	s6 =	sshll.u32 s28, $0x1;
	[dreg:$0x2] =	wrdreg s4  }
0xaf: {  	[dreg:$0x3] =	wrdreg s6  }
0xb0: {  	[dreg:$0x4] =	wrdreg $0xC0  }
0xb1: {  	_ =	task [dreg:s8], $0x5FFFF  }
0xb2: {  	[dreg:$0x1] =	wrdreg $0xFFFFFFFF  }
0xb3: {  	[dreg:$0x0] =	wrdreg $0x60  }
0xb4: {  	[dreg:$0x2] =	wrdreg s24  }
0xb5: {  	[dreg:$0x3] =	wrdreg s16  }
0xb6: {  	[dreg:$0x4] =	wrdreg s17  }
0xb7: {  	[dreg:$0x5] =	wrdreg $0xA2000  }
0xb8: {  	[dreg:$0x6] =	wrdreg $0x9  }
0xb9: {  	_ =	task.clear_ibuf [dreg:s8], $0x7FFFF;
	_ =	strace $0x90000049  }
0xba: {  	s29 =	simm.s32 $0x9;
	_ =	strace $0x8000004B  }
0xbb: {  	_ =	swait.ge [sflag:s29], $0x1  }
0xbc: {  	[sflag:s29] =	ssyncadd.s32 $0xFFFFFFFF  }
0xbd: {  	_ =	strace $0x9000004B  }
0xbe: {  	_ =	sfence  }
0xbf: {  	s30 =	sld [smem:$0x0];
	_ =	sdelay $0x2  }
0xc0: {  	s31 =	sshll.u32 s1, $0xD;
	s1 =	sshrl.u32 s1, $0x2  }
0xc1: {  	s3 =	sand.u32 $0x4000, s31;
	s1 =	sadd.s32 s1, s30  }
0xc2: {  	s0 =	sor.u32 s3, s0;
	s1 =	sshll.u32 s1, $0x11  }
0xc3: {  	s0 =	sor.u32 s1, s0  }
0xc4: {  	s0 =	sadd.s32 $0x8F2B, s0  }
0xc5: {  	[sflag:s0] =	ssyncadd.remote.s32 $0x1  }
0xc6: {  	_ =	sfence.sel $0xFFFF  }
0xc7: {  	[dreg:$0x0] =	wrdreg $0xFFFFFFFF;
	(pc) =	sbr.abs _section_cstart, $3  }
0xc8: {  	[dreg:$0x1] =	wrdreg $0xFFFFFFFF  }
0xc9: {  	_ =	task.clear_ibuf [dreg:s8], $0x2FFFF;
	_ =	strace $0x9FFFFFFF  }
0xca: {  	(tm) =	ssettm $0x7FFFFFFF  }
0xcb: {  	_ =	shalt  }
tec
execute0_lowered:
.L_overlay_start_1:
0x0: {  	(tag) =	ssettag $0x1  }
0x1: {  	s5 =	rddreg [dreg:$0x0]  }
0x2: {  	s6 =	rddreg [dreg:$0x1]  }
0x3: {  	s7 =	rddreg [dreg:$0x2]  }
0x4: {  	s1 =	rddreg [dreg:$0x3];
	s2 =	srdreg.scid  }
0x5: {  	s0 =	rddreg [dreg:$0x4];
	s3 =	simm.s32 $0x0;
	s16 =	simm.s32 $0x2  }
0x6: {  	s17 =	simm.s32 $0x3000;
	s8 =	sand.u32 $0x1, s2;
	s2 =	stileid.u32  }
0x7: {  	s18 =	simm.s32 $0x6200;
	[smem:$0x7FF] =	sst s3;
	s9 =	smul.u32 $0x140000, s8  }
0x8: {  	s4 =	sadd.s32 $0x5C200, s5;
	s10 =	smul.u32 $0x14000, s2;
	_ =	strace $0x8000004A  }
0x9: {  	s11 =	sshll.u32 s8, $0x4;
	s28 =	ssub.s32 $0x2, s8;
	s30 =	smul.u32 $0x50000, s2  }
0xa: {  	p0 =	seq.s32 s8, $0x0;
	s26 =	sor.u32 s2, s11;
	s29 =	sshrl.u32 s28, $0x1  }
0xb: {  	s9 =	sadd.s32 s10, s9;
	s10 =	smul.u32 $0x600, s26;
	s31 =	sshrl.u32 s30, $0x2  }
0xc: {  	s11 =	ssub.s32 s28, s29;
	s9 =	sshrl.u32 s9, $0x3;
	s8 =	sadd.s32 s31, s1  }
0xd: {  	s11 =	smax.u32 s11, $0x1;
	s12 =	sadd.s32 s9, s5;
	s5 =	simm.s32 $0x5D  }
0xe: {  	s6 =	sadd.s32 s6, s10;
	s7 =	sadd.s32 s7, s10;
	s13 =	sadd.s32 $0x8000, s8  }
0xf: {  	s14 =	sadd.s32 $0xC000, s8;
	s15 =	sadd.s32 $0x10000, s8;
	s5 =	simm.s32 @!p0 $0x40  }
0x10: {  	v0 =	vimm.f32 $0.0e+00;
	s10 =	sadd.s32 $0x84200, s12;
	s12 =	sadd.s32 $0x4000, s8;
	s9 =	sadd.s32 $0xFFFFFFFF, s5  }
.LBB2_1:
0x11: {  	s19 =	simm.s32 $0x0;
	s20 =	simm.s32 $0x200  }
.LBB2_2:
0x12: {  	p0 =	sne.s32 s20, $0xFE00;
	[tilespmem:s19+$0x6270] =	vst v0  }
0x13: {  	[tilespmem:s19+$0x6200] =	vst v0  }
0x14: {  	[tilespmem:s19+$0x6210] =	vst v0  }
.Ltmp0:
0x15: {  	[tilespmem:s19+$0x6220] =	vst v0;
	(pc) =	sbr.rel @p0 .LBB2_2-.Ltmp0, $4  }
0x16: {  	[tilespmem:s19+$0x6230] =	vst v0  }
0x17: {  	[tilespmem:s19+$0x6240] =	vst v0  }
0x18: {  	[tilespmem:s19+$0x6250] =	vst v0  }
0x19: {  	[tilespmem:s19+$0x6260] =	vst v0;
	s19 =	sshra.s32 s20, $0x2;
	s20 =	sadd.s32 $0x200, s20  }
0x1a: {  	[tilespmem:s19+$0x6270] =	vst v0  }
0x1b: {  	[tilespmem:s19+$0x6200] =	vst v0  }
0x1c: {  	[tilespmem:s19+$0x6210] =	vst v0  }
0x1d: {  	[tilespmem:s19+$0x6220] =	vst v0  }
0x1e: {  	[tilespmem:s19+$0x6230] =	vst v0  }
0x1f: {  	[tilespmem:s19+$0x6240] =	vst v0  }
0x20: {  	[tilespmem:s19+$0x6250] =	vst v0  }
0x21: {  	[tilespmem:s19+$0x6260] =	vst v0;
	s31 =	simm.s32 $0x0  }
0x22: {  	[tilespmem:s31], [sflag:$0x2] =	stream.linear.gather [hbm4b:s6+s31], $0x2E80, $0x38;
	[tilespmem:$0x1E200] =	vst v63  }
0x23: {  	_ =	swait.ge [sflag:s16], $0x2E80  }
0x24: {  	[sflag:s16] =	ssyncset.done $0x0  }
0x25: {  	[sflag:s16] =	ssyncadd.s32 $0xFFFFD180  }
0x26: {  	[tilespmem:s17], [sflag:$0x2] =	stream.linear.gather [hbm4b:s7+s31], $0x2E80, $0x38;
	[tilespmem:$0x1E200] =	vst v63  }
0x27: {  	_ =	swait.ge [sflag:s16], $0x2E80  }
0x28: {  	[sflag:s16] =	ssyncset.done $0x0  }
0x29: {  	[sflag:s16] =	ssyncadd.s32 $0xFFFFD180  }
0x2a: {  	[spmem:s8] =	stream.linear.scatter [tilespmem:s18], [sflag:$0x2], $0x4000, $0x38;
	[tilespmem:$0x1E200] =	vst v63  }
0x2b: {  	_ =	swait.ge [sflag:s16], $0x4000  }
0x2c: {  	[sflag:s16] =	ssyncset.done $0x0  }
0x2d: {  	[sflag:s16] =	ssyncadd.s32 $0xFFFFC000  }
0x2e: {  	[spmem:s12] =	stream.linear.scatter [tilespmem:s18], [sflag:$0x2], $0x4000, $0x38;
	[tilespmem:$0x1E200] =	vst v63  }
0x2f: {  	_ =	swait.ge [sflag:s16], $0x4000  }
0x30: {  	[sflag:s16] =	ssyncset.done $0x0  }
0x31: {  	[sflag:s16] =	ssyncadd.s32 $0xFFFFC000  }
0x32: {  	[spmem:s13] =	stream.linear.scatter [tilespmem:s18], [sflag:$0x2], $0x4000, $0x38;
	[tilespmem:$0x1E200] =	vst v63  }
0x33: {  	_ =	swait.ge [sflag:s16], $0x4000  }
0x34: {  	[sflag:s16] =	ssyncset.done $0x0  }
0x35: {  	[sflag:s16] =	ssyncadd.s32 $0xFFFFC000  }
0x36: {  	[spmem:s14] =	stream.linear.scatter [tilespmem:s18], [sflag:$0x2], $0x4000, $0x38;
	[tilespmem:$0x1E200] =	vst v63  }
0x37: {  	_ =	swait.ge [sflag:s16], $0x4000  }
0x38: {  	[sflag:s16] =	ssyncset.done $0x0  }
0x39: {  	[sflag:s16] =	ssyncadd.s32 $0xFFFFC000  }
0x3a: {  	[spmem:s15] =	stream.linear.scatter [tilespmem:s18], [sflag:$0x2], $0x4000, $0x38;
	[tilespmem:$0x1E200] =	vst v63  }
0x3b: {  	_ =	swait.ge [sflag:s16], $0x4000  }
0x3c: {  	[sflag:s16] =	ssyncset.done $0x0  }
0x3d: {  	[sflag:s16] =	ssyncadd.s32 $0xFFFFC000  }
0x3e: {  	v1 =	vld [tilespmem:$0x0]  }
0x3f: {  	v2 =	vld [tilespmem:$0x3000]  }
0x40: {  	v3 =	vld [tilespmem:$0x10]  }
0x41: {  	v4 =	vld [tilespmem:$0x3010]  }
0x42: {  	v5 =	vld [tilespmem:$0x20]  }
0x43: {  	[tilespmem:$0x6000] =	vst v1;
	v1 =	vld [tilespmem:$0x3020]  }
0x44: {  	v60 =	vld [tilespmem:$0x40];
	[tilespmem:$0x6100] =	vst v2  }
0x45: {  	v61 =	vld [tilespmem:$0x3040];
	[tilespmem:$0x6010] =	vst v3  }
0x46: {  	v2 =	vld [tilespmem:$0x30];
	[tilespmem:$0x6110] =	vst v4  }
0x47: {  	v3 =	vld [tilespmem:$0x3030];
	[tilespmem:$0x6020] =	vst v5  }
0x48: {  	[tilespmem:$0x6120] =	vst v1;
	v1 =	vld [tilespmem:$0x50]  }
0x49: {  	v62 =	vld [tilespmem:$0x3060];
	[tilespmem:$0x6040] =	vst v60  }
0x4a: {  	v63 =	vld [tilespmem:$0x70];
	[tilespmem:$0x6140] =	vst v61  }
0x4b: {  	[tilespmem:$0x6030] =	vst v2;
	v2 =	vld [tilespmem:$0x3050]  }
0x4c: {  	[tilespmem:$0x6130] =	vst v3;
	v3 =	vld [tilespmem:$0x60]  }
0x4d: {  	[tilespmem:$0x6050] =	vst v1;
	v1 =	vld [tilespmem:$0x3070]  }
0x4e: {  	[tilespmem:$0x6160] =	vst v62  }
0x4f: {  	[tilespmem:$0x6070] =	vst v63  }
0x50: {  	[tilespmem:$0x6150] =	vst v2  }
0x51: {  	p0 =	sle.u32 s5, $0x0;
	[tilespmem:$0x6060] =	vst v3  }
0x52: {  	s19 =	simm.s32 $0xC0;
	s21 =	simm.s32 @!p0 $0x80;
	[tilespmem:$0x6170] =	vst v1  }
0x53: {  	s20 =	simm.s32 @!p0 $0x6000;
	s22 =	simm.s32 @!p0 $0x6200;
	[bflag:$0x0] =	sbarrier.arrive $0xFFFF  }
0x54: {  	[tilespmem:s22], [sflag:$0x1] =	stream.indirect.gather @!p0 [hbm4b:s4+s21], $0x80, s20, s21, $0xb8;
	[tilespmem:$0x1E200] =	vst v63  }
0x55: {  	v1 =	vld @!p0 [tilespmem:s19+$0xFFFFFFC0];
	_ =	sdelay $0x4  }
0x56: {  	s20 =	simm.s32 $0x30C0;
	[tilespmem:$0x6080] =	vst @!p0 v1  }
0x57: {  	v1 =	vld @!p0 [tilespmem:s20+$0xFFFFFFC0];
	_ =	sdelay $0x4  }
0x58: {  	[tilespmem:$0x6180] =	vst @!p0 v1  }
0x59: {  	v1 =	vld @!p0 [tilespmem:s19+$0xFFFFFFD0];
	_ =	sdelay $0x4  }
0x5a: {  	[tilespmem:$0x6090] =	vst @!p0 v1  }
0x5b: {  	v1 =	vld @!p0 [tilespmem:s20+$0xFFFFFFD0];
	_ =	sdelay $0x4  }
0x5c: {  	[tilespmem:$0x6190] =	vst @!p0 v1  }
0x5d: {  	v1 =	vld @!p0 [tilespmem:s19+$0xFFFFFFE0];
	_ =	sdelay $0x4  }
0x5e: {  	[tilespmem:$0x60A0] =	vst @!p0 v1  }
0x5f: {  	v1 =	vld @!p0 [tilespmem:s20+$0xFFFFFFE0];
	_ =	sdelay $0x4  }
0x60: {  	[tilespmem:$0x61A0] =	vst @!p0 v1  }
0x61: {  	v1 =	vld @!p0 [tilespmem:s19+$0xFFFFFFF0];
	_ =	sdelay $0x4  }
0x62: {  	[tilespmem:$0x60B0] =	vst @!p0 v1  }
0x63: {  	v1 =	vld @!p0 [tilespmem:s20+$0xFFFFFFF0];
	_ =	sdelay $0x4  }
0x64: {  	[tilespmem:$0x61B0] =	vst @!p0 v1  }
0x65: {  	v1 =	vld @!p0 [tilespmem:s19+$0x0];
	_ =	sdelay $0x4  }
0x66: {  	[tilespmem:$0x60C0] =	vst @!p0 v1  }
0x67: {  	v1 =	vld @!p0 [tilespmem:s20+$0x0];
	_ =	sdelay $0x4  }
0x68: {  	[tilespmem:$0x61C0] =	vst @!p0 v1  }
0x69: {  	v1 =	vld @!p0 [tilespmem:s19+$0x10];
	_ =	sdelay $0x4  }
0x6a: {  	[tilespmem:$0x60D0] =	vst @!p0 v1  }
0x6b: {  	v1 =	vld @!p0 [tilespmem:s20+$0x10];
	_ =	sdelay $0x4  }
0x6c: {  	[tilespmem:$0x61D0] =	vst @!p0 v1  }
0x6d: {  	v1 =	vld @!p0 [tilespmem:s19+$0x20];
	_ =	sdelay $0x4  }
0x6e: {  	[tilespmem:$0x60E0] =	vst @!p0 v1  }
0x6f: {  	v1 =	vld @!p0 [tilespmem:s20+$0x20];
	_ =	sdelay $0x4  }
0x70: {  	[tilespmem:$0x61E0] =	vst @!p0 v1  }
0x71: {  	v1 =	vld @!p0 [tilespmem:s19+$0x30];
	_ =	sdelay $0x4  }
0x72: {  	[tilespmem:$0x60F0] =	vst @!p0 v1  }
0x73: {  	v1 =	vld @!p0 [tilespmem:s20+$0x30];
	_ =	sdelay $0x4  }
0x74: {  	s23 =	simm.s32 @!p0 $0x1;
	[tilespmem:$0x61F0] =	vst @!p0 v1  }
0x75: {  	_ =	swait.ge @!p0 [sflag:s23], $0x4000  }
0x76: {  	[sflag:s23] =	ssyncset.done @!p0 $0x0  }
0x77: {  	s24 =	simm.s32 @!p0 $0x6100;
	s25 =	simm.s32 @!p0 $0x3;
	[sflag:s23] =	ssyncadd.s32 @!p0 $0xFFFFC000  }
0x78: {  	[spmem:s1] =	stream.indirect.scatter.add.f32 @!p0 [tilespmem:s22], [sflag:$0x3], $0x80, s24, s21, $0xb8;
	[tilespmem:$0x1E200] =	vst v63  }
0x79: {  	p2 =	sle.u32 s9, $0x0;
	_ =	swait.ge @!p0 [sflag:s25], $0x4000  }
0x7a: {  	s23 =	simm.s32 @!p2 $0x6200;
	[sflag:s25] =	ssyncset.done @!p0 $0x0  }
0x7b: {  	s21 =	simm.s32 @!p2 $0x80;
	s22 =	simm.s32 @!p2 $0x6080;
	[sflag:s25] =	ssyncadd.s32 @!p0 $0xFFFFC000  }
0x7c: {  	[tilespmem:s23], [sflag:$0x1] =	stream.indirect.gather @!p2 [hbm4b:s4+s21], $0x80, s22, s21, $0xb8;
	[tilespmem:$0x1E200] =	vst v63  }
0x7d: {  	v1 =	vld @!p2 [tilespmem:s19+$0x40];
	_ =	sdelay $0x4  }
0x7e: {  	[tilespmem:$0x6000] =	vst @!p2 v1  }
0x7f: {  	v1 =	vld @!p2 [tilespmem:s20+$0x40];
	_ =	sdelay $0x4  }
0x80: {  	[tilespmem:$0x6100] =	vst @!p2 v1  }
0x81: {  	v1 =	vld @!p2 [tilespmem:s19+$0x50];
	_ =	sdelay $0x4  }
0x82: {  	[tilespmem:$0x6010] =	vst @!p2 v1  }
0x83: {  	v1 =	vld @!p2 [tilespmem:s20+$0x50];
	_ =	sdelay $0x4  }
0x84: {  	[tilespmem:$0x6110] =	vst @!p2 v1  }
0x85: {  	v1 =	vld @!p2 [tilespmem:s19+$0x60];
	_ =	sdelay $0x4  }
0x86: {  	[tilespmem:$0x6020] =	vst @!p2 v1  }
0x87: {  	v1 =	vld @!p2 [tilespmem:s20+$0x60];
	_ =	sdelay $0x4  }
0x88: {  	[tilespmem:$0x6120] =	vst @!p2 v1  }
0x89: {  	v1 =	vld @!p2 [tilespmem:s19+$0x70];
	_ =	sdelay $0x4  }
0x8a: {  	[tilespmem:$0x6030] =	vst @!p2 v1  }
0x8b: {  	v1 =	vld @!p2 [tilespmem:s20+$0x70];
	_ =	sdelay $0x4  }
0x8c: {  	[tilespmem:$0x6130] =	vst @!p2 v1  }
0x8d: {  	v1 =	vld @!p2 [tilespmem:s19+$0x80];
	_ =	sdelay $0x4  }
0x8e: {  	[tilespmem:$0x6040] =	vst @!p2 v1  }
0x8f: {  	v1 =	vld @!p2 [tilespmem:s20+$0x80];
	_ =	sdelay $0x4  }
0x90: {  	[tilespmem:$0x6140] =	vst @!p2 v1  }
0x91: {  	v1 =	vld @!p2 [tilespmem:s19+$0x90];
	_ =	sdelay $0x4  }
0x92: {  	[tilespmem:$0x6050] =	vst @!p2 v1  }
0x93: {  	v1 =	vld @!p2 [tilespmem:s20+$0x90];
	_ =	sdelay $0x4  }
0x94: {  	[tilespmem:$0x6150] =	vst @!p2 v1  }
0x95: {  	v1 =	vld @!p2 [tilespmem:s19+$0xA0];
	_ =	sdelay $0x4  }
0x96: {  	[tilespmem:$0x6060] =	vst @!p2 v1  }
0x97: {  	v1 =	vld @!p2 [tilespmem:s20+$0xA0];
	_ =	sdelay $0x4  }
0x98: {  	[tilespmem:$0x6160] =	vst @!p2 v1  }
0x99: {  	v1 =	vld @!p2 [tilespmem:s19+$0xB0];
	_ =	sdelay $0x4  }
0x9a: {  	[tilespmem:$0x6070] =	vst @!p2 v1  }
0x9b: {  	v1 =	vld @!p2 [tilespmem:s20+$0xB0];
	_ =	sdelay $0x4  }
0x9c: {  	s19 =	simm.s32 @!p2 $0x1;
	[tilespmem:$0x6170] =	vst @!p2 v1  }
0x9d: {  	_ =	swait.ge @!p2 [sflag:s19], $0x4000  }
0x9e: {  	p1 =	sle.u32 s5, $0x2;
	s26 =	simm.s32 @!p2 $0x2;
	[sflag:s19] =	ssyncset.done @!p2 $0x0  }
0x9f: {  	s22 =	simm.s32 $0x4;
	s20 =	simm.s32 @!p2 $0x6180;
	[sflag:s19] =	ssyncadd.s32 @!p2 $0xFFFFC000  }
0xa0: {  	[spmem:s1] =	stream.indirect.scatter.add.f32 @!p2 [tilespmem:s23], [sflag:$0x2], $0x80, s20, s21, $0xb8;
	[tilespmem:$0x1E200] =	vst v63  }
0xa1: {  	s19 =	simm.s32 $0x31C0;
	s21 =	simm.s32 $0x2;
	s20 =	simm.s32 $0x1C0  }
.LBB2_4:
0xa2: {  	s24 =	simm.s32 @!p1 $0x80  }
0xa3: {  	s28 =	simm.s32 @!p1 $0x6000;
	_ =	swait.ge @!p2 [sflag:s26], $0x4000;
	s23 =	smov.u32 s22  }
0xa4: {  	s22 =	sadd.s32 $0x2, s22;
	s25 =	simm.s32 @!p1 $0x6200;
	[sflag:s26] =	ssyncset.done @!p2 $0x0  }
0xa5: {  	p0 =	sne.s32 s22, $0x5E;
	[sflag:s26] =	ssyncadd.s32 @!p2 $0xFFFFC000  }
0xa6: {  	[tilespmem:s25], [sflag:$0x1] =	stream.indirect.gather @!p1 [hbm4b:s4+s24], $0x80, s28, s24, $0xb8;
	[tilespmem:$0x1E200] =	vst v63  }
0xa7: {  	v1 =	vld @!p1 [tilespmem:s20+$0xFFFFFFC0];
	_ =	sdelay $0x4  }
0xa8: {  	[tilespmem:$0x6080] =	vst @!p1 v1  }
0xa9: {  	v1 =	vld @!p1 [tilespmem:s19+$0xFFFFFFC0];
	_ =	sdelay $0x4  }
0xaa: {  	[tilespmem:$0x6180] =	vst @!p1 v1  }
0xab: {  	v1 =	vld @!p1 [tilespmem:s20+$0xFFFFFFD0];
	_ =	sdelay $0x4  }
0xac: {  	[tilespmem:$0x6090] =	vst @!p1 v1  }
0xad: {  	v1 =	vld @!p1 [tilespmem:s19+$0xFFFFFFD0];
	_ =	sdelay $0x4  }
0xae: {  	[tilespmem:$0x6190] =	vst @!p1 v1  }
0xaf: {  	v1 =	vld @!p1 [tilespmem:s20+$0xFFFFFFE0];
	_ =	sdelay $0x4  }
0xb0: {  	[tilespmem:$0x60A0] =	vst @!p1 v1  }
0xb1: {  	v1 =	vld @!p1 [tilespmem:s19+$0xFFFFFFE0];
	_ =	sdelay $0x4  }
0xb2: {  	[tilespmem:$0x61A0] =	vst @!p1 v1  }
0xb3: {  	v1 =	vld @!p1 [tilespmem:s20+$0xFFFFFFF0];
	_ =	sdelay $0x4  }
0xb4: {  	[tilespmem:$0x60B0] =	vst @!p1 v1  }
0xb5: {  	v1 =	vld @!p1 [tilespmem:s19+$0xFFFFFFF0];
	_ =	sdelay $0x4  }
0xb6: {  	[tilespmem:$0x61B0] =	vst @!p1 v1  }
0xb7: {  	v1 =	vld @!p1 [tilespmem:s20+$0x0];
	_ =	sdelay $0x4  }
0xb8: {  	[tilespmem:$0x60C0] =	vst @!p1 v1  }
0xb9: {  	v1 =	vld @!p1 [tilespmem:s19+$0x0];
	_ =	sdelay $0x4  }
0xba: {  	[tilespmem:$0x61C0] =	vst @!p1 v1  }
0xbb: {  	v1 =	vld @!p1 [tilespmem:s20+$0x10];
	_ =	sdelay $0x4  }
0xbc: {  	[tilespmem:$0x60D0] =	vst @!p1 v1  }
0xbd: {  	v1 =	vld @!p1 [tilespmem:s19+$0x10];
	_ =	sdelay $0x4  }
0xbe: {  	[tilespmem:$0x61D0] =	vst @!p1 v1  }
0xbf: {  	v1 =	vld @!p1 [tilespmem:s20+$0x20];
	_ =	sdelay $0x4  }
0xc0: {  	[tilespmem:$0x60E0] =	vst @!p1 v1  }
0xc1: {  	v1 =	vld @!p1 [tilespmem:s19+$0x20];
	_ =	sdelay $0x4  }
0xc2: {  	[tilespmem:$0x61E0] =	vst @!p1 v1  }
0xc3: {  	v1 =	vld @!p1 [tilespmem:s20+$0x30];
	_ =	sdelay $0x4  }
0xc4: {  	[tilespmem:$0x60F0] =	vst @!p1 v1  }
0xc5: {  	v1 =	vld @!p1 [tilespmem:s19+$0x30];
	_ =	sdelay $0x3  }
0xc6: {  	s26 =	simm.s32 @!p1 $0x1  }
0xc7: {  	[tilespmem:$0x61F0] =	vst @!p1 v1  }
0xc8: {  	_ =	swait.ge @!p1 [sflag:s26], $0x4000  }
0xc9: {  	s29 =	simm.s32 @!p1 $0x3;
	s28 =	simm.s32 @!p1 $0x6100;
	[sflag:s26] =	ssyncset.done @!p1 $0x0  }
0xca: {  	[sflag:s26] =	ssyncadd.s32 @!p1 $0xFFFFC000  }
0xcb: {  	[spmem:s1] =	stream.indirect.scatter.add.f32 @!p1 [tilespmem:s25], [sflag:$0x3], $0x80, s28, s24, $0xb8;
	[tilespmem:$0x1E200] =	vst v63  }
0xcc: {  	p2 =	sge.u32 s21, s9;
	s21 =	smov.u32 s23;
	_ =	swait.ge @!p1 [sflag:s29], $0x4000  }
0xcd: {  	s23 =	simm.s32 @!p2 $0x80;
	s25 =	simm.s32 @!p2 $0x6080;
	[sflag:s29] =	ssyncset.done @!p1 $0x0  }
0xce: {  	s24 =	simm.s32 @!p2 $0x6200;
	[sflag:s29] =	ssyncadd.s32 @!p1 $0xFFFFC000  }
0xcf: {  	[tilespmem:s24], [sflag:$0x1] =	stream.indirect.gather @!p2 [hbm4b:s4+s23], $0x80, s25, s23, $0xb8;
	[tilespmem:$0x1E200] =	vst v63  }
0xd0: {  	v1 =	vld @!p2 [tilespmem:s20+$0x40];
	_ =	sdelay $0x4  }
0xd1: {  	[tilespmem:$0x6000] =	vst @!p2 v1  }
0xd2: {  	v1 =	vld @!p2 [tilespmem:s19+$0x40];
	_ =	sdelay $0x4  }
0xd3: {  	[tilespmem:$0x6100] =	vst @!p2 v1  }
0xd4: {  	v1 =	vld @!p2 [tilespmem:s20+$0x50];
	_ =	sdelay $0x4  }
0xd5: {  	[tilespmem:$0x6010] =	vst @!p2 v1  }
0xd6: {  	v1 =	vld @!p2 [tilespmem:s19+$0x50];
	_ =	sdelay $0x4  }
0xd7: {  	[tilespmem:$0x6110] =	vst @!p2 v1  }
0xd8: {  	v1 =	vld @!p2 [tilespmem:s20+$0x60];
	_ =	sdelay $0x4  }
0xd9: {  	[tilespmem:$0x6020] =	vst @!p2 v1  }
0xda: {  	v1 =	vld @!p2 [tilespmem:s19+$0x60];
	_ =	sdelay $0x4  }
0xdb: {  	[tilespmem:$0x6120] =	vst @!p2 v1  }
0xdc: {  	v1 =	vld @!p2 [tilespmem:s20+$0x70];
	_ =	sdelay $0x4  }
0xdd: {  	[tilespmem:$0x6030] =	vst @!p2 v1  }
0xde: {  	v1 =	vld @!p2 [tilespmem:s19+$0x70];
	_ =	sdelay $0x4  }
0xdf: {  	[tilespmem:$0x6130] =	vst @!p2 v1  }
0xe0: {  	v1 =	vld @!p2 [tilespmem:s20+$0x80];
	_ =	sdelay $0x4  }
0xe1: {  	[tilespmem:$0x6040] =	vst @!p2 v1  }
0xe2: {  	v1 =	vld @!p2 [tilespmem:s19+$0x80];
	_ =	sdelay $0x4  }
0xe3: {  	[tilespmem:$0x6140] =	vst @!p2 v1  }
0xe4: {  	v1 =	vld @!p2 [tilespmem:s20+$0x90];
	_ =	sdelay $0x4  }
0xe5: {  	[tilespmem:$0x6050] =	vst @!p2 v1  }
0xe6: {  	v1 =	vld @!p2 [tilespmem:s19+$0x90];
	_ =	sdelay $0x4  }
0xe7: {  	[tilespmem:$0x6150] =	vst @!p2 v1  }
0xe8: {  	v1 =	vld @!p2 [tilespmem:s20+$0xA0];
	_ =	sdelay $0x4  }
0xe9: {  	[tilespmem:$0x6060] =	vst @!p2 v1  }
0xea: {  	v1 =	vld @!p2 [tilespmem:s19+$0xA0];
	_ =	sdelay $0x4  }
0xeb: {  	[tilespmem:$0x6160] =	vst @!p2 v1  }
0xec: {  	v1 =	vld @!p2 [tilespmem:s20+$0xB0];
	_ =	sdelay $0x4  }
0xed: {  	[tilespmem:$0x6070] =	vst @!p2 v1  }
0xee: {  	v1 =	vld @!p2 [tilespmem:s19+$0xB0];
	_ =	sdelay $0x3  }
0xef: {  	s25 =	simm.s32 @!p2 $0x1  }
.Ltmp1:
0xf0: {  	[tilespmem:$0x6170] =	vst @!p2 v1;
	(pc) =	sbr.rel @p0 .LBB2_4-.Ltmp1, $4  }
0xf1: {  	s19 =	sadd.s32 $0x100, s19;
	_ =	swait.ge @!p2 [sflag:s25], $0x4000  }
0xf2: {  	s28 =	simm.s32 @!p2 $0x6180;
	s20 =	sadd.s32 $0x100, s20;
	[sflag:s25] =	ssyncset.done @!p2 $0x0  }
0xf3: {  	s26 =	simm.s32 @!p2 $0x2;
	p1 =	sge.u32 s21, s5;
	[sflag:s25] =	ssyncadd.s32 @!p2 $0xFFFFC000  }
0xf4: {  	[spmem:s1] =	stream.indirect.scatter.add.f32 @!p2 [tilespmem:s24], [sflag:$0x2], $0x80, s28, s23, $0xb8;
	[tilespmem:$0x1E200] =	vst v63  }
0xf5: {  	_ =	swait.ge @!p2 [sflag:s26], $0x4000  }
0xf6: {  	s22 =	simm.s32 @!p1 $0x80;
	[sflag:s26] =	ssyncset.done @!p2 $0x0  }
0xf7: {  	s23 =	simm.s32 @!p1 $0x6000;
	s24 =	simm.s32 @!p1 $0x6200;
	[sflag:s26] =	ssyncadd.s32 @!p2 $0xFFFFC000  }
0xf8: {  	[tilespmem:s24], [sflag:$0x1] =	stream.indirect.gather @!p1 [hbm4b:s4+s22], $0x80, s23, s22, $0xb8;
	[tilespmem:$0x1E200] =	vst v63  }
0xf9: {  	v1 =	vld @!p1 [tilespmem:s20+$0xFFFFFFC0];
	_ =	sdelay $0x4  }
0xfa: {  	[tilespmem:$0x6080] =	vst @!p1 v1  }
0xfb: {  	v1 =	vld @!p1 [tilespmem:s19+$0xFFFFFFC0];
	_ =	sdelay $0x4  }
0xfc: {  	[tilespmem:$0x6180] =	vst @!p1 v1  }
0xfd: {  	v1 =	vld @!p1 [tilespmem:s20+$0xFFFFFFD0];
	_ =	sdelay $0x4  }
0xfe: {  	[tilespmem:$0x6090] =	vst @!p1 v1  }
0xff: {  	v1 =	vld @!p1 [tilespmem:s19+$0xFFFFFFD0];
	_ =	sdelay $0x4  }
0x100: {  	[tilespmem:$0x6190] =	vst @!p1 v1  }
0x101: {  	v1 =	vld @!p1 [tilespmem:s20+$0xFFFFFFE0];
	_ =	sdelay $0x4  }
0x102: {  	[tilespmem:$0x60A0] =	vst @!p1 v1  }
0x103: {  	v1 =	vld @!p1 [tilespmem:s19+$0xFFFFFFE0];
	_ =	sdelay $0x4  }
0x104: {  	[tilespmem:$0x61A0] =	vst @!p1 v1  }
0x105: {  	v1 =	vld @!p1 [tilespmem:s20+$0xFFFFFFF0];
	_ =	sdelay $0x4  }
0x106: {  	[tilespmem:$0x60B0] =	vst @!p1 v1  }
0x107: {  	v1 =	vld @!p1 [tilespmem:s19+$0xFFFFFFF0];
	_ =	sdelay $0x4  }
0x108: {  	[tilespmem:$0x61B0] =	vst @!p1 v1  }
0x109: {  	v1 =	vld @!p1 [tilespmem:s20+$0x0];
	_ =	sdelay $0x4  }
0x10a: {  	[tilespmem:$0x60C0] =	vst @!p1 v1  }
0x10b: {  	v1 =	vld @!p1 [tilespmem:s19+$0x0];
	_ =	sdelay $0x4  }
0x10c: {  	[tilespmem:$0x61C0] =	vst @!p1 v1  }
0x10d: {  	v1 =	vld @!p1 [tilespmem:s20+$0x10];
	_ =	sdelay $0x4  }
0x10e: {  	[tilespmem:$0x60D0] =	vst @!p1 v1  }
0x10f: {  	v1 =	vld @!p1 [tilespmem:s19+$0x10];
	_ =	sdelay $0x4  }
0x110: {  	[tilespmem:$0x61D0] =	vst @!p1 v1  }
0x111: {  	v1 =	vld @!p1 [tilespmem:s20+$0x20];
	_ =	sdelay $0x4  }
0x112: {  	[tilespmem:$0x60E0] =	vst @!p1 v1  }
0x113: {  	v1 =	vld @!p1 [tilespmem:s19+$0x20];
	_ =	sdelay $0x4  }
0x114: {  	[tilespmem:$0x61E0] =	vst @!p1 v1  }
0x115: {  	v1 =	vld @!p1 [tilespmem:s20+$0x30];
	_ =	sdelay $0x4  }
0x116: {  	[tilespmem:$0x60F0] =	vst @!p1 v1  }
0x117: {  	v1 =	vld @!p1 [tilespmem:s19+$0x30];
	_ =	sdelay $0x4  }
0x118: {  	s23 =	simm.s32 @!p1 $0x1;
	[tilespmem:$0x61F0] =	vst @!p1 v1  }
0x119: {  	_ =	swait.ge @!p1 [sflag:s23], $0x4000  }
0x11a: {  	[sflag:s23] =	ssyncset.done @!p1 $0x0  }
0x11b: {  	s25 =	simm.s32 @!p1 $0x6100;
	s26 =	simm.s32 @!p1 $0x3;
	[sflag:s23] =	ssyncadd.s32 @!p1 $0xFFFFC000  }
0x11c: {  	[spmem:s1] =	stream.indirect.scatter.add.f32 @!p1 [tilespmem:s24], [sflag:$0x3], $0x80, s25, s22, $0xb8;
	[tilespmem:$0x1E200] =	vst v63  }
0x11d: {  	p0 =	sge.u32 s21, s9;
	_ =	swait.ge @!p1 [sflag:s26], $0x4000  }
0x11e: {  	s21 =	simm.s32 @!p0 $0x80;
	[sflag:s26] =	ssyncset.done @!p1 $0x0  }
0x11f: {  	s23 =	simm.s32 @!p0 $0x6200;
	s22 =	simm.s32 @!p0 $0x6080;
	[sflag:s26] =	ssyncadd.s32 @!p1 $0xFFFFC000  }
0x120: {  	[tilespmem:s23], [sflag:$0x1] =	stream.indirect.gather @!p0 [hbm4b:s4+s21], $0x80, s22, s21, $0xb8;
	[tilespmem:$0x1E200] =	vst v63  }
0x121: {  	v1 =	vld @!p0 [tilespmem:s20+$0x40];
	_ =	sdelay $0x4  }
0x122: {  	[tilespmem:$0x6000] =	vst @!p0 v1  }
0x123: {  	v1 =	vld @!p0 [tilespmem:s19+$0x40];
	_ =	sdelay $0x4  }
0x124: {  	[tilespmem:$0x6100] =	vst @!p0 v1  }
0x125: {  	v1 =	vld @!p0 [tilespmem:s20+$0x50];
	_ =	sdelay $0x4  }
0x126: {  	[tilespmem:$0x6010] =	vst @!p0 v1  }
0x127: {  	v1 =	vld @!p0 [tilespmem:s19+$0x50];
	_ =	sdelay $0x4  }
0x128: {  	[tilespmem:$0x6110] =	vst @!p0 v1  }
0x129: {  	v1 =	vld @!p0 [tilespmem:s20+$0x60];
	_ =	sdelay $0x4  }
0x12a: {  	[tilespmem:$0x6020] =	vst @!p0 v1  }
0x12b: {  	v1 =	vld @!p0 [tilespmem:s19+$0x60];
	_ =	sdelay $0x4  }
0x12c: {  	[tilespmem:$0x6120] =	vst @!p0 v1  }
0x12d: {  	v1 =	vld @!p0 [tilespmem:s20+$0x70];
	_ =	sdelay $0x4  }
0x12e: {  	[tilespmem:$0x6030] =	vst @!p0 v1  }
0x12f: {  	v1 =	vld @!p0 [tilespmem:s19+$0x70];
	_ =	sdelay $0x4  }
0x130: {  	[tilespmem:$0x6130] =	vst @!p0 v1  }
0x131: {  	v1 =	vld @!p0 [tilespmem:s20+$0x80];
	_ =	sdelay $0x4  }
0x132: {  	[tilespmem:$0x6040] =	vst @!p0 v1  }
0x133: {  	v1 =	vld @!p0 [tilespmem:s19+$0x80];
	_ =	sdelay $0x4  }
0x134: {  	[tilespmem:$0x6140] =	vst @!p0 v1  }
0x135: {  	v1 =	vld @!p0 [tilespmem:s20+$0x90];
	_ =	sdelay $0x4  }
0x136: {  	[tilespmem:$0x6050] =	vst @!p0 v1  }
0x137: {  	v1 =	vld @!p0 [tilespmem:s19+$0x90];
	_ =	sdelay $0x4  }
0x138: {  	[tilespmem:$0x6150] =	vst @!p0 v1  }
0x139: {  	v1 =	vld @!p0 [tilespmem:s20+$0xA0];
	_ =	sdelay $0x4  }
0x13a: {  	[tilespmem:$0x6060] =	vst @!p0 v1  }
0x13b: {  	v1 =	vld @!p0 [tilespmem:s19+$0xA0];
	_ =	sdelay $0x4  }
0x13c: {  	[tilespmem:$0x6160] =	vst @!p0 v1  }
0x13d: {  	v1 =	vld @!p0 [tilespmem:s20+$0xB0];
	_ =	sdelay $0x4  }
0x13e: {  	[tilespmem:$0x6070] =	vst @!p0 v1  }
0x13f: {  	v1 =	vld @!p0 [tilespmem:s19+$0xB0];
	_ =	sdelay $0x4  }
0x140: {  	s19 =	simm.s32 @!p0 $0x1;
	[tilespmem:$0x6170] =	vst @!p0 v1  }
0x141: {  	_ =	swait.ge @!p0 [sflag:s19], $0x4000  }
0x142: {  	[sflag:s19] =	ssyncset.done @!p0 $0x0  }
0x143: {  	s20 =	simm.s32 @!p0 $0x6180;
	[sflag:s19] =	ssyncadd.s32 @!p0 $0xFFFFC000;
	s19 =	simm.s32 @!p0 $0x2  }
0x144: {  	[spmem:s1] =	stream.indirect.scatter.add.f32 @!p0 [tilespmem:s23], [sflag:$0x2], $0x80, s20, s21, $0xb8;
	[tilespmem:$0x1E200] =	vst v63  }
0x145: {  	_ =	swait.ge @!p0 [sflag:s19], $0x4000  }
0x146: {  	s30 =	sshll.u32 s2, $0x6;
	s3 =	sadd.s32 $0x1, s3;
	[sflag:s19] =	ssyncset.done @!p0 $0x0  }
0x147: {  	s31 =	sshrl.u32 s8, $0x3;
	[sflag:s19] =	ssyncadd.s32 @!p0 $0xFFFFC000;
	p0 =	sne.s32 s3, s11  }
.Ltmp2:
0x148: {  	s19 =	sor.u32 $0x1C02, s30;
	[bflag:$0x0] =	sbarrier.arrive $0xFFFF;
	(pc) =	sbr.rel @p0 .LBB2_1-.Ltmp2, $4  }
0x149: {  	[hbm:s10], [sflag:s19] =	dma.local [spmem:s31], $0x2800  }
0x14a: {  	_ =	swait.ge [sflag:s16], $0x2800  }
0x14b: {  	[sflag:s16] =	ssyncset.done $0x0  }
0x14c: {  	[sflag:s16] =	ssyncadd.s32 $0xFFFFD800  }
0x14d: {  	_ =	sfence.sel $0x180000  }
0x14e: {  	[bflag:$0x0] =	sbarrier.arrive $0xFFFF  }
0x14f: {  	p0 =	sne.s32 s2, $0x0;
	_ =	strace $0x9000004A  }
0x150: {  	s0 =	sadd.s32 @!p0 $0x100000, s0;
	[bflag:$0x2] =	sbarrier.arrive $0xFFFF  }
0x151: {  	[sflag:s0] =	ssyncadd.tile.s32 @!p0 $0x1;
	_ =	shalt  }
.Lfunc_end2:
_tile_overlayer_lowered:
.L_overlay_start_2:
0x152: {  	(tag) =	ssettag $0x2  }
0x153: {  	s0 =	rddreg [dreg:$0x0];
	s2 =	stileid.u32  }
0x154: {  	s1 =	rddreg [dreg:$0x1];
	p0 =	sne.s32 s2, $0x0  }
0x155: {  	s3 =	rddreg [dreg:$0x2];
	[bflag:$0x3] =	sbarrier.arrive $0xFFFF;
	s2 =	simm.s32 @!p0 $0x1C02  }
0x156: {  	[timem:s3], [sflag:s2] =	dma.local @!p0 [hbm:s0], s1  }
0x157: {  	s0 =	simm.s32 @!p0 $0x2  }
0x158: {  	_ =	swait.ge @!p0 [sflag:s0], s1  }
0x159: {  	s1 =	ssub.s32 @!p0 $0x0, s1;
	[sflag:s0] =	ssyncset.done @!p0 $0x0  }
0x15a: {  	[sflag:s0] =	ssyncadd.s32 @!p0 s1  }
0x15b: {  	[bflag:$0x3] =	sbarrier.arrive $0xFFFF  }
0x15c: {  	_ =	shalt  }

// kernel: kernel.14.cloned.1.call-start
scs
__scs_entry_jumppad:
0x0: {  	(pc) =	sbr.rel $0x88, $3  }
0x1: {  	(tag) =	ssettag $0x0;
	lr =	simm.s32 $0x1  }
0x2: {  	[smem:$0x3F9B] =	sst lr;
	_ =	strace $0xD0000000  }
0x3: {  	_ = 	snop  }
0x4: {  	_ = 	snop  }
0x5: {  	_ = 	snop  }
0x6: {  	_ = 	snop  }
0x7: {  	_ = 	snop  }
__scs_overlays_trampoline_lowered:
0x8: {  	[smem:$0x3FAA] =	sst s0  }
0x9: {  	[smem:$0x3FAB] =	sst s1  }
0xa: {  	[smem:$0x3FAC] =	sst s2  }
0xb: {  	[smem:$0x3FAD] =	sst s3  }
0xc: {  	[smem:$0x3FAE] =	sst s4  }
0xd: {  	[smem:$0x3FAF] =	sst s5  }
0xe: {  	[smem:$0x3FB0] =	sst s6  }
0xf: {  	[smem:$0x3FB1] =	sst s7  }
0x10: {  	[smem:$0x3FB2] =	sst s8  }
0x11: {  	[smem:$0x3FB3] =	sst s9;
	s0 =	simm.s32 @!p0 $0x0  }
0x12: {  	s1 =	sld [smem:$0x3F99];
	s0 =	simm.s32 @p0 $0x1  }
0x13: {  	[smem:$0x3FB4] =	sst s0;
	s0 =	simm.s32 @!p1 $0x0  }
0x14: {  	s2 =	sld [smem:$0x3F98];
	s0 =	simm.s32 @p1 $0x1  }
0x15: {  	[smem:$0x3FB5] =	sst s0;
	s0 =	simm.s32 @!p2 $0x0  }
0x16: {  	s3 =	sld [smem:$0x3FDB];
	s0 =	simm.s32 @p2 $0x1  }
0x17: {  	s4 =	simm.s32 $0x1BF5;
	[smem:$0x3FB7] =	sst s0  }
0x18: {  	s0 =	sld [smem:$0x3F9A];
	_ =	swait.ge [sflag:s4], $0x0  }
0x19: {  	s7 =	sld [smem:$0x3F9B]  }
0x1a: {  	s8 =	sadd.s32 $0xFFFFE003, lr  }
0x1b: {  	s9 =	sadd.s32 $0xFFFFFEF7, lr;
	s5 =	simm.s32 $0xFFFFFFFF;
	p2 =	slt.u32 s8, $0xFFFFF086  }
0x1c: {  	p1 =	slt.u32 s9, $0xF7A;
	s5 =	simm.s32 @!p2 $0x0  }
0x1d: {  	s5 =	simm.s32 @p1 $0x1;
	p0 =	seq.s32 s7, s2  }
0x1e: {  	s7 =	smul.u32 @!p0 $0xF7A, s2;
	p2 =	seq.s32 @!p0 s5, $0x0  }
0x1f: {  	s9 =	smul.u32 $0xF7A, s1;
	s8 =	simm.s32 @!p0 $0x1BF5;
	p2 =	por !p2, p0  }
0x20: {  	[sflag:s8] =	ssyncset.s32 @!p0 $0xFFFFF086;
	s6 =	sadd.s32 @!p0 s3, s7;
	s7 =	simm.s32 @!p0 $0x108  }
0x21: {  	s3 =	sadd.s32 s3, s9;
	s6 =	sadd.s32 @!p0 $0x88, s6;
	s7 =	simm.s32 @p2 $0x1082  }
0x22: {  	[simem:s7], [sflag:s8] =	dma.local @!p0 [hbm:s6], $0xF7A  }
0x23: {  	s9 =	sor.u32 $0xD0000000, s2;
	s6 =	simm.s32 $0x108;
	_ =	swait.ge @!p0 [sflag:s8], $0x0  }
0x24: {  	s3 =	sadd.s32 $0x88, s3;
	s6 =	simm.s32 @!p1 $0x1082;
	[sflag:s4] =	ssyncset.s32 $0xFFFFF086  }
0x25: {  	[simem:s6], [sflag:s4] =	dma.local [hbm:s3], $0xF7A  }
0x26: {  	[smem:$0x3F9B] =	sst s1;
	(tag) =	ssettag s2;
	_ =	strace s9  }
0x27: {  	s1 =	sld [smem:$0x3FAB]  }
0x28: {  	s2 =	sld [smem:$0x3FAC]  }
0x29: {  	s4 =	sld [smem:$0x3FAE]  }
0x2a: {  	p0 =	seq.s32 s5, $0x0;
	s5 =	sld [smem:$0x3FAF]  }
0x2b: {  	s6 =	sld [smem:$0x3FB0]  }
0x2c: {  	s7 =	sld [smem:$0x3FB1]  }
0x2d: {  	s3 =	simm.s32 $0x108;
	s8 =	sld [smem:$0x3FB2]  }
0x2e: {  	s3 =	simm.s32 @!p0 $0x1082;
	s9 =	sld [smem:$0x3FB3]  }
0x2f: {  	lr =	sadd.s32 s0, s3;
	s0 =	sld [smem:$0x3FAA]  }
0x30: {  	s3 =	sld [smem:$0x3FAD]  }
0x31: {  	[smem:$0x3FB6] =	sst s10  }
0x32: {  	s10 =	sld [smem:$0x3FB4];
	_ =	sdelay $0x3  }
0x33: {  	p0 =	seq.s32 s10, $0x1;
	s10 =	sld [smem:$0x3FB6];
	_ =	sdelay $0x3  }
0x34: {  	[smem:$0x3FB6] =	sst s10  }
0x35: {  	s10 =	sld [smem:$0x3FB5];
	_ =	sdelay $0x3  }
0x36: {  	p1 =	seq.s32 s10, $0x1;
	s10 =	sld [smem:$0x3FB6];
	_ =	sdelay $0x3  }
0x37: {  	[smem:$0x3FB6] =	sst s10  }
0x38: {  	s10 =	sld [smem:$0x3FB7]  }
0x39: {  	_ = 	snop;
	(pc) =	sbr.ind lr, $3  }
0x3a: {  	_ = 	snop  }
0x3b: {  	_ = 	snop  }
0x3c: {  	p2 =	seq.s32 s10, $0x1;
	s10 =	sld [smem:$0x3FB6]  }
0x3d: {  	_ =	shalt  }
0x3e: {  	_ =	shalt  }
0x3f: {  	_ =	shalt  }
0x40: {  	_ =	shalt  }
0x41: {  	_ =	shalt  }
0x42: {  	_ =	shalt  }
0x43: {  	_ =	shalt  }
0x44: {  	_ =	shalt  }
0x45: {  	_ =	shalt  }
0x46: {  	_ =	shalt  }
0x47: {  	_ =	shalt  }
0x48: {  	_ =	shalt  }
0x49: {  	_ =	shalt  }
0x4a: {  	_ =	shalt  }
0x4b: {  	_ =	shalt  }
0x4c: {  	_ =	shalt  }
0x4d: {  	_ =	shalt  }
0x4e: {  	_ =	shalt  }
0x4f: {  	_ =	shalt  }
0x50: {  	_ =	shalt  }
0x51: {  	_ =	shalt  }
0x52: {  	_ =	shalt  }
0x53: {  	_ =	shalt  }
0x54: {  	_ =	shalt  }
0x55: {  	_ =	shalt  }
0x56: {  	_ =	shalt  }
0x57: {  	_ =	shalt  }
0x58: {  	_ =	shalt  }
0x59: {  	_ =	shalt  }
0x5a: {  	_ =	shalt  }
0x5b: {  	_ =	shalt  }
0x5c: {  	_ =	shalt  }
0x5d: {  	_ =	shalt  }
0x5e: {  	_ =	shalt  }
0x5f: {  	_ =	shalt  }
0x60: {  	_ =	shalt  }
0x61: {  	_ =	shalt  }
0x62: {  	_ =	shalt  }
0x63: {  	_ =	shalt  }
0x64: {  	_ =	shalt  }
0x65: {  	_ =	shalt  }
0x66: {  	_ =	shalt  }
0x67: {  	_ =	shalt  }
0x68: {  	_ =	shalt  }
0x69: {  	_ =	shalt  }
0x6a: {  	_ =	shalt  }
0x6b: {  	_ =	shalt  }
0x6c: {  	_ =	shalt  }
0x6d: {  	_ =	shalt  }
0x6e: {  	_ =	shalt  }
0x6f: {  	_ =	shalt  }
0x70: {  	_ =	shalt  }
0x71: {  	_ =	shalt  }
0x72: {  	_ =	shalt  }
0x73: {  	_ =	shalt  }
0x74: {  	_ =	shalt  }
0x75: {  	_ =	shalt  }
0x76: {  	_ =	shalt  }
0x77: {  	_ =	shalt  }
0x78: {  	_ =	shalt  }
0x79: {  	_ =	shalt  }
0x7a: {  	_ =	shalt  }
0x7b: {  	_ =	shalt  }
0x7c: {  	_ =	shalt  }
0x7d: {  	_ =	shalt  }
0x7e: {  	_ =	shalt  }
0x7f: {  	_ =	shalt  }
0x80: {  	_ =	shalt  }
0x81: {  	_ =	shalt  }
0x82: {  	_ =	shalt  }
0x83: {  	_ =	shalt  }
0x84: {  	_ =	shalt  }
0x85: {  	_ =	shalt  }
0x86: {  	_ =	shalt  }
0x87: {  	_ =	shalt  }
.Lfunc_end0:
.L_simem_size_0:
called_computation.2_lowered:
.L_overlay_start_0:
0x88: {  	s2 =	sld [smem:$0x3FD9]  }
0x89: {  	s3 =	sld [smem:$0x3FFE];
	_ =	sdelay $0x1  }
0x8a: {  	s1 =	srdreg.scid  }
0x8b: {  	s0 =	sand.u32 $0x1, s1  }
0x8c: {  	s14 =	sshll.u32 s0, $0xA;
	s2 =	sadd.s32 s3, s2  }
0x8d: {  	s2 =	sadd.s32 s2, s14  }
0x8e: {  	[smem:$0x3FC2] =	sst s2  }
0x8f: {  	_ = 	snop  }
0x90: {  	s2 =	sld [smem:$0x3FD0];
	_ =	sdelay $0x2  }
0x91: {  	s15 =	simm.s32 $0xA;
	s4 =	simm.s32 $0x10  }
0x92: {  	[smem:s4], [sflag:s15] =	dma.local [hbm:s2], $0x1  }
0x93: {  	_ =	swait.eq [sflag:s15], $0x1  }
0x94: {  	[sflag:s15] =	ssyncset.done $0x0  }
0x95: {  	s16 =	sld [smem:$0x10];
	[sflag:s15] =	ssyncadd.s32 $0xFFFFFFFF  }
0x96: {  	s17 =	sld [smem:$0x11];
	(tm) =	ssettm $0x1  }
0x97: {  	s18 =	sld [smem:$0x3FFB];
	_ =	sdelay $0x3  }
0x98: {  	_ =	strace s18  }
0x99: {  	s4 =	sld [smem:$0x3FFC];
	_ =	sdelay $0x3  }
0x9a: {  	_ =	strace s4  }
0x9b: {  	s4 =	sld [smem:$0x3FFD];
	_ =	sdelay $0x3  }
0x9c: {  	_ =	strace s4  }
0x9d: {  	_ =	strace $0x8FFFFFFF  }
0x9e: {  	s19 =	sld [smem:$0x3FDB];
	_ =	sdelay $0x1  }
0x9f: {  	s5 =	simm.s32 $_scs_section_size  }
0xa0: {  	s6 =	simm.s32 $_size__tile_overlayer_lowered;
	s7 =	simm.s32 $_tile_overlayer_lowered  }
0xa1: {  	s22 =	simm.s32 $0x1BFF;
	s21 =	sshll.u32 s7, $0x1;
	s4 =	sadd.s32 s5, s19  }
0xa2: {  	s8 =	simm.s32 $0x0;
	s20 =	sshll.u32 s6, $0x1;
	s6 =	sadd.s32 s21, s4  }
0xa3: {  	[timem:s8], [sflag:s22] =	dma.local [hbm:s6], s20  }
0xa4: {  	_ =	swait.ge [sflag:s22], s20  }
0xa5: {  	s5 =	ssub.s32 $0x0, s20;
	[sflag:s22] =	ssyncset.done $0x0  }
0xa6: {  	[sflag:s22] =	ssyncadd.s32 s5;
	_ =	sdelay $0x1  }
0xa7: {  	s23 =	simm.s32 $0x1B8B  }
0xa8: {  	_ =	swait.ge [sflag:s23], $0x1  }
0xa9: {  	[sflag:s23] =	ssyncset.done $0x0  }
0xaa: {  	s25 =	simm.s32 $0x1B8E;
	s24 =	sld [smem:$0x3FFE];
	[sflag:s23] =	ssyncadd.s32 $0xFFFFFFFF  }
0xab: {  	s26 =	simm.s32 $execute0_lowered;
	[smem:$0x3FD2] =	sst s25  }
0xac: {  	s6 =	sshll.u32 s26, $0x1;
	_ =	strace $0x8000004C;
	[dreg:$0x1] =	wrdreg $0xFFFFFFFF  }
0xad: {  	s28 =	simm.s32 $_size_execute0_lowered;
	s4 =	sadd.s32 s4, s6;
	[dreg:$0x0] =	wrdreg $0x0  }
0xae: {  	s6 =	sshll.u32 s28, $0x1;
	[dreg:$0x2] =	wrdreg s4  }
0xaf: {  	[dreg:$0x3] =	wrdreg s6  }
0xb0: {  	[dreg:$0x4] =	wrdreg $0xC0  }
0xb1: {  	_ =	task [dreg:s8], $0x5FFFF  }
0xb2: {  	[dreg:$0x1] =	wrdreg $0xFFFFFFFF  }
0xb3: {  	[dreg:$0x0] =	wrdreg $0x60  }
0xb4: {  	[dreg:$0x2] =	wrdreg s24  }
0xb5: {  	[dreg:$0x3] =	wrdreg s16  }
0xb6: {  	[dreg:$0x4] =	wrdreg s17  }
0xb7: {  	[dreg:$0x5] =	wrdreg $0xA2000  }
0xb8: {  	[dreg:$0x6] =	wrdreg $0x9  }
0xb9: {  	_ =	task.clear_ibuf [dreg:s8], $0x7FFFF;
	_ =	strace $0x9000004C  }
0xba: {  	s29 =	simm.s32 $0x9;
	_ =	strace $0x8000004E  }
0xbb: {  	_ =	swait.ge [sflag:s29], $0x1  }
0xbc: {  	[sflag:s29] =	ssyncadd.s32 $0xFFFFFFFF  }
0xbd: {  	_ =	strace $0x9000004E  }
0xbe: {  	_ =	sfence  }
0xbf: {  	s30 =	sld [smem:$0x0];
	_ =	sdelay $0x2  }
0xc0: {  	s31 =	sshll.u32 s1, $0xD;
	s1 =	sshrl.u32 s1, $0x2  }
0xc1: {  	s3 =	sand.u32 $0x4000, s31;
	s1 =	sadd.s32 s1, s30  }
0xc2: {  	s0 =	sor.u32 s3, s0;
	s1 =	sshll.u32 s1, $0x11  }
0xc3: {  	s0 =	sor.u32 s1, s0  }
0xc4: {  	s0 =	sadd.s32 $0x8F2B, s0  }
0xc5: {  	[sflag:s0] =	ssyncadd.remote.s32 $0x1  }
0xc6: {  	_ =	sfence.sel $0xFFFF  }
0xc7: {  	[dreg:$0x0] =	wrdreg $0xFFFFFFFF;
	(pc) =	sbr.abs _section_cstart, $3  }
0xc8: {  	[dreg:$0x1] =	wrdreg $0xFFFFFFFF  }
0xc9: {  	_ =	task.clear_ibuf [dreg:s8], $0x2FFFF;
	_ =	strace $0x9FFFFFFF  }
0xca: {  	(tm) =	ssettm $0x7FFFFFFF  }
0xcb: {  	_ =	shalt  }
tec
execute0_lowered:
.L_overlay_start_1:
0x0: {  	(tag) =	ssettag $0x1  }
0x1: {  	s5 =	rddreg [dreg:$0x0]  }
0x2: {  	s6 =	rddreg [dreg:$0x1]  }
0x3: {  	s7 =	rddreg [dreg:$0x2]  }
0x4: {  	s1 =	rddreg [dreg:$0x3];
	s2 =	srdreg.scid  }
0x5: {  	s0 =	rddreg [dreg:$0x4];
	s3 =	simm.s32 $0x0;
	s16 =	simm.s32 $0x2  }
0x6: {  	s17 =	simm.s32 $0x3000;
	s8 =	sand.u32 $0x1, s2;
	s2 =	stileid.u32  }
0x7: {  	s18 =	simm.s32 $0x6200;
	[smem:$0x7FF] =	sst s3;
	s9 =	smul.u32 $0x140000, s8  }
0x8: {  	s4 =	sadd.s32 $0x5C200, s5;
	s10 =	smul.u32 $0x14000, s2;
	_ =	strace $0x8000004D  }
0x9: {  	s11 =	sshll.u32 s8, $0x4;
	s28 =	ssub.s32 $0x2, s8;
	s30 =	smul.u32 $0x50000, s2  }
0xa: {  	p0 =	seq.s32 s8, $0x0;
	s26 =	sor.u32 s2, s11;
	s29 =	sshrl.u32 s28, $0x1  }
0xb: {  	s9 =	sadd.s32 s10, s9;
	s10 =	smul.u32 $0x600, s26;
	s31 =	sshrl.u32 s30, $0x2  }
0xc: {  	s11 =	ssub.s32 s28, s29;
	s9 =	sshrl.u32 s9, $0x3;
	s8 =	sadd.s32 s31, s1  }
0xd: {  	s11 =	smax.u32 s11, $0x1;
	s12 =	sadd.s32 s9, s5;
	s5 =	simm.s32 $0x5D  }
0xe: {  	s6 =	sadd.s32 s6, s10;
	s7 =	sadd.s32 s7, s10;
	s13 =	sadd.s32 $0x8000, s8  }
0xf: {  	s14 =	sadd.s32 $0xC000, s8;
	s15 =	sadd.s32 $0x10000, s8;
	s5 =	simm.s32 @!p0 $0x40  }
0x10: {  	v0 =	vimm.f32 $0.0e+00;
	s10 =	sadd.s32 $0x84200, s12;
	s12 =	sadd.s32 $0x4000, s8;
	s9 =	sadd.s32 $0xFFFFFFFF, s5  }
.LBB2_1:
0x11: {  	s19 =	simm.s32 $0x0;
	s20 =	simm.s32 $0x200  }
.LBB2_2:
0x12: {  	p0 =	sne.s32 s20, $0xFE00;
	[tilespmem:s19+$0x6270] =	vst v0  }
0x13: {  	[tilespmem:s19+$0x6200] =	vst v0  }
0x14: {  	[tilespmem:s19+$0x6210] =	vst v0  }
.Ltmp0:
0x15: {  	[tilespmem:s19+$0x6220] =	vst v0;
	(pc) =	sbr.rel @p0 .LBB2_2-.Ltmp0, $4  }
0x16: {  	[tilespmem:s19+$0x6230] =	vst v0  }
0x17: {  	[tilespmem:s19+$0x6240] =	vst v0  }
0x18: {  	[tilespmem:s19+$0x6250] =	vst v0  }
0x19: {  	[tilespmem:s19+$0x6260] =	vst v0;
	s19 =	sshra.s32 s20, $0x2;
	s20 =	sadd.s32 $0x200, s20  }
0x1a: {  	[tilespmem:s19+$0x6270] =	vst v0  }
0x1b: {  	[tilespmem:s19+$0x6200] =	vst v0  }
0x1c: {  	[tilespmem:s19+$0x6210] =	vst v0  }
0x1d: {  	[tilespmem:s19+$0x6220] =	vst v0  }
0x1e: {  	[tilespmem:s19+$0x6230] =	vst v0  }
0x1f: {  	[tilespmem:s19+$0x6240] =	vst v0  }
0x20: {  	[tilespmem:s19+$0x6250] =	vst v0  }
0x21: {  	[tilespmem:s19+$0x6260] =	vst v0;
	s31 =	simm.s32 $0x0  }
0x22: {  	[tilespmem:s31], [sflag:$0x2] =	stream.linear.gather [hbm4b:s6+s31], $0x2E80, $0x38;
	[tilespmem:$0x1E200] =	vst v63  }
0x23: {  	_ =	swait.ge [sflag:s16], $0x2E80  }
0x24: {  	[sflag:s16] =	ssyncset.done $0x0  }
0x25: {  	[sflag:s16] =	ssyncadd.s32 $0xFFFFD180  }
0x26: {  	[tilespmem:s17], [sflag:$0x2] =	stream.linear.gather [hbm4b:s7+s31], $0x2E80, $0x38;
	[tilespmem:$0x1E200] =	vst v63  }
0x27: {  	_ =	swait.ge [sflag:s16], $0x2E80  }
0x28: {  	[sflag:s16] =	ssyncset.done $0x0  }
0x29: {  	[sflag:s16] =	ssyncadd.s32 $0xFFFFD180  }
0x2a: {  	[spmem:s8] =	stream.linear.scatter [tilespmem:s18], [sflag:$0x2], $0x4000, $0x38;
	[tilespmem:$0x1E200] =	vst v63  }
0x2b: {  	_ =	swait.ge [sflag:s16], $0x4000  }
0x2c: {  	[sflag:s16] =	ssyncset.done $0x0  }
0x2d: {  	[sflag:s16] =	ssyncadd.s32 $0xFFFFC000  }
0x2e: {  	[spmem:s12] =	stream.linear.scatter [tilespmem:s18], [sflag:$0x2], $0x4000, $0x38;
	[tilespmem:$0x1E200] =	vst v63  }
0x2f: {  	_ =	swait.ge [sflag:s16], $0x4000  }
0x30: {  	[sflag:s16] =	ssyncset.done $0x0  }
0x31: {  	[sflag:s16] =	ssyncadd.s32 $0xFFFFC000  }
0x32: {  	[spmem:s13] =	stream.linear.scatter [tilespmem:s18], [sflag:$0x2], $0x4000, $0x38;
	[tilespmem:$0x1E200] =	vst v63  }
0x33: {  	_ =	swait.ge [sflag:s16], $0x4000  }
0x34: {  	[sflag:s16] =	ssyncset.done $0x0  }
0x35: {  	[sflag:s16] =	ssyncadd.s32 $0xFFFFC000  }
0x36: {  	[spmem:s14] =	stream.linear.scatter [tilespmem:s18], [sflag:$0x2], $0x4000, $0x38;
	[tilespmem:$0x1E200] =	vst v63  }
0x37: {  	_ =	swait.ge [sflag:s16], $0x4000  }
0x38: {  	[sflag:s16] =	ssyncset.done $0x0  }
0x39: {  	[sflag:s16] =	ssyncadd.s32 $0xFFFFC000  }
0x3a: {  	[spmem:s15] =	stream.linear.scatter [tilespmem:s18], [sflag:$0x2], $0x4000, $0x38;
	[tilespmem:$0x1E200] =	vst v63  }
0x3b: {  	_ =	swait.ge [sflag:s16], $0x4000  }
0x3c: {  	[sflag:s16] =	ssyncset.done $0x0  }
0x3d: {  	[sflag:s16] =	ssyncadd.s32 $0xFFFFC000  }
0x3e: {  	v1 =	vld [tilespmem:$0x0]  }
0x3f: {  	v2 =	vld [tilespmem:$0x3000]  }
0x40: {  	v3 =	vld [tilespmem:$0x10]  }
0x41: {  	v4 =	vld [tilespmem:$0x3010]  }
0x42: {  	v5 =	vld [tilespmem:$0x20]  }
0x43: {  	[tilespmem:$0x6000] =	vst v1;
	v1 =	vld [tilespmem:$0x3020]  }
0x44: {  	v60 =	vld [tilespmem:$0x40];
	[tilespmem:$0x6100] =	vst v2  }
0x45: {  	v61 =	vld [tilespmem:$0x3040];
	[tilespmem:$0x6010] =	vst v3  }
0x46: {  	v2 =	vld [tilespmem:$0x30];
	[tilespmem:$0x6110] =	vst v4  }
0x47: {  	v3 =	vld [tilespmem:$0x3030];
	[tilespmem:$0x6020] =	vst v5  }
0x48: {  	[tilespmem:$0x6120] =	vst v1;
	v1 =	vld [tilespmem:$0x50]  }
0x49: {  	v62 =	vld [tilespmem:$0x3060];
	[tilespmem:$0x6040] =	vst v60  }
0x4a: {  	v63 =	vld [tilespmem:$0x70];
	[tilespmem:$0x6140] =	vst v61  }
0x4b: {  	[tilespmem:$0x6030] =	vst v2;
	v2 =	vld [tilespmem:$0x3050]  }
0x4c: {  	[tilespmem:$0x6130] =	vst v3;
	v3 =	vld [tilespmem:$0x60]  }
0x4d: {  	[tilespmem:$0x6050] =	vst v1;
	v1 =	vld [tilespmem:$0x3070]  }
0x4e: {  	[tilespmem:$0x6160] =	vst v62  }
0x4f: {  	[tilespmem:$0x6070] =	vst v63  }
0x50: {  	[tilespmem:$0x6150] =	vst v2  }
0x51: {  	p0 =	sle.u32 s5, $0x0;
	[tilespmem:$0x6060] =	vst v3  }
0x52: {  	s19 =	simm.s32 $0xC0;
	s21 =	simm.s32 @!p0 $0x80;
	[tilespmem:$0x6170] =	vst v1  }
0x53: {  	s20 =	simm.s32 @!p0 $0x6000;
	s22 =	simm.s32 @!p0 $0x6200;
	[bflag:$0x0] =	sbarrier.arrive $0xFFFF  }
0x54: {  	[tilespmem:s22], [sflag:$0x1] =	stream.indirect.gather @!p0 [hbm4b:s4+s21], $0x80, s20, s21, $0xb8;
	[tilespmem:$0x1E200] =	vst v63  }
0x55: {  	v1 =	vld @!p0 [tilespmem:s19+$0xFFFFFFC0];
	_ =	sdelay $0x4  }
0x56: {  	s20 =	simm.s32 $0x30C0;
	[tilespmem:$0x6080] =	vst @!p0 v1  }
0x57: {  	v1 =	vld @!p0 [tilespmem:s20+$0xFFFFFFC0];
	_ =	sdelay $0x4  }
0x58: {  	[tilespmem:$0x6180] =	vst @!p0 v1  }
0x59: {  	v1 =	vld @!p0 [tilespmem:s19+$0xFFFFFFD0];
	_ =	sdelay $0x4  }
0x5a: {  	[tilespmem:$0x6090] =	vst @!p0 v1  }
0x5b: {  	v1 =	vld @!p0 [tilespmem:s20+$0xFFFFFFD0];
	_ =	sdelay $0x4  }
0x5c: {  	[tilespmem:$0x6190] =	vst @!p0 v1  }
0x5d: {  	v1 =	vld @!p0 [tilespmem:s19+$0xFFFFFFE0];
	_ =	sdelay $0x4  }
0x5e: {  	[tilespmem:$0x60A0] =	vst @!p0 v1  }
0x5f: {  	v1 =	vld @!p0 [tilespmem:s20+$0xFFFFFFE0];
	_ =	sdelay $0x4  }
0x60: {  	[tilespmem:$0x61A0] =	vst @!p0 v1  }
0x61: {  	v1 =	vld @!p0 [tilespmem:s19+$0xFFFFFFF0];
	_ =	sdelay $0x4  }
0x62: {  	[tilespmem:$0x60B0] =	vst @!p0 v1  }
0x63: {  	v1 =	vld @!p0 [tilespmem:s20+$0xFFFFFFF0];
	_ =	sdelay $0x4  }
0x64: {  	[tilespmem:$0x61B0] =	vst @!p0 v1  }
0x65: {  	v1 =	vld @!p0 [tilespmem:s19+$0x0];
	_ =	sdelay $0x4  }
0x66: {  	[tilespmem:$0x60C0] =	vst @!p0 v1  }
0x67: {  	v1 =	vld @!p0 [tilespmem:s20+$0x0];
	_ =	sdelay $0x4  }
0x68: {  	[tilespmem:$0x61C0] =	vst @!p0 v1  }
0x69: {  	v1 =	vld @!p0 [tilespmem:s19+$0x10];
	_ =	sdelay $0x4  }
0x6a: {  	[tilespmem:$0x60D0] =	vst @!p0 v1  }
0x6b: {  	v1 =	vld @!p0 [tilespmem:s20+$0x10];
	_ =	sdelay $0x4  }
0x6c: {  	[tilespmem:$0x61D0] =	vst @!p0 v1  }
0x6d: {  	v1 =	vld @!p0 [tilespmem:s19+$0x20];
	_ =	sdelay $0x4  }
0x6e: {  	[tilespmem:$0x60E0] =	vst @!p0 v1  }
0x6f: {  	v1 =	vld @!p0 [tilespmem:s20+$0x20];
	_ =	sdelay $0x4  }
0x70: {  	[tilespmem:$0x61E0] =	vst @!p0 v1  }
0x71: {  	v1 =	vld @!p0 [tilespmem:s19+$0x30];
	_ =	sdelay $0x4  }
0x72: {  	[tilespmem:$0x60F0] =	vst @!p0 v1  }
0x73: {  	v1 =	vld @!p0 [tilespmem:s20+$0x30];
	_ =	sdelay $0x4  }
0x74: {  	s23 =	simm.s32 @!p0 $0x1;
	[tilespmem:$0x61F0] =	vst @!p0 v1  }
0x75: {  	_ =	swait.ge @!p0 [sflag:s23], $0x4000  }
0x76: {  	[sflag:s23] =	ssyncset.done @!p0 $0x0  }
0x77: {  	s24 =	simm.s32 @!p0 $0x6100;
	s25 =	simm.s32 @!p0 $0x3;
	[sflag:s23] =	ssyncadd.s32 @!p0 $0xFFFFC000  }
0x78: {  	[spmem:s1] =	stream.indirect.scatter.add.f32 @!p0 [tilespmem:s22], [sflag:$0x3], $0x80, s24, s21, $0xb8;
	[tilespmem:$0x1E200] =	vst v63  }
0x79: {  	p2 =	sle.u32 s9, $0x0;
	_ =	swait.ge @!p0 [sflag:s25], $0x4000  }
0x7a: {  	s23 =	simm.s32 @!p2 $0x6200;
	[sflag:s25] =	ssyncset.done @!p0 $0x0  }
0x7b: {  	s21 =	simm.s32 @!p2 $0x80;
	s22 =	simm.s32 @!p2 $0x6080;
	[sflag:s25] =	ssyncadd.s32 @!p0 $0xFFFFC000  }
0x7c: {  	[tilespmem:s23], [sflag:$0x1] =	stream.indirect.gather @!p2 [hbm4b:s4+s21], $0x80, s22, s21, $0xb8;
	[tilespmem:$0x1E200] =	vst v63  }
0x7d: {  	v1 =	vld @!p2 [tilespmem:s19+$0x40];
	_ =	sdelay $0x4  }
0x7e: {  	[tilespmem:$0x6000] =	vst @!p2 v1  }
0x7f: {  	v1 =	vld @!p2 [tilespmem:s20+$0x40];
	_ =	sdelay $0x4  }
0x80: {  	[tilespmem:$0x6100] =	vst @!p2 v1  }
0x81: {  	v1 =	vld @!p2 [tilespmem:s19+$0x50];
	_ =	sdelay $0x4  }
0x82: {  	[tilespmem:$0x6010] =	vst @!p2 v1  }
0x83: {  	v1 =	vld @!p2 [tilespmem:s20+$0x50];
	_ =	sdelay $0x4  }
0x84: {  	[tilespmem:$0x6110] =	vst @!p2 v1  }
0x85: {  	v1 =	vld @!p2 [tilespmem:s19+$0x60];
	_ =	sdelay $0x4  }
0x86: {  	[tilespmem:$0x6020] =	vst @!p2 v1  }
0x87: {  	v1 =	vld @!p2 [tilespmem:s20+$0x60];
	_ =	sdelay $0x4  }
0x88: {  	[tilespmem:$0x6120] =	vst @!p2 v1  }
0x89: {  	v1 =	vld @!p2 [tilespmem:s19+$0x70];
	_ =	sdelay $0x4  }
0x8a: {  	[tilespmem:$0x6030] =	vst @!p2 v1  }
0x8b: {  	v1 =	vld @!p2 [tilespmem:s20+$0x70];
	_ =	sdelay $0x4  }
0x8c: {  	[tilespmem:$0x6130] =	vst @!p2 v1  }
0x8d: {  	v1 =	vld @!p2 [tilespmem:s19+$0x80];
	_ =	sdelay $0x4  }
0x8e: {  	[tilespmem:$0x6040] =	vst @!p2 v1  }
0x8f: {  	v1 =	vld @!p2 [tilespmem:s20+$0x80];
	_ =	sdelay $0x4  }
0x90: {  	[tilespmem:$0x6140] =	vst @!p2 v1  }
0x91: {  	v1 =	vld @!p2 [tilespmem:s19+$0x90];
	_ =	sdelay $0x4  }
0x92: {  	[tilespmem:$0x6050] =	vst @!p2 v1  }
0x93: {  	v1 =	vld @!p2 [tilespmem:s20+$0x90];
	_ =	sdelay $0x4  }
0x94: {  	[tilespmem:$0x6150] =	vst @!p2 v1  }
0x95: {  	v1 =	vld @!p2 [tilespmem:s19+$0xA0];
	_ =	sdelay $0x4  }
0x96: {  	[tilespmem:$0x6060] =	vst @!p2 v1  }
0x97: {  	v1 =	vld @!p2 [tilespmem:s20+$0xA0];
	_ =	sdelay $0x4  }
0x98: {  	[tilespmem:$0x6160] =	vst @!p2 v1  }
0x99: {  	v1 =	vld @!p2 [tilespmem:s19+$0xB0];
	_ =	sdelay $0x4  }
0x9a: {  	[tilespmem:$0x6070] =	vst @!p2 v1  }
0x9b: {  	v1 =	vld @!p2 [tilespmem:s20+$0xB0];
	_ =	sdelay $0x4  }
0x9c: {  	s19 =	simm.s32 @!p2 $0x1;
	[tilespmem:$0x6170] =	vst @!p2 v1  }
0x9d: {  	_ =	swait.ge @!p2 [sflag:s19], $0x4000  }
0x9e: {  	p1 =	sle.u32 s5, $0x2;
	s26 =	simm.s32 @!p2 $0x2;
	[sflag:s19] =	ssyncset.done @!p2 $0x0  }
0x9f: {  	s22 =	simm.s32 $0x4;
	s20 =	simm.s32 @!p2 $0x6180;
	[sflag:s19] =	ssyncadd.s32 @!p2 $0xFFFFC000  }
0xa0: {  	[spmem:s1] =	stream.indirect.scatter.add.f32 @!p2 [tilespmem:s23], [sflag:$0x2], $0x80, s20, s21, $0xb8;
	[tilespmem:$0x1E200] =	vst v63  }
0xa1: {  	s19 =	simm.s32 $0x31C0;
	s21 =	simm.s32 $0x2;
	s20 =	simm.s32 $0x1C0  }
.LBB2_4:
0xa2: {  	s24 =	simm.s32 @!p1 $0x80  }
0xa3: {  	s28 =	simm.s32 @!p1 $0x6000;
	_ =	swait.ge @!p2 [sflag:s26], $0x4000;
	s23 =	smov.u32 s22  }
0xa4: {  	s22 =	sadd.s32 $0x2, s22;
	s25 =	simm.s32 @!p1 $0x6200;
	[sflag:s26] =	ssyncset.done @!p2 $0x0  }
0xa5: {  	p0 =	sne.s32 s22, $0x5E;
	[sflag:s26] =	ssyncadd.s32 @!p2 $0xFFFFC000  }
0xa6: {  	[tilespmem:s25], [sflag:$0x1] =	stream.indirect.gather @!p1 [hbm4b:s4+s24], $0x80, s28, s24, $0xb8;
	[tilespmem:$0x1E200] =	vst v63  }
0xa7: {  	v1 =	vld @!p1 [tilespmem:s20+$0xFFFFFFC0];
	_ =	sdelay $0x4  }
0xa8: {  	[tilespmem:$0x6080] =	vst @!p1 v1  }
0xa9: {  	v1 =	vld @!p1 [tilespmem:s19+$0xFFFFFFC0];
	_ =	sdelay $0x4  }
0xaa: {  	[tilespmem:$0x6180] =	vst @!p1 v1  }
0xab: {  	v1 =	vld @!p1 [tilespmem:s20+$0xFFFFFFD0];
	_ =	sdelay $0x4  }
0xac: {  	[tilespmem:$0x6090] =	vst @!p1 v1  }
0xad: {  	v1 =	vld @!p1 [tilespmem:s19+$0xFFFFFFD0];
	_ =	sdelay $0x4  }
0xae: {  	[tilespmem:$0x6190] =	vst @!p1 v1  }
0xaf: {  	v1 =	vld @!p1 [tilespmem:s20+$0xFFFFFFE0];
	_ =	sdelay $0x4  }
0xb0: {  	[tilespmem:$0x60A0] =	vst @!p1 v1  }
0xb1: {  	v1 =	vld @!p1 [tilespmem:s19+$0xFFFFFFE0];
	_ =	sdelay $0x4  }
0xb2: {  	[tilespmem:$0x61A0] =	vst @!p1 v1  }
0xb3: {  	v1 =	vld @!p1 [tilespmem:s20+$0xFFFFFFF0];
	_ =	sdelay $0x4  }
0xb4: {  	[tilespmem:$0x60B0] =	vst @!p1 v1  }
0xb5: {  	v1 =	vld @!p1 [tilespmem:s19+$0xFFFFFFF0];
	_ =	sdelay $0x4  }
0xb6: {  	[tilespmem:$0x61B0] =	vst @!p1 v1  }
0xb7: {  	v1 =	vld @!p1 [tilespmem:s20+$0x0];
	_ =	sdelay $0x4  }
0xb8: {  	[tilespmem:$0x60C0] =	vst @!p1 v1  }
0xb9: {  	v1 =	vld @!p1 [tilespmem:s19+$0x0];
	_ =	sdelay $0x4  }
0xba: {  	[tilespmem:$0x61C0] =	vst @!p1 v1  }
0xbb: {  	v1 =	vld @!p1 [tilespmem:s20+$0x10];
	_ =	sdelay $0x4  }
0xbc: {  	[tilespmem:$0x60D0] =	vst @!p1 v1  }
0xbd: {  	v1 =	vld @!p1 [tilespmem:s19+$0x10];
	_ =	sdelay $0x4  }
0xbe: {  	[tilespmem:$0x61D0] =	vst @!p1 v1  }
0xbf: {  	v1 =	vld @!p1 [tilespmem:s20+$0x20];
	_ =	sdelay $0x4  }
0xc0: {  	[tilespmem:$0x60E0] =	vst @!p1 v1  }
0xc1: {  	v1 =	vld @!p1 [tilespmem:s19+$0x20];
	_ =	sdelay $0x4  }
0xc2: {  	[tilespmem:$0x61E0] =	vst @!p1 v1  }
0xc3: {  	v1 =	vld @!p1 [tilespmem:s20+$0x30];
	_ =	sdelay $0x4  }
0xc4: {  	[tilespmem:$0x60F0] =	vst @!p1 v1  }
0xc5: {  	v1 =	vld @!p1 [tilespmem:s19+$0x30];
	_ =	sdelay $0x3  }
0xc6: {  	s26 =	simm.s32 @!p1 $0x1  }
0xc7: {  	[tilespmem:$0x61F0] =	vst @!p1 v1  }
0xc8: {  	_ =	swait.ge @!p1 [sflag:s26], $0x4000  }
0xc9: {  	s29 =	simm.s32 @!p1 $0x3;
	s28 =	simm.s32 @!p1 $0x6100;
	[sflag:s26] =	ssyncset.done @!p1 $0x0  }
0xca: {  	[sflag:s26] =	ssyncadd.s32 @!p1 $0xFFFFC000  }
0xcb: {  	[spmem:s1] =	stream.indirect.scatter.add.f32 @!p1 [tilespmem:s25], [sflag:$0x3], $0x80, s28, s24, $0xb8;
	[tilespmem:$0x1E200] =	vst v63  }
0xcc: {  	p2 =	sge.u32 s21, s9;
	s21 =	smov.u32 s23;
	_ =	swait.ge @!p1 [sflag:s29], $0x4000  }
0xcd: {  	s23 =	simm.s32 @!p2 $0x80;
	s25 =	simm.s32 @!p2 $0x6080;
	[sflag:s29] =	ssyncset.done @!p1 $0x0  }
0xce: {  	s24 =	simm.s32 @!p2 $0x6200;
	[sflag:s29] =	ssyncadd.s32 @!p1 $0xFFFFC000  }
0xcf: {  	[tilespmem:s24], [sflag:$0x1] =	stream.indirect.gather @!p2 [hbm4b:s4+s23], $0x80, s25, s23, $0xb8;
	[tilespmem:$0x1E200] =	vst v63  }
0xd0: {  	v1 =	vld @!p2 [tilespmem:s20+$0x40];
	_ =	sdelay $0x4  }
0xd1: {  	[tilespmem:$0x6000] =	vst @!p2 v1  }
0xd2: {  	v1 =	vld @!p2 [tilespmem:s19+$0x40];
	_ =	sdelay $0x4  }
0xd3: {  	[tilespmem:$0x6100] =	vst @!p2 v1  }
0xd4: {  	v1 =	vld @!p2 [tilespmem:s20+$0x50];
	_ =	sdelay $0x4  }
0xd5: {  	[tilespmem:$0x6010] =	vst @!p2 v1  }
0xd6: {  	v1 =	vld @!p2 [tilespmem:s19+$0x50];
	_ =	sdelay $0x4  }
0xd7: {  	[tilespmem:$0x6110] =	vst @!p2 v1  }
0xd8: {  	v1 =	vld @!p2 [tilespmem:s20+$0x60];
	_ =	sdelay $0x4  }
0xd9: {  	[tilespmem:$0x6020] =	vst @!p2 v1  }
0xda: {  	v1 =	vld @!p2 [tilespmem:s19+$0x60];
	_ =	sdelay $0x4  }
0xdb: {  	[tilespmem:$0x6120] =	vst @!p2 v1  }
0xdc: {  	v1 =	vld @!p2 [tilespmem:s20+$0x70];
	_ =	sdelay $0x4  }
0xdd: {  	[tilespmem:$0x6030] =	vst @!p2 v1  }
0xde: {  	v1 =	vld @!p2 [tilespmem:s19+$0x70];
	_ =	sdelay $0x4  }
0xdf: {  	[tilespmem:$0x6130] =	vst @!p2 v1  }
0xe0: {  	v1 =	vld @!p2 [tilespmem:s20+$0x80];
	_ =	sdelay $0x4  }
0xe1: {  	[tilespmem:$0x6040] =	vst @!p2 v1  }
0xe2: {  	v1 =	vld @!p2 [tilespmem:s19+$0x80];
	_ =	sdelay $0x4  }
0xe3: {  	[tilespmem:$0x6140] =	vst @!p2 v1  }
0xe4: {  	v1 =	vld @!p2 [tilespmem:s20+$0x90];
	_ =	sdelay $0x4  }
0xe5: {  	[tilespmem:$0x6050] =	vst @!p2 v1  }
0xe6: {  	v1 =	vld @!p2 [tilespmem:s19+$0x90];
	_ =	sdelay $0x4  }
0xe7: {  	[tilespmem:$0x6150] =	vst @!p2 v1  }
0xe8: {  	v1 =	vld @!p2 [tilespmem:s20+$0xA0];
	_ =	sdelay $0x4  }
0xe9: {  	[tilespmem:$0x6060] =	vst @!p2 v1  }
0xea: {  	v1 =	vld @!p2 [tilespmem:s19+$0xA0];
	_ =	sdelay $0x4  }
0xeb: {  	[tilespmem:$0x6160] =	vst @!p2 v1  }
0xec: {  	v1 =	vld @!p2 [tilespmem:s20+$0xB0];
	_ =	sdelay $0x4  }
0xed: {  	[tilespmem:$0x6070] =	vst @!p2 v1  }
0xee: {  	v1 =	vld @!p2 [tilespmem:s19+$0xB0];
	_ =	sdelay $0x3  }
0xef: {  	s25 =	simm.s32 @!p2 $0x1  }
.Ltmp1:
0xf0: {  	[tilespmem:$0x6170] =	vst @!p2 v1;
	(pc) =	sbr.rel @p0 .LBB2_4-.Ltmp1, $4  }
0xf1: {  	s19 =	sadd.s32 $0x100, s19;
	_ =	swait.ge @!p2 [sflag:s25], $0x4000  }
0xf2: {  	s28 =	simm.s32 @!p2 $0x6180;
	s20 =	sadd.s32 $0x100, s20;
	[sflag:s25] =	ssyncset.done @!p2 $0x0  }
0xf3: {  	s26 =	simm.s32 @!p2 $0x2;
	p1 =	sge.u32 s21, s5;
	[sflag:s25] =	ssyncadd.s32 @!p2 $0xFFFFC000  }
0xf4: {  	[spmem:s1] =	stream.indirect.scatter.add.f32 @!p2 [tilespmem:s24], [sflag:$0x2], $0x80, s28, s23, $0xb8;
	[tilespmem:$0x1E200] =	vst v63  }
0xf5: {  	_ =	swait.ge @!p2 [sflag:s26], $0x4000  }
0xf6: {  	s22 =	simm.s32 @!p1 $0x80;
	[sflag:s26] =	ssyncset.done @!p2 $0x0  }
0xf7: {  	s23 =	simm.s32 @!p1 $0x6000;
	s24 =	simm.s32 @!p1 $0x6200;
	[sflag:s26] =	ssyncadd.s32 @!p2 $0xFFFFC000  }
0xf8: {  	[tilespmem:s24], [sflag:$0x1] =	stream.indirect.gather @!p1 [hbm4b:s4+s22], $0x80, s23, s22, $0xb8;
	[tilespmem:$0x1E200] =	vst v63  }
0xf9: {  	v1 =	vld @!p1 [tilespmem:s20+$0xFFFFFFC0];
	_ =	sdelay $0x4  }
0xfa: {  	[tilespmem:$0x6080] =	vst @!p1 v1  }
0xfb: {  	v1 =	vld @!p1 [tilespmem:s19+$0xFFFFFFC0];
	_ =	sdelay $0x4  }
0xfc: {  	[tilespmem:$0x6180] =	vst @!p1 v1  }
0xfd: {  	v1 =	vld @!p1 [tilespmem:s20+$0xFFFFFFD0];
	_ =	sdelay $0x4  }
0xfe: {  	[tilespmem:$0x6090] =	vst @!p1 v1  }
0xff: {  	v1 =	vld @!p1 [tilespmem:s19+$0xFFFFFFD0];
	_ =	sdelay $0x4  }
0x100: {  	[tilespmem:$0x6190] =	vst @!p1 v1  }
0x101: {  	v1 =	vld @!p1 [tilespmem:s20+$0xFFFFFFE0];
	_ =	sdelay $0x4  }
0x102: {  	[tilespmem:$0x60A0] =	vst @!p1 v1  }
0x103: {  	v1 =	vld @!p1 [tilespmem:s19+$0xFFFFFFE0];
	_ =	sdelay $0x4  }
0x104: {  	[tilespmem:$0x61A0] =	vst @!p1 v1  }
0x105: {  	v1 =	vld @!p1 [tilespmem:s20+$0xFFFFFFF0];
	_ =	sdelay $0x4  }
0x106: {  	[tilespmem:$0x60B0] =	vst @!p1 v1  }
0x107: {  	v1 =	vld @!p1 [tilespmem:s19+$0xFFFFFFF0];
	_ =	sdelay $0x4  }
0x108: {  	[tilespmem:$0x61B0] =	vst @!p1 v1  }
0x109: {  	v1 =	vld @!p1 [tilespmem:s20+$0x0];
	_ =	sdelay $0x4  }
0x10a: {  	[tilespmem:$0x60C0] =	vst @!p1 v1  }
0x10b: {  	v1 =	vld @!p1 [tilespmem:s19+$0x0];
	_ =	sdelay $0x4  }
0x10c: {  	[tilespmem:$0x61C0] =	vst @!p1 v1  }
0x10d: {  	v1 =	vld @!p1 [tilespmem:s20+$0x10];
	_ =	sdelay $0x4  }
0x10e: {  	[tilespmem:$0x60D0] =	vst @!p1 v1  }
0x10f: {  	v1 =	vld @!p1 [tilespmem:s19+$0x10];
	_ =	sdelay $0x4  }
0x110: {  	[tilespmem:$0x61D0] =	vst @!p1 v1  }
0x111: {  	v1 =	vld @!p1 [tilespmem:s20+$0x20];
	_ =	sdelay $0x4  }
0x112: {  	[tilespmem:$0x60E0] =	vst @!p1 v1  }
0x113: {  	v1 =	vld @!p1 [tilespmem:s19+$0x20];
	_ =	sdelay $0x4  }
0x114: {  	[tilespmem:$0x61E0] =	vst @!p1 v1  }
0x115: {  	v1 =	vld @!p1 [tilespmem:s20+$0x30];
	_ =	sdelay $0x4  }
0x116: {  	[tilespmem:$0x60F0] =	vst @!p1 v1  }
0x117: {  	v1 =	vld @!p1 [tilespmem:s19+$0x30];
	_ =	sdelay $0x4  }
0x118: {  	s23 =	simm.s32 @!p1 $0x1;
	[tilespmem:$0x61F0] =	vst @!p1 v1  }
0x119: {  	_ =	swait.ge @!p1 [sflag:s23], $0x4000  }
0x11a: {  	[sflag:s23] =	ssyncset.done @!p1 $0x0  }
0x11b: {  	s25 =	simm.s32 @!p1 $0x6100;
	s26 =	simm.s32 @!p1 $0x3;
	[sflag:s23] =	ssyncadd.s32 @!p1 $0xFFFFC000  }
0x11c: {  	[spmem:s1] =	stream.indirect.scatter.add.f32 @!p1 [tilespmem:s24], [sflag:$0x3], $0x80, s25, s22, $0xb8;
	[tilespmem:$0x1E200] =	vst v63  }
0x11d: {  	p0 =	sge.u32 s21, s9;
	_ =	swait.ge @!p1 [sflag:s26], $0x4000  }
0x11e: {  	s21 =	simm.s32 @!p0 $0x80;
	[sflag:s26] =	ssyncset.done @!p1 $0x0  }
0x11f: {  	s23 =	simm.s32 @!p0 $0x6200;
	s22 =	simm.s32 @!p0 $0x6080;
	[sflag:s26] =	ssyncadd.s32 @!p1 $0xFFFFC000  }
0x120: {  	[tilespmem:s23], [sflag:$0x1] =	stream.indirect.gather @!p0 [hbm4b:s4+s21], $0x80, s22, s21, $0xb8;
	[tilespmem:$0x1E200] =	vst v63  }
0x121: {  	v1 =	vld @!p0 [tilespmem:s20+$0x40];
	_ =	sdelay $0x4  }
0x122: {  	[tilespmem:$0x6000] =	vst @!p0 v1  }
0x123: {  	v1 =	vld @!p0 [tilespmem:s19+$0x40];
	_ =	sdelay $0x4  }
0x124: {  	[tilespmem:$0x6100] =	vst @!p0 v1  }
0x125: {  	v1 =	vld @!p0 [tilespmem:s20+$0x50];
	_ =	sdelay $0x4  }
0x126: {  	[tilespmem:$0x6010] =	vst @!p0 v1  }
0x127: {  	v1 =	vld @!p0 [tilespmem:s19+$0x50];
	_ =	sdelay $0x4  }
0x128: {  	[tilespmem:$0x6110] =	vst @!p0 v1  }
0x129: {  	v1 =	vld @!p0 [tilespmem:s20+$0x60];
	_ =	sdelay $0x4  }
0x12a: {  	[tilespmem:$0x6020] =	vst @!p0 v1  }
0x12b: {  	v1 =	vld @!p0 [tilespmem:s19+$0x60];
	_ =	sdelay $0x4  }
0x12c: {  	[tilespmem:$0x6120] =	vst @!p0 v1  }
0x12d: {  	v1 =	vld @!p0 [tilespmem:s20+$0x70];
	_ =	sdelay $0x4  }
0x12e: {  	[tilespmem:$0x6030] =	vst @!p0 v1  }
0x12f: {  	v1 =	vld @!p0 [tilespmem:s19+$0x70];
	_ =	sdelay $0x4  }
0x130: {  	[tilespmem:$0x6130] =	vst @!p0 v1  }
0x131: {  	v1 =	vld @!p0 [tilespmem:s20+$0x80];
	_ =	sdelay $0x4  }
0x132: {  	[tilespmem:$0x6040] =	vst @!p0 v1  }
0x133: {  	v1 =	vld @!p0 [tilespmem:s19+$0x80];
	_ =	sdelay $0x4  }
0x134: {  	[tilespmem:$0x6140] =	vst @!p0 v1  }
0x135: {  	v1 =	vld @!p0 [tilespmem:s20+$0x90];
	_ =	sdelay $0x4  }
0x136: {  	[tilespmem:$0x6050] =	vst @!p0 v1  }
0x137: {  	v1 =	vld @!p0 [tilespmem:s19+$0x90];
	_ =	sdelay $0x4  }
0x138: {  	[tilespmem:$0x6150] =	vst @!p0 v1  }
0x139: {  	v1 =	vld @!p0 [tilespmem:s20+$0xA0];
	_ =	sdelay $0x4  }
0x13a: {  	[tilespmem:$0x6060] =	vst @!p0 v1  }
0x13b: {  	v1 =	vld @!p0 [tilespmem:s19+$0xA0];
	_ =	sdelay $0x4  }
0x13c: {  	[tilespmem:$0x6160] =	vst @!p0 v1  }
0x13d: {  	v1 =	vld @!p0 [tilespmem:s20+$0xB0];
	_ =	sdelay $0x4  }
0x13e: {  	[tilespmem:$0x6070] =	vst @!p0 v1  }
0x13f: {  	v1 =	vld @!p0 [tilespmem:s19+$0xB0];
	_ =	sdelay $0x4  }
0x140: {  	s19 =	simm.s32 @!p0 $0x1;
	[tilespmem:$0x6170] =	vst @!p0 v1  }
0x141: {  	_ =	swait.ge @!p0 [sflag:s19], $0x4000  }
0x142: {  	[sflag:s19] =	ssyncset.done @!p0 $0x0  }
0x143: {  	s20 =	simm.s32 @!p0 $0x6180;
	[sflag:s19] =	ssyncadd.s32 @!p0 $0xFFFFC000;
	s19 =	simm.s32 @!p0 $0x2  }
0x144: {  	[spmem:s1] =	stream.indirect.scatter.add.f32 @!p0 [tilespmem:s23], [sflag:$0x2], $0x80, s20, s21, $0xb8;
	[tilespmem:$0x1E200] =	vst v63  }
0x145: {  	_ =	swait.ge @!p0 [sflag:s19], $0x4000  }
0x146: {  	s30 =	sshll.u32 s2, $0x6;
	s3 =	sadd.s32 $0x1, s3;
	[sflag:s19] =	ssyncset.done @!p0 $0x0  }
0x147: {  	s31 =	sshrl.u32 s8, $0x3;
	[sflag:s19] =	ssyncadd.s32 @!p0 $0xFFFFC000;
	p0 =	sne.s32 s3, s11  }
.Ltmp2:
0x148: {  	s19 =	sor.u32 $0x1C02, s30;
	[bflag:$0x0] =	sbarrier.arrive $0xFFFF;
	(pc) =	sbr.rel @p0 .LBB2_1-.Ltmp2, $4  }
0x149: {  	[hbm:s10], [sflag:s19] =	dma.local [spmem:s31], $0x2800  }
0x14a: {  	_ =	swait.ge [sflag:s16], $0x2800  }
0x14b: {  	[sflag:s16] =	ssyncset.done $0x0  }
0x14c: {  	[sflag:s16] =	ssyncadd.s32 $0xFFFFD800  }
0x14d: {  	_ =	sfence.sel $0x180000  }
0x14e: {  	[bflag:$0x0] =	sbarrier.arrive $0xFFFF  }
0x14f: {  	p0 =	sne.s32 s2, $0x0;
	_ =	strace $0x9000004D  }
0x150: {  	s0 =	sadd.s32 @!p0 $0x100000, s0;
	[bflag:$0x2] =	sbarrier.arrive $0xFFFF  }
0x151: {  	[sflag:s0] =	ssyncadd.tile.s32 @!p0 $0x1;
	_ =	shalt  }
.Lfunc_end2:
_tile_overlayer_lowered:
.L_overlay_start_2:
0x152: {  	(tag) =	ssettag $0x2  }
0x153: {  	s0 =	rddreg [dreg:$0x0];
	s2 =	stileid.u32  }
0x154: {  	s1 =	rddreg [dreg:$0x1];
	p0 =	sne.s32 s2, $0x0  }
0x155: {  	s3 =	rddreg [dreg:$0x2];
	[bflag:$0x3] =	sbarrier.arrive $0xFFFF;
	s2 =	simm.s32 @!p0 $0x1C02  }
0x156: {  	[timem:s3], [sflag:s2] =	dma.local @!p0 [hbm:s0], s1  }
0x157: {  	s0 =	simm.s32 @!p0 $0x2  }
0x158: {  	_ =	swait.ge @!p0 [sflag:s0], s1  }
0x159: {  	s1 =	ssub.s32 @!p0 $0x0, s1;
	[sflag:s0] =	ssyncset.done @!p0 $0x0  }
0x15a: {  	[sflag:s0] =	ssyncadd.s32 @!p0 s1  }
0x15b: {  	[bflag:$0x3] =	sbarrier.arrive $0xFFFF  }
0x15c: {  	_ =	shalt  }

// kernel: kernel.8.cloned.1.call-start
scs
__scs_entry_jumppad:
0x0: {  	(pc) =	sbr.rel $0x88, $3  }
0x1: {  	(tag) =	ssettag $0x0;
	lr =	simm.s32 $0x1  }
0x2: {  	[smem:$0x3F9B] =	sst lr;
	_ =	strace $0xD0000000  }
0x3: {  	_ = 	snop  }
0x4: {  	_ = 	snop  }
0x5: {  	_ = 	snop  }
0x6: {  	_ = 	snop  }
0x7: {  	_ = 	snop  }
__scs_overlays_trampoline_lowered:
0x8: {  	[smem:$0x3FAA] =	sst s0  }
0x9: {  	[smem:$0x3FAB] =	sst s1  }
0xa: {  	[smem:$0x3FAC] =	sst s2  }
0xb: {  	[smem:$0x3FAD] =	sst s3  }
0xc: {  	[smem:$0x3FAE] =	sst s4  }
0xd: {  	[smem:$0x3FAF] =	sst s5  }
0xe: {  	[smem:$0x3FB0] =	sst s6  }
0xf: {  	[smem:$0x3FB1] =	sst s7  }
0x10: {  	[smem:$0x3FB2] =	sst s8  }
0x11: {  	[smem:$0x3FB3] =	sst s9;
	s0 =	simm.s32 @!p0 $0x0  }
0x12: {  	s1 =	sld [smem:$0x3F99];
	s0 =	simm.s32 @p0 $0x1  }
0x13: {  	[smem:$0x3FB4] =	sst s0;
	s0 =	simm.s32 @!p1 $0x0  }
0x14: {  	s2 =	sld [smem:$0x3F98];
	s0 =	simm.s32 @p1 $0x1  }
0x15: {  	[smem:$0x3FB5] =	sst s0;
	s0 =	simm.s32 @!p2 $0x0  }
0x16: {  	s3 =	sld [smem:$0x3FDB];
	s0 =	simm.s32 @p2 $0x1  }
0x17: {  	s4 =	simm.s32 $0x1BF5;
	[smem:$0x3FB7] =	sst s0  }
0x18: {  	s0 =	sld [smem:$0x3F9A];
	_ =	swait.ge [sflag:s4], $0x0  }
0x19: {  	s7 =	sld [smem:$0x3F9B]  }
0x1a: {  	s8 =	sadd.s32 $0xFFFFE003, lr  }
0x1b: {  	s9 =	sadd.s32 $0xFFFFFEF7, lr;
	s5 =	simm.s32 $0xFFFFFFFF;
	p2 =	slt.u32 s8, $0xFFFFF086  }
0x1c: {  	p1 =	slt.u32 s9, $0xF7A;
	s5 =	simm.s32 @!p2 $0x0  }
0x1d: {  	s5 =	simm.s32 @p1 $0x1;
	p0 =	seq.s32 s7, s2  }
0x1e: {  	s7 =	smul.u32 @!p0 $0xF7A, s2;
	p2 =	seq.s32 @!p0 s5, $0x0  }
0x1f: {  	s9 =	smul.u32 $0xF7A, s1;
	s8 =	simm.s32 @!p0 $0x1BF5;
	p2 =	por !p2, p0  }
0x20: {  	[sflag:s8] =	ssyncset.s32 @!p0 $0xFFFFF086;
	s6 =	sadd.s32 @!p0 s3, s7;
	s7 =	simm.s32 @!p0 $0x108  }
0x21: {  	s3 =	sadd.s32 s3, s9;
	s6 =	sadd.s32 @!p0 $0x88, s6;
	s7 =	simm.s32 @p2 $0x1082  }
0x22: {  	[simem:s7], [sflag:s8] =	dma.local @!p0 [hbm:s6], $0xF7A  }
0x23: {  	s9 =	sor.u32 $0xD0000000, s2;
	s6 =	simm.s32 $0x108;
	_ =	swait.ge @!p0 [sflag:s8], $0x0  }
0x24: {  	s3 =	sadd.s32 $0x88, s3;
	s6 =	simm.s32 @!p1 $0x1082;
	[sflag:s4] =	ssyncset.s32 $0xFFFFF086  }
0x25: {  	[simem:s6], [sflag:s4] =	dma.local [hbm:s3], $0xF7A  }
0x26: {  	[smem:$0x3F9B] =	sst s1;
	(tag) =	ssettag s2;
	_ =	strace s9  }
0x27: {  	s1 =	sld [smem:$0x3FAB]  }
0x28: {  	s2 =	sld [smem:$0x3FAC]  }
0x29: {  	s4 =	sld [smem:$0x3FAE]  }
0x2a: {  	p0 =	seq.s32 s5, $0x0;
	s5 =	sld [smem:$0x3FAF]  }
0x2b: {  	s6 =	sld [smem:$0x3FB0]  }
0x2c: {  	s7 =	sld [smem:$0x3FB1]  }
0x2d: {  	s3 =	simm.s32 $0x108;
	s8 =	sld [smem:$0x3FB2]  }
0x2e: {  	s3 =	simm.s32 @!p0 $0x1082;
	s9 =	sld [smem:$0x3FB3]  }
0x2f: {  	lr =	sadd.s32 s0, s3;
	s0 =	sld [smem:$0x3FAA]  }
0x30: {  	s3 =	sld [smem:$0x3FAD]  }
0x31: {  	[smem:$0x3FB6] =	sst s10  }
0x32: {  	s10 =	sld [smem:$0x3FB4];
	_ =	sdelay $0x3  }
0x33: {  	p0 =	seq.s32 s10, $0x1;
	s10 =	sld [smem:$0x3FB6];
	_ =	sdelay $0x3  }
0x34: {  	[smem:$0x3FB6] =	sst s10  }
0x35: {  	s10 =	sld [smem:$0x3FB5];
	_ =	sdelay $0x3  }
0x36: {  	p1 =	seq.s32 s10, $0x1;
	s10 =	sld [smem:$0x3FB6];
	_ =	sdelay $0x3  }
0x37: {  	[smem:$0x3FB6] =	sst s10  }
0x38: {  	s10 =	sld [smem:$0x3FB7]  }
0x39: {  	_ = 	snop;
	(pc) =	sbr.ind lr, $3  }
0x3a: {  	_ = 	snop  }
0x3b: {  	_ = 	snop  }
0x3c: {  	p2 =	seq.s32 s10, $0x1;
	s10 =	sld [smem:$0x3FB6]  }
0x3d: {  	_ =	shalt  }
0x3e: {  	_ =	shalt  }
0x3f: {  	_ =	shalt  }
0x40: {  	_ =	shalt  }
0x41: {  	_ =	shalt  }
0x42: {  	_ =	shalt  }
0x43: {  	_ =	shalt  }
0x44: {  	_ =	shalt  }
0x45: {  	_ =	shalt  }
0x46: {  	_ =	shalt  }
0x47: {  	_ =	shalt  }
0x48: {  	_ =	shalt  }
0x49: {  	_ =	shalt  }
0x4a: {  	_ =	shalt  }
0x4b: {  	_ =	shalt  }
0x4c: {  	_ =	shalt  }
0x4d: {  	_ =	shalt  }
0x4e: {  	_ =	shalt  }
0x4f: {  	_ =	shalt  }
0x50: {  	_ =	shalt  }
0x51: {  	_ =	shalt  }
0x52: {  	_ =	shalt  }
0x53: {  	_ =	shalt  }
0x54: {  	_ =	shalt  }
0x55: {  	_ =	shalt  }
0x56: {  	_ =	shalt  }
0x57: {  	_ =	shalt  }
0x58: {  	_ =	shalt  }
0x59: {  	_ =	shalt  }
0x5a: {  	_ =	shalt  }
0x5b: {  	_ =	shalt  }
0x5c: {  	_ =	shalt  }
0x5d: {  	_ =	shalt  }
0x5e: {  	_ =	shalt  }
0x5f: {  	_ =	shalt  }
0x60: {  	_ =	shalt  }
0x61: {  	_ =	shalt  }
0x62: {  	_ =	shalt  }
0x63: {  	_ =	shalt  }
0x64: {  	_ =	shalt  }
0x65: {  	_ =	shalt  }
0x66: {  	_ =	shalt  }
0x67: {  	_ =	shalt  }
0x68: {  	_ =	shalt  }
0x69: {  	_ =	shalt  }
0x6a: {  	_ =	shalt  }
0x6b: {  	_ =	shalt  }
0x6c: {  	_ =	shalt  }
0x6d: {  	_ =	shalt  }
0x6e: {  	_ =	shalt  }
0x6f: {  	_ =	shalt  }
0x70: {  	_ =	shalt  }
0x71: {  	_ =	shalt  }
0x72: {  	_ =	shalt  }
0x73: {  	_ =	shalt  }
0x74: {  	_ =	shalt  }
0x75: {  	_ =	shalt  }
0x76: {  	_ =	shalt  }
0x77: {  	_ =	shalt  }
0x78: {  	_ =	shalt  }
0x79: {  	_ =	shalt  }
0x7a: {  	_ =	shalt  }
0x7b: {  	_ =	shalt  }
0x7c: {  	_ =	shalt  }
0x7d: {  	_ =	shalt  }
0x7e: {  	_ =	shalt  }
0x7f: {  	_ =	shalt  }
0x80: {  	_ =	shalt  }
0x81: {  	_ =	shalt  }
0x82: {  	_ =	shalt  }
0x83: {  	_ =	shalt  }
0x84: {  	_ =	shalt  }
0x85: {  	_ =	shalt  }
0x86: {  	_ =	shalt  }
0x87: {  	_ =	shalt  }
.Lfunc_end0:
.L_simem_size_0:
called_computation_lowered:
.L_overlay_start_0:
0x88: {  	s2 =	sld [smem:$0x3FD9]  }
0x89: {  	s3 =	sld [smem:$0x3FFE];
	_ =	sdelay $0x1  }
0x8a: {  	s1 =	srdreg.scid  }
0x8b: {  	s0 =	sand.u32 $0x1, s1  }
0x8c: {  	s16 =	sshll.u32 s0, $0xA;
	s2 =	sadd.s32 s3, s2  }
0x8d: {  	s2 =	sadd.s32 s2, s16  }
0x8e: {  	[smem:$0x3FC2] =	sst s2  }
0x8f: {  	_ = 	snop  }
0x90: {  	(tm) =	ssettm $0x1  }
0x91: {  	s17 =	sld [smem:$0x3FFB];
	_ =	sdelay $0x3  }
0x92: {  	_ =	strace s17  }
0x93: {  	s2 =	sld [smem:$0x3FFC];
	_ =	sdelay $0x3  }
0x94: {  	_ =	strace s2  }
0x95: {  	s2 =	sld [smem:$0x3FFD];
	_ =	sdelay $0x3  }
0x96: {  	_ =	strace s2  }
0x97: {  	_ =	strace $0x8FFFFFFF  }
0x98: {  	s18 =	sld [smem:$0x3FDB];
	_ =	sdelay $0x1  }
0x99: {  	s19 =	simm.s32 $_scs_section_size  }
0x9a: {  	s4 =	simm.s32 $_size__tile_overlayer_lowered;
	s5 =	simm.s32 $_tile_overlayer_lowered  }
0x9b: {  	s22 =	simm.s32 $0x1BFF;
	s21 =	sshll.u32 s5, $0x1;
	s2 =	sadd.s32 s19, s18  }
0x9c: {  	s6 =	simm.s32 $0x0;
	s20 =	sshll.u32 s4, $0x1;
	s4 =	sadd.s32 s21, s2  }
0x9d: {  	[timem:s6], [sflag:s22] =	dma.local [hbm:s4], s20  }
0x9e: {  	_ =	swait.ge [sflag:s22], s20  }
0x9f: {  	s3 =	ssub.s32 $0x0, s20;
	[sflag:s22] =	ssyncset.done $0x0  }
0xa0: {  	[sflag:s22] =	ssyncadd.s32 s3;
	_ =	sdelay $0x1  }
0xa1: {  	s23 =	simm.s32 $0x1B8B  }
0xa2: {  	_ =	swait.ge [sflag:s23], $0x1  }
0xa3: {  	[sflag:s23] =	ssyncset.done $0x0  }
0xa4: {  	s25 =	simm.s32 $0x1B8E;
	s24 =	sld [smem:$0x3FFE];
	[sflag:s23] =	ssyncadd.s32 $0xFFFFFFFF  }
0xa5: {  	s26 =	simm.s32 $execute0_lowered;
	[smem:$0x3FD2] =	sst s25  }
0xa6: {  	s4 =	sshll.u32 s26, $0x1;
	_ =	strace $0x80000046;
	[dreg:$0x1] =	wrdreg $0xFFFFFFFF  }
0xa7: {  	s28 =	simm.s32 $_size_execute0_lowered;
	s2 =	sadd.s32 s2, s4;
	[dreg:$0x0] =	wrdreg $0x0  }
0xa8: {  	s4 =	sshll.u32 s28, $0x1;
	[dreg:$0x2] =	wrdreg s2  }
0xa9: {  	[dreg:$0x3] =	wrdreg s4  }
0xaa: {  	[dreg:$0x4] =	wrdreg $0xC0  }
0xab: {  	_ =	task [dreg:s6], $0x5FFFF  }
0xac: {  	[dreg:$0x1] =	wrdreg $0xFFFFFFFF  }
0xad: {  	[dreg:$0x0] =	wrdreg $0x60  }
0xae: {  	[dreg:$0x2] =	wrdreg s24  }
0xaf: {  	[dreg:$0x3] =	wrdreg $0x89000  }
0xb0: {  	[dreg:$0x4] =	wrdreg $0x9  }
0xb1: {  	_ =	task.clear_ibuf [dreg:s6], $0x5FFFF;
	_ =	strace $0x90000046  }
0xb2: {  	s29 =	simm.s32 $0x9;
	_ =	strace $0x80000048  }
0xb3: {  	_ =	swait.ge [sflag:s29], $0x1  }
0xb4: {  	[sflag:s29] =	ssyncadd.s32 $0xFFFFFFFF  }
0xb5: {  	_ =	strace $0x90000048  }
0xb6: {  	_ =	sfence  }
0xb7: {  	s30 =	sld [smem:$0x0];
	_ =	sdelay $0x2  }
0xb8: {  	s31 =	sshll.u32 s1, $0xD;
	s1 =	sshrl.u32 s1, $0x2  }
0xb9: {  	s3 =	sand.u32 $0x4000, s31;
	s1 =	sadd.s32 s1, s30  }
0xba: {  	s0 =	sor.u32 s3, s0;
	s1 =	sshll.u32 s1, $0x11  }
0xbb: {  	s0 =	sor.u32 s1, s0  }
0xbc: {  	s0 =	sadd.s32 $0x8F2B, s0  }
0xbd: {  	[sflag:s0] =	ssyncadd.remote.s32 $0x1  }
0xbe: {  	_ =	sfence.sel $0xFFFF  }
0xbf: {  	[dreg:$0x0] =	wrdreg $0xFFFFFFFF;
	(pc) =	sbr.abs _section_cstart, $3  }
0xc0: {  	[dreg:$0x1] =	wrdreg $0xFFFFFFFF  }
0xc1: {  	_ =	task.clear_ibuf [dreg:s6], $0x2FFFF;
	_ =	strace $0x9FFFFFFF  }
0xc2: {  	(tm) =	ssettm $0x7FFFFFFF  }
0xc3: {  	_ =	shalt  }
tec
execute0_lowered:
.L_overlay_start_1:
0x0: {  	(tag) =	ssettag $0x1  }
0x1: {  	s4 =	rddreg [dreg:$0x0]  }
0x2: {  	s2 =	rddreg [dreg:$0x1]  }
0x3: {  	s1 =	srdreg.scid;
	s0 =	rddreg [dreg:$0x2]  }
0x4: {  	s3 =	simm.s32 $0x0;
	s17 =	simm.s32 $0x1;
	s18 =	simm.s32 $0x6900  }
0x5: {  	s19 =	simm.s32 $0x80;
	s20 =	simm.s32 $0x2800;
	s21 =	simm.s32 $0x2900  }
0x6: {  	s22 =	simm.s32 $0x2;
	s5 =	sand.u32 $0x1, s1;
	s1 =	stileid.u32  }
0x7: {  	s23 =	simm.s32 $0x2880;
	[smem:$0x7FF] =	sst s3;
	s7 =	smul.u32 $0x140000, s5  }
0x8: {  	s6 =	sshll.u32 s5, $0x4;
	s8 =	smul.u32 $0x14000, s1;
	_ =	strace $0x80000047  }
0x9: {  	s30 =	smul.u32 $0x50000, s1;
	s5 =	ssub.s32 $0x2, s5;
	s6 =	sor.u32 s1, s6  }
0xa: {  	s31 =	sshrl.u32 s5, $0x1;
	s6 =	smul.u32 $0x500, s6;
	s7 =	sadd.s32 s8, s7  }
0xb: {  	s8 =	sshrl.u32 s30, $0x2;
	s9 =	ssub.s32 s5, s31;
	s7 =	sshrl.u32 s7, $0x3  }
0xc: {  	s5 =	sadd.s32 s8, s2;
	s6 =	sadd.s32 s6, s4;
	s7 =	sadd.s32 s7, s4  }
0xd: {  	s8 =	sadd.s32 $0x2000, s5;
	s10 =	sadd.s32 $0x6000, s5;
	s11 =	sadd.s32 $0x8000, s5  }
0xe: {  	s12 =	sadd.s32 $0xA000, s5;
	s13 =	sadd.s32 $0xC000, s5;
	s14 =	sadd.s32 $0xE000, s5  }
0xf: {  	s15 =	sadd.s32 $0x10000, s5;
	s16 =	sadd.s32 $0x12000, s5;
	s4 =	sadd.s32 $0x2200, s6  }
0x10: {  	v0 =	vimm.f32 $1.000000000e+00;
	v1 =	vimm.f32 $0.0e+00;
	s6 =	sadd.s32 $0xC200, s7;
	s7 =	smax.u32 s9, $0x1;
	s9 =	sadd.s32 $0x4000, s5  }
.LBB2_1:
0x11: {  	s24 =	simm.s32 $0x0;
	s25 =	simm.s32 $0x200  }
.LBB2_2:
0x12: {  	p0 =	sne.s32 s25, $0xFE00;
	[tilespmem:s24+$0x2970] =	vst v0  }
0x13: {  	[tilespmem:s24+$0x2900] =	vst v0  }
0x14: {  	[tilespmem:s24+$0x2910] =	vst v0  }
.Ltmp0:
0x15: {  	[tilespmem:s24+$0x2920] =	vst v0;
	(pc) =	sbr.rel @p0 .LBB2_2-.Ltmp0, $4  }
0x16: {  	[tilespmem:s24+$0x2930] =	vst v0  }
0x17: {  	[tilespmem:s24+$0x2940] =	vst v0  }
0x18: {  	[tilespmem:s24+$0x2950] =	vst v0  }
0x19: {  	[tilespmem:s24+$0x2960] =	vst v0;
	s24 =	sshra.s32 s25, $0x2;
	s25 =	sadd.s32 $0x200, s25  }
0x1a: {  	[tilespmem:s24+$0x2970] =	vst v0  }
0x1b: {  	[tilespmem:s24+$0x2900] =	vst v0  }
0x1c: {  	[tilespmem:s24+$0x2910] =	vst v0  }
0x1d: {  	[tilespmem:s24+$0x2920] =	vst v0  }
0x1e: {  	[tilespmem:s24+$0x2930] =	vst v0  }
0x1f: {  	[tilespmem:s24+$0x2940] =	vst v0  }
0x20: {  	[tilespmem:s24+$0x2950] =	vst v0  }
0x21: {  	[tilespmem:s24+$0x2960] =	vst v0;
	s24 =	simm.s32 $0x0;
	s25 =	simm.s32 $0x200  }
.LBB2_4:
0x22: {  	p0 =	sne.s32 s25, $0x7E00;
	[tilespmem:s24+$0x6970] =	vst v1  }
0x23: {  	[tilespmem:s24+$0x6900] =	vst v1  }
0x24: {  	[tilespmem:s24+$0x6910] =	vst v1  }
.Ltmp1:
0x25: {  	[tilespmem:s24+$0x6920] =	vst v1;
	(pc) =	sbr.rel @p0 .LBB2_4-.Ltmp1, $4  }
0x26: {  	[tilespmem:s24+$0x6930] =	vst v1  }
0x27: {  	[tilespmem:s24+$0x6940] =	vst v1  }
0x28: {  	[tilespmem:s24+$0x6950] =	vst v1  }
0x29: {  	[tilespmem:s24+$0x6960] =	vst v1;
	s24 =	sshra.s32 s25, $0x2;
	s25 =	sadd.s32 $0x200, s25  }
0x2a: {  	[tilespmem:s24+$0x6970] =	vst v1  }
0x2b: {  	[tilespmem:s24+$0x6900] =	vst v1  }
0x2c: {  	[tilespmem:s24+$0x6910] =	vst v1  }
0x2d: {  	[tilespmem:s24+$0x6920] =	vst v1  }
0x2e: {  	[tilespmem:s24+$0x6930] =	vst v1  }
0x2f: {  	[tilespmem:s24+$0x6940] =	vst v1  }
0x30: {  	[tilespmem:s24+$0x6950] =	vst v1  }
0x31: {  	[tilespmem:s24+$0x6960] =	vst v1;
	s30 =	simm.s32 $0x0  }
0x32: {  	[tilespmem:s30], [sflag:$0x1] =	stream.linear.gather [hbm4b:s4+s30], $0x2780, $0x38;
	[tilespmem:$0x1C900] =	vst v63  }
0x33: {  	_ =	swait.ge [sflag:s17], $0x2780  }
0x34: {  	[sflag:s17] =	ssyncset.done $0x0  }
0x35: {  	[sflag:s17] =	ssyncadd.s32 $0xFFFFD880  }
0x36: {  	[spmem:s5] =	stream.linear.scatter [tilespmem:s18], [sflag:$0x1], $0x2000, $0x38;
	[tilespmem:$0x1C900] =	vst v63  }
0x37: {  	_ =	swait.ge [sflag:s17], $0x2000  }
0x38: {  	[sflag:s17] =	ssyncset.done $0x0  }
0x39: {  	[sflag:s17] =	ssyncadd.s32 $0xFFFFE000  }
0x3a: {  	[spmem:s8] =	stream.linear.scatter [tilespmem:s18], [sflag:$0x1], $0x2000, $0x38;
	[tilespmem:$0x1C900] =	vst v63  }
0x3b: {  	_ =	swait.ge [sflag:s17], $0x2000  }
0x3c: {  	[sflag:s17] =	ssyncset.done $0x0  }
0x3d: {  	[sflag:s17] =	ssyncadd.s32 $0xFFFFE000  }
0x3e: {  	[spmem:s9] =	stream.linear.scatter [tilespmem:s18], [sflag:$0x1], $0x2000, $0x38;
	[tilespmem:$0x1C900] =	vst v63  }
0x3f: {  	_ =	swait.ge [sflag:s17], $0x2000  }
0x40: {  	[sflag:s17] =	ssyncset.done $0x0  }
0x41: {  	[sflag:s17] =	ssyncadd.s32 $0xFFFFE000  }
0x42: {  	[spmem:s10] =	stream.linear.scatter [tilespmem:s18], [sflag:$0x1], $0x2000, $0x38;
	[tilespmem:$0x1C900] =	vst v63  }
0x43: {  	_ =	swait.ge [sflag:s17], $0x2000  }
0x44: {  	[sflag:s17] =	ssyncset.done $0x0  }
0x45: {  	[sflag:s17] =	ssyncadd.s32 $0xFFFFE000  }
0x46: {  	[spmem:s11] =	stream.linear.scatter [tilespmem:s18], [sflag:$0x1], $0x2000, $0x38;
	[tilespmem:$0x1C900] =	vst v63  }
0x47: {  	_ =	swait.ge [sflag:s17], $0x2000  }
0x48: {  	[sflag:s17] =	ssyncset.done $0x0  }
0x49: {  	[sflag:s17] =	ssyncadd.s32 $0xFFFFE000  }
0x4a: {  	[spmem:s12] =	stream.linear.scatter [tilespmem:s18], [sflag:$0x1], $0x2000, $0x38;
	[tilespmem:$0x1C900] =	vst v63  }
0x4b: {  	_ =	swait.ge [sflag:s17], $0x2000  }
0x4c: {  	[sflag:s17] =	ssyncset.done $0x0  }
0x4d: {  	[sflag:s17] =	ssyncadd.s32 $0xFFFFE000  }
0x4e: {  	[spmem:s13] =	stream.linear.scatter [tilespmem:s18], [sflag:$0x1], $0x2000, $0x38;
	[tilespmem:$0x1C900] =	vst v63  }
0x4f: {  	_ =	swait.ge [sflag:s17], $0x2000  }
0x50: {  	[sflag:s17] =	ssyncset.done $0x0  }
0x51: {  	[sflag:s17] =	ssyncadd.s32 $0xFFFFE000  }
0x52: {  	[spmem:s14] =	stream.linear.scatter [tilespmem:s18], [sflag:$0x1], $0x2000, $0x38;
	[tilespmem:$0x1C900] =	vst v63  }
0x53: {  	_ =	swait.ge [sflag:s17], $0x2000  }
0x54: {  	[sflag:s17] =	ssyncset.done $0x0  }
0x55: {  	[sflag:s17] =	ssyncadd.s32 $0xFFFFE000  }
0x56: {  	[spmem:s15] =	stream.linear.scatter [tilespmem:s18], [sflag:$0x1], $0x2000, $0x38;
	[tilespmem:$0x1C900] =	vst v63  }
0x57: {  	_ =	swait.ge [sflag:s17], $0x2000  }
0x58: {  	[sflag:s17] =	ssyncset.done $0x0  }
0x59: {  	[sflag:s17] =	ssyncadd.s32 $0xFFFFE000  }
0x5a: {  	[spmem:s16] =	stream.linear.scatter [tilespmem:s18], [sflag:$0x1], $0x2000, $0x38;
	[tilespmem:$0x1C900] =	vst v63  }
0x5b: {  	_ =	swait.ge [sflag:s17], $0x2000  }
0x5c: {  	[sflag:s17] =	ssyncset.done $0x0  }
0x5d: {  	[sflag:s17] =	ssyncadd.s32 $0xFFFFE000  }
0x5e: {  	v2 =	vld [tilespmem:$0x0]  }
0x5f: {  	v3 =	vld [tilespmem:$0x10]  }
0x60: {  	v4 =	vld [tilespmem:$0x20]  }
0x61: {  	v5 =	vld [tilespmem:$0x30]  }
0x62: {  	v6 =	vld [tilespmem:$0x40]  }
0x63: {  	v63 =	vld [tilespmem:$0x70];
	[tilespmem:$0x2800] =	vst v2  }
0x64: {  	v2 =	vld [tilespmem:$0x50];
	[tilespmem:$0x2810] =	vst v3  }
0x65: {  	v3 =	vld [tilespmem:$0x60];
	[tilespmem:$0x2820] =	vst v4  }
0x66: {  	[tilespmem:$0x2830] =	vst v5  }
0x67: {  	[tilespmem:$0x2840] =	vst v6  }
0x68: {  	[tilespmem:$0x2870] =	vst v63  }
0x69: {  	[tilespmem:$0x2850] =	vst v2  }
0x6a: {  	[tilespmem:$0x2860] =	vst v3  }
0x6b: {  	s31 =	simm.s32 $0x0;
	[bflag:$0x0] =	sbarrier.arrive $0xFFFF  }
0x6c: {  	v2 =	vld [tilespmem:s31+$0x80];
	_ =	sdelay $0x4  }
0x6d: {  	[tilespmem:$0x2880] =	vst v2  }
0x6e: {  	v2 =	vld [tilespmem:s31+$0x90];
	_ =	sdelay $0x4  }
0x6f: {  	[tilespmem:$0x2890] =	vst v2  }
0x70: {  	v2 =	vld [tilespmem:s31+$0xA0];
	_ =	sdelay $0x4  }
0x71: {  	[tilespmem:$0x28A0] =	vst v2  }
0x72: {  	v2 =	vld [tilespmem:s31+$0xB0];
	_ =	sdelay $0x4  }
0x73: {  	[tilespmem:$0x28B0] =	vst v2  }
0x74: {  	v2 =	vld [tilespmem:s31+$0xC0];
	_ =	sdelay $0x4  }
0x75: {  	[tilespmem:$0x28C0] =	vst v2  }
0x76: {  	v2 =	vld [tilespmem:s31+$0xD0];
	_ =	sdelay $0x4  }
0x77: {  	[tilespmem:$0x28D0] =	vst v2  }
0x78: {  	v2 =	vld [tilespmem:s31+$0xE0];
	_ =	sdelay $0x4  }
0x79: {  	[tilespmem:$0x28E0] =	vst v2  }
0x7a: {  	v2 =	vld [tilespmem:s31+$0xF0];
	_ =	sdelay $0x4  }
0x7b: {  	[tilespmem:$0x28F0] =	vst v2  }
0x7c: {  	[spmem:s2] =	stream.indirect.scatter.add.f32 [tilespmem:s21], [sflag:$0x2], $0x80, s20, s19, $0xb8;
	[tilespmem:$0x1C900] =	vst v63  }
0x7d: {  	_ =	swait.ge [sflag:s22], $0x4000  }
0x7e: {  	[sflag:s22] =	ssyncset.done $0x0  }
0x7f: {  	[sflag:s22] =	ssyncadd.s32 $0xFFFFC000  }
0x80: {  	v2 =	vld [tilespmem:s31+$0x100];
	_ =	sdelay $0x4  }
0x81: {  	[tilespmem:$0x2800] =	vst v2  }
0x82: {  	v2 =	vld [tilespmem:s31+$0x110];
	_ =	sdelay $0x4  }
0x83: {  	[tilespmem:$0x2810] =	vst v2  }
0x84: {  	v2 =	vld [tilespmem:s31+$0x120];
	_ =	sdelay $0x4  }
0x85: {  	[tilespmem:$0x2820] =	vst v2  }
0x86: {  	v2 =	vld [tilespmem:s31+$0x130];
	_ =	sdelay $0x4  }
0x87: {  	[tilespmem:$0x2830] =	vst v2  }
0x88: {  	v2 =	vld [tilespmem:s31+$0x140];
	_ =	sdelay $0x4  }
0x89: {  	[tilespmem:$0x2840] =	vst v2  }
0x8a: {  	v2 =	vld [tilespmem:s31+$0x150];
	_ =	sdelay $0x4  }
0x8b: {  	[tilespmem:$0x2850] =	vst v2  }
0x8c: {  	v2 =	vld [tilespmem:s31+$0x160];
	_ =	sdelay $0x4  }
0x8d: {  	[tilespmem:$0x2860] =	vst v2  }
0x8e: {  	v2 =	vld [tilespmem:s31+$0x170];
	_ =	sdelay $0x4  }
0x8f: {  	[tilespmem:$0x2870] =	vst v2  }
0x90: {  	[spmem:s2] =	stream.indirect.scatter.add.f32 [tilespmem:s21], [sflag:$0x1], $0x80, s23, s19, $0xb8;
	[tilespmem:$0x1C900] =	vst v63  }
0x91: {  	_ =	swait.ge [sflag:s17], $0x4000  }
0x92: {  	s24 =	simm.s32 $0x400;
	s28 =	simm.s32 $0x800;
	[sflag:s17] =	ssyncset.done $0x0  }
.LBB2_6:
0x93: {  	s26 =	sshra.s32 s24, $0x2  }
0x94: {  	[sflag:s17] =	ssyncadd.s32 $0xFFFFC000;
	s24 =	smov.u32 s28;
	s25 =	sadd.s32 $0x400, s28  }
0x95: {  	p0 =	sne.s32 s28, $0x9800;
	v2 =	vld [tilespmem:s26+$0x80];
	_ =	sdelay $0x4  }
0x96: {  	[tilespmem:$0x2880] =	vst v2  }
0x97: {  	v2 =	vld [tilespmem:s26+$0x90];
	_ =	sdelay $0x4  }
0x98: {  	[tilespmem:$0x2890] =	vst v2  }
0x99: {  	v2 =	vld [tilespmem:s26+$0xA0];
	_ =	sdelay $0x4  }
0x9a: {  	[tilespmem:$0x28A0] =	vst v2  }
0x9b: {  	v2 =	vld [tilespmem:s26+$0xB0];
	_ =	sdelay $0x4  }
0x9c: {  	[tilespmem:$0x28B0] =	vst v2  }
0x9d: {  	v2 =	vld [tilespmem:s26+$0xC0];
	_ =	sdelay $0x4  }
0x9e: {  	[tilespmem:$0x28C0] =	vst v2  }
0x9f: {  	v2 =	vld [tilespmem:s26+$0xD0];
	_ =	sdelay $0x4  }
0xa0: {  	[tilespmem:$0x28D0] =	vst v2  }
0xa1: {  	v2 =	vld [tilespmem:s26+$0xE0];
	_ =	sdelay $0x4  }
0xa2: {  	[tilespmem:$0x28E0] =	vst v2  }
0xa3: {  	v2 =	vld [tilespmem:s26+$0xF0];
	_ =	sdelay $0x4  }
0xa4: {  	[tilespmem:$0x28F0] =	vst v2  }
0xa5: {  	[spmem:s2] =	stream.indirect.scatter.add.f32 [tilespmem:s21], [sflag:$0x2], $0x80, s20, s19, $0xb8;
	[tilespmem:$0x1C900] =	vst v63  }
0xa6: {  	_ =	swait.ge [sflag:s22], $0x4000  }
0xa7: {  	[sflag:s22] =	ssyncset.done $0x0  }
0xa8: {  	[sflag:s22] =	ssyncadd.s32 $0xFFFFC000  }
0xa9: {  	v2 =	vld [tilespmem:s26+$0x100];
	_ =	sdelay $0x4  }
0xaa: {  	[tilespmem:$0x2800] =	vst v2  }
0xab: {  	v2 =	vld [tilespmem:s26+$0x110];
	_ =	sdelay $0x4  }
0xac: {  	[tilespmem:$0x2810] =	vst v2  }
0xad: {  	v2 =	vld [tilespmem:s26+$0x120];
	_ =	sdelay $0x4  }
0xae: {  	[tilespmem:$0x2820] =	vst v2  }
0xaf: {  	v2 =	vld [tilespmem:s26+$0x130];
	_ =	sdelay $0x4  }
0xb0: {  	[tilespmem:$0x2830] =	vst v2  }
0xb1: {  	v2 =	vld [tilespmem:s26+$0x140];
	_ =	sdelay $0x4  }
0xb2: {  	[tilespmem:$0x2840] =	vst v2  }
0xb3: {  	v2 =	vld [tilespmem:s26+$0x150];
	_ =	sdelay $0x4  }
0xb4: {  	[tilespmem:$0x2850] =	vst v2  }
0xb5: {  	v2 =	vld [tilespmem:s26+$0x160];
	_ =	sdelay $0x4  }
0xb6: {  	[tilespmem:$0x2860] =	vst v2  }
0xb7: {  	v2 =	vld [tilespmem:s26+$0x170];
	_ =	sdelay $0x3  }
.Ltmp2:
0xb8: {  	(pc) =	sbr.rel @p0 .LBB2_6-.Ltmp2, $4  }
0xb9: {  	[tilespmem:$0x2870] =	vst v2  }
0xba: {  	[spmem:s2] =	stream.indirect.scatter.add.f32 [tilespmem:s21], [sflag:$0x1], $0x80, s23, s19, $0xb8;
	[tilespmem:$0x1C900] =	vst v63  }
0xbb: {  	_ =	swait.ge [sflag:s17], $0x4000  }
0xbc: {  	s28 =	smov.u32 s25;
	[sflag:s17] =	ssyncset.done $0x0  }
0xbd: {  	s24 =	sshra.s32 s24, $0x2;
	[sflag:s17] =	ssyncadd.s32 $0xFFFFC000  }
0xbe: {  	v2 =	vld [tilespmem:s24+$0x80];
	_ =	sdelay $0x4  }
0xbf: {  	[tilespmem:$0x2880] =	vst v2  }
0xc0: {  	v2 =	vld [tilespmem:s24+$0x90];
	_ =	sdelay $0x4  }
0xc1: {  	[tilespmem:$0x2890] =	vst v2  }
0xc2: {  	v2 =	vld [tilespmem:s24+$0xA0];
	_ =	sdelay $0x4  }
0xc3: {  	[tilespmem:$0x28A0] =	vst v2  }
0xc4: {  	v2 =	vld [tilespmem:s24+$0xB0];
	_ =	sdelay $0x4  }
0xc5: {  	[tilespmem:$0x28B0] =	vst v2  }
0xc6: {  	v2 =	vld [tilespmem:s24+$0xC0];
	_ =	sdelay $0x4  }
0xc7: {  	[tilespmem:$0x28C0] =	vst v2  }
0xc8: {  	v2 =	vld [tilespmem:s24+$0xD0];
	_ =	sdelay $0x4  }
0xc9: {  	[tilespmem:$0x28D0] =	vst v2  }
0xca: {  	v2 =	vld [tilespmem:s24+$0xE0];
	_ =	sdelay $0x4  }
0xcb: {  	[tilespmem:$0x28E0] =	vst v2  }
0xcc: {  	v2 =	vld [tilespmem:s24+$0xF0];
	_ =	sdelay $0x4  }
0xcd: {  	[tilespmem:$0x28F0] =	vst v2  }
0xce: {  	[spmem:s2] =	stream.indirect.scatter.add.f32 [tilespmem:s21], [sflag:$0x2], $0x80, s20, s19, $0xb8;
	[tilespmem:$0x1C900] =	vst v63  }
0xcf: {  	_ =	swait.ge [sflag:s22], $0x4000  }
0xd0: {  	[sflag:s22] =	ssyncset.done $0x0  }
0xd1: {  	[sflag:s22] =	ssyncadd.s32 $0xFFFFC000  }
0xd2: {  	v2 =	vld [tilespmem:s24+$0x100];
	_ =	sdelay $0x4  }
0xd3: {  	[tilespmem:$0x2800] =	vst v2  }
0xd4: {  	v2 =	vld [tilespmem:s24+$0x110];
	_ =	sdelay $0x4  }
0xd5: {  	[tilespmem:$0x2810] =	vst v2  }
0xd6: {  	v2 =	vld [tilespmem:s24+$0x120];
	_ =	sdelay $0x4  }
0xd7: {  	[tilespmem:$0x2820] =	vst v2  }
0xd8: {  	v2 =	vld [tilespmem:s24+$0x130];
	_ =	sdelay $0x4  }
0xd9: {  	[tilespmem:$0x2830] =	vst v2  }
0xda: {  	v2 =	vld [tilespmem:s24+$0x140];
	_ =	sdelay $0x4  }
0xdb: {  	[tilespmem:$0x2840] =	vst v2  }
0xdc: {  	v2 =	vld [tilespmem:s24+$0x150];
	_ =	sdelay $0x4  }
0xdd: {  	[tilespmem:$0x2850] =	vst v2  }
0xde: {  	v2 =	vld [tilespmem:s24+$0x160];
	_ =	sdelay $0x4  }
0xdf: {  	[tilespmem:$0x2860] =	vst v2  }
0xe0: {  	v2 =	vld [tilespmem:s24+$0x170];
	_ =	sdelay $0x4  }
0xe1: {  	[tilespmem:$0x2870] =	vst v2  }
0xe2: {  	[spmem:s2] =	stream.indirect.scatter.add.f32 [tilespmem:s21], [sflag:$0x1], $0x80, s23, s19, $0xb8;
	[tilespmem:$0x1C900] =	vst v63  }
0xe3: {  	_ =	swait.ge [sflag:s17], $0x4000  }
0xe4: {  	[sflag:s17] =	ssyncset.done $0x0  }
0xe5: {  	[sflag:s17] =	ssyncadd.s32 $0xFFFFC000  }
0xe6: {  	v2 =	vld [tilespmem:$0x2780]  }
0xe7: {  	v3 =	vld [tilespmem:$0x2790]  }
0xe8: {  	v4 =	vld [tilespmem:$0x27A0]  }
0xe9: {  	v5 =	vld [tilespmem:$0x27B0]  }
0xea: {  	v6 =	vld [tilespmem:$0x27C0]  }
0xeb: {  	v63 =	vld [tilespmem:$0x27F0];
	[tilespmem:$0x2880] =	vst v2  }
0xec: {  	v2 =	vld [tilespmem:$0x27D0];
	[tilespmem:$0x2890] =	vst v3  }
0xed: {  	v3 =	vld [tilespmem:$0x27E0];
	[tilespmem:$0x28A0] =	vst v4  }
0xee: {  	[tilespmem:$0x28B0] =	vst v5  }
0xef: {  	[tilespmem:$0x28C0] =	vst v6  }
0xf0: {  	[tilespmem:$0x28F0] =	vst v63  }
0xf1: {  	[tilespmem:$0x28D0] =	vst v2  }
0xf2: {  	[tilespmem:$0x28E0] =	vst v3  }
0xf3: {  	[spmem:s2] =	stream.indirect.scatter.add.f32 [tilespmem:s21], [sflag:$0x2], $0x80, s20, s19, $0xb8;
	[tilespmem:$0x1C900] =	vst v63  }
0xf4: {  	_ =	swait.ge [sflag:s22], $0x4000  }
0xf5: {  	s31 =	sshll.u32 s1, $0x6;
	s3 =	sadd.s32 $0x1, s3;
	[sflag:s22] =	ssyncset.done $0x0  }
0xf6: {  	s25 =	sshrl.u32 s5, $0x3;
	p0 =	sne.s32 s3, s7;
	[sflag:s22] =	ssyncadd.s32 $0xFFFFC000  }
.Ltmp3:
0xf7: {  	s24 =	sor.u32 $0x1C01, s31;
	[bflag:$0x0] =	sbarrier.arrive $0xFFFF;
	(pc) =	sbr.rel @p0 .LBB2_1-.Ltmp3, $4  }
0xf8: {  	[hbm:s6], [sflag:s24] =	dma.local [spmem:s25], $0x2800  }
0xf9: {  	_ =	swait.ge [sflag:s17], $0x2800  }
0xfa: {  	[sflag:s17] =	ssyncset.done $0x0  }
0xfb: {  	[sflag:s17] =	ssyncadd.s32 $0xFFFFD800  }
0xfc: {  	_ =	sfence.sel $0x180000  }
0xfd: {  	[bflag:$0x0] =	sbarrier.arrive $0xFFFF  }
0xfe: {  	p0 =	sne.s32 s1, $0x0;
	_ =	strace $0x90000047  }
0xff: {  	s0 =	sadd.s32 @!p0 $0x100000, s0;
	[bflag:$0x2] =	sbarrier.arrive $0xFFFF  }
0x100: {  	[sflag:s0] =	ssyncadd.tile.s32 @!p0 $0x1;
	_ =	shalt  }
.Lfunc_end2:
_tile_overlayer_lowered:
.L_overlay_start_2:
0x101: {  	(tag) =	ssettag $0x2  }
0x102: {  	s0 =	rddreg [dreg:$0x0];
	s2 =	stileid.u32  }
0x103: {  	s1 =	rddreg [dreg:$0x1];
	p0 =	sne.s32 s2, $0x0  }
0x104: {  	s3 =	rddreg [dreg:$0x2];
	[bflag:$0x3] =	sbarrier.arrive $0xFFFF;
	s2 =	simm.s32 @!p0 $0x1C01  }
0x105: {  	[timem:s3], [sflag:s2] =	dma.local @!p0 [hbm:s0], s1  }
0x106: {  	s0 =	simm.s32 @!p0 $0x1  }
0x107: {  	_ =	swait.ge @!p0 [sflag:s0], s1  }
0x108: {  	s1 =	ssub.s32 @!p0 $0x0, s1;
	[sflag:s0] =	ssyncset.done @!p0 $0x0  }
0x109: {  	[sflag:s0] =	ssyncadd.s32 @!p0 s1  }
0x10a: {  	[bflag:$0x3] =	sbarrier.arrive $0xFFFF  }
0x10b: {  	_ =	shalt  }

</sc_bundles>
